<compile_context>
chip_gen: v7x
topology: tpu7x:2x2x1
jax: 0.10.2.dev20260603
libtpu: 0.0.44.dev20260713+nightly
codegen_flags: <defaults>
</compile_context>

<pallas_src>
import jax
import jax.numpy as jnp
from jax import lax
from jax.experimental import pallas as pl
from jax.experimental.pallas import tpu as pltpu
from jax.experimental.pallas import tpu_sc as plsc

N_NODES = 10000
D = 128
E = 320000
N_PAD = 10240
EPW = E // 16
CHUNK = 128
CHUNKS_C0 = 93
CHUNKS_C1 = 63
C1_OFF = CHUNKS_C0 * CHUNK
TAIL_OFF = C1_OFF + CHUNKS_C1 * CHUNK
TAIL = EPW - TAIL_OFF
DUMMY_ROW = N_PAD - 1
ROWS_PER_SUB = N_PAD // 16


def _make_sc_agg(with_counts):
    mesh = plsc.VectorSubcoreMesh(core_axis_name="c", subcore_axis_name="s")
    out_type = [jax.ShapeDtypeStruct((2, N_PAD, D), jnp.float32)]
    scratch = [
        pltpu.VMEM((8, CHUNK), jnp.int32),
        pltpu.VMEM((8, CHUNK), jnp.int32),
        pltpu.SemaphoreType.DMA,
        pltpu.SemaphoreType.DMA,
        pltpu.VMEM((2, CHUNK), jnp.int32),
        pltpu.VMEM((CHUNK, D), jnp.float32),
        pltpu.VMEM((CHUNK, D), jnp.float32),
        pltpu.VMEM_SHARED((N_PAD, D), jnp.float32),
        pltpu.SemaphoreType.DMA,
        pltpu.SemaphoreType.DMA,
    ]
    if with_counts:
        out_type.append(jax.ShapeDtypeStruct((2, 1, N_PAD), jnp.float32))
        scratch += [
            pltpu.VMEM((CHUNK,), jnp.float32),
            pltpu.VMEM_SHARED((N_PAD,), jnp.float32),
        ]

    def body(x_hbm, src_hbm, dst_hbm, tails_hbm, z2_hbm, z1_hbm, *rest):
        if with_counts:
            (out_hbm, cnt_hbm, src_r, dst_r, sem_is, sem_id, tail_v,
             rows_a, rows_b, acc_sh, sem_a, sem_b, ones_v, cnt_sh) = rest
        else:
            (out_hbm, src_r, dst_r, sem_is, sem_id, tail_v,
             rows_a, rows_b, acc_sh, sem_a, sem_b) = rest
        c = lax.axis_index("c")
        s = lax.axis_index("s")
        row0 = s * ROWS_PER_SUB
        rows_sl = pl.ds(row0, ROWS_PER_SUB)
        base = s * EPW + c * C1_OFF
        chunks_mine = jnp.where(c == 0, CHUNKS_C0, CHUNKS_C1)
        pltpu.sync_copy(z2_hbm.at[rows_sl], acc_sh.at[rows_sl])
        if with_counts:
            pltpu.sync_copy(z1_hbm.at[rows_sl], cnt_sh.at[rows_sl])
            for i in range(CHUNK // 16):
                ones_v[pl.ds(i * 16, 16)] = jnp.ones((16,), jnp.float32)

        def idx_load(j, slot):
            sl = pl.ds(base + j * CHUNK, CHUNK)
            pltpu.make_async_copy(src_hbm.at[sl], src_r.at[slot],
                                  sem_is).start()
            pltpu.make_async_copy(dst_hbm.at[sl], dst_r.at[slot],
                                  sem_id).start()

        for t in range(8):
            idx_load(t, t)

        @pl.when(c == 1)
        def _():
            pltpu.sync_copy(tails_hbm.at[s], tail_v)
        plsc.subcore_barrier()

        def idx_wait(slot):
            pltpu.make_async_copy(src_hbm.at[pl.ds(0, CHUNK)],
                                  src_r.at[slot], sem_is).wait()
            pltpu.make_async_copy(dst_hbm.at[pl.ds(0, CHUNK)],
                                  dst_r.at[slot], sem_id).wait()

        def gather_start(sbuf, buf, sem):
            pltpu.make_async_copy(x_hbm.at[sbuf], buf, sem).start()

        def gather_wait(sbuf, buf, sem):
            pltpu.make_async_copy(x_hbm.at[sbuf], buf, sem).wait()

        def scatter(j, dbuf, buf):
            pltpu.sync_copy(buf, acc_sh.at[dbuf], add=True)
            if with_counts:
                pltpu.sync_copy(ones_v, cnt_sh.at[dbuf], add=True)

            @pl.when(j + 8 < chunks_mine)
            def _():
                idx_load(j + 8, jnp.bitwise_and(j, 7))

        @pl.when(c == 1)
        def _():
            gather_start(tail_v.at[0], rows_a, sem_a)
            gather_wait(tail_v.at[0], rows_a, sem_a)
            pltpu.sync_copy(rows_a, acc_sh.at[tail_v.at[1]], add=True)
            if with_counts:
                pltpu.sync_copy(ones_v, cnt_sh.at[tail_v.at[1]], add=True)

        n_pairs = jnp.where(c == 0, (CHUNKS_C0 - 1) // 2,
                            (CHUNKS_C1 - 1) // 2)
        idx_wait(0)
        gather_start(src_r.at[0], rows_a, sem_a)

        def step(i, carry):
            j = 2 * i
            sl_a = jnp.bitwise_and(j, 7)
            sl_b = jnp.bitwise_and(j + 1, 7)
            sl_a2 = jnp.bitwise_and(j + 2, 7)
            idx_wait(sl_b)
            gather_start(src_r.at[sl_b], rows_b, sem_b)
            gather_wait(src_r.at[sl_a], rows_a, sem_a)
            scatter(j, dst_r.at[sl_a], rows_a)
            idx_wait(sl_a2)
            gather_start(src_r.at[sl_a2], rows_a, sem_a)
            gather_wait(src_r.at[sl_b], rows_b, sem_b)
            scatter(j + 1, dst_r.at[sl_b], rows_b)
            return carry

        lax.fori_loop(0, n_pairs, step, 0)
        last_sl = jnp.bitwise_and(chunks_mine - 1, 7)
        gather_wait(src_r.at[last_sl], rows_a, sem_a)
        scatter(chunks_mine - 1, dst_r.at[last_sl], rows_a)

        plsc.subcore_barrier()
        pltpu.sync_copy(acc_sh.at[rows_sl], out_hbm.at[c, rows_sl])
        if with_counts:
            pltpu.sync_copy(cnt_sh.at[rows_sl], cnt_hbm.at[c, 0, rows_sl])

    return pl.kernel(body, mesh=mesh, out_type=out_type,
                     scratch_types=scratch)


_sc_agg_counts = _make_sc_agg(True)
_sc_agg = _make_sc_agg(False)


def _make_tc_layer(relu):

    def body(p_ref, cnt_ref, x_ref, wl_ref, b_ref, wr_ref, o_ref):
        ssum = p_ref[0] + p_ref[1]
        csum = cnt_ref[0, 0] + cnt_ref[1, 0]
        inv = 1.0 / jnp.maximum(csum, 1.0)
        mean = (ssum * lax.broadcast_in_dim(inv, (N_PAD, D), (0,)))
        mean = mean[:N_NODES]
        acc = lax.dot_general(mean, wl_ref[...], (((1,), (1,)), ((), ())),
                              preferred_element_type=jnp.float32)
        acc = acc + lax.dot_general(x_ref[...], wr_ref[...],
                                    (((1,), (1,)), ((), ())),
                                    preferred_element_type=jnp.float32)
        acc = acc + b_ref[...]
        if relu:
            acc = jnp.maximum(acc, 0.0)
        o_ref[...] = acc

    return pl.pallas_call(
        body,
        out_shape=jax.ShapeDtypeStruct((N_NODES, D), jnp.float32),
    )


_tc_layer_relu = _make_tc_layer(True)
_tc_layer_lin = _make_tc_layer(False)


def kernel(x, edge_index, W1l, b1l, W1r, W2l, b2l, W2r):
    src = edge_index[0].astype(jnp.int32)
    dst = edge_index[1].astype(jnp.int32)
    tail_src = jnp.concatenate(
        [src.reshape(16, EPW)[:, TAIL_OFF:],
         jnp.zeros((16, CHUNK - TAIL), jnp.int32)], axis=1)
    tail_dst = jnp.concatenate(
        [dst.reshape(16, EPW)[:, TAIL_OFF:],
         jnp.full((16, CHUNK - TAIL), DUMMY_ROW, jnp.int32)], axis=1)
    tails = jnp.stack([tail_src, tail_dst], axis=1)

    z2 = jnp.zeros((N_PAD, D), jnp.float32)
    z1 = jnp.zeros((N_PAD,), jnp.float32)
    b1 = b1l.reshape(1, D)
    b2 = b2l.reshape(1, D)

    p1, cnt = _sc_agg_counts(x, src, dst, tails, z2, z1)
    h = _tc_layer_relu(p1, cnt, x, W1l, b1, W1r)
    (p2,) = _sc_agg(h, src, dst, tails, z2, z1)
    return _tc_layer_lin(p2, cnt, h, W2l, b2, W2r)

# --- scband reference (transcript-rebuilt; emitter-appended) ---
"""Pipeline reference for scband-graph-sage-44968307589627 (READ-ONLY COPY).

The authoritative reference and input builder live on the scoring server;
editing this copy changes nothing except your own understanding.
"""

import jax, jax.numpy as jnp
import numpy as np

N_NODES = 10000
N_EDGES = 320000
D_IN = 128
D_HID = 128
D_OUT = 128


def _glorot(key, shape):
    fan_in, fan_out = shape[1], shape[0]
    limit = np.sqrt(6.0 / (fan_in + fan_out))
    return jax.random.uniform(key, shape, dtype=jnp.float32, minval=-limit, maxval=limit)


def setup_inputs(seed: int = 0) -> dict:
    key = jax.random.key(seed)
    ks = jax.random.split(key, 9)
    x = jax.random.normal(ks[0], (N_NODES, D_IN), dtype=jnp.float32)
    edge_index = jax.random.randint(ks[1], (2, N_EDGES), 0, N_NODES, dtype=jnp.int64)
    # SAGEConv layer 1: lin_l (applied to aggregated neighbors, with bias), lin_r (root, no bias)
    W1l = _glorot(ks[2], (D_HID, D_IN))
    b1l = jnp.zeros((D_HID,), dtype=jnp.float32)
    W1r = _glorot(ks[3], (D_HID, D_IN))
    # SAGEConv layer 2
    W2l = _glorot(ks[4], (D_OUT, D_HID))
    b2l = jnp.zeros((D_OUT,), dtype=jnp.float32)
    W2r = _glorot(ks[5], (D_OUT, D_HID))
    return {"x": x, "edge_index": edge_index, "W1l": W1l, "b1l": b1l, "W1r": W1r, "W2l": W2l, "b2l": b2l, "W2r": W2r}


def _sage_conv(x, edge_index, Wl, bl, Wr):
    # mean aggregation of neighbor messages: for edge (src -> dst), gather x[src], segment-mean at dst
    src = edge_index[0]
    dst = edge_index[1]
    msgs = jnp.take(x, src, axis=0)
    summed = jax.ops.segment_sum(msgs, dst, num_segments=x.shape[0])
    counts = jax.ops.segment_sum(jnp.ones((edge_index.shape[1],), dtype=x.dtype), dst, num_segments=x.shape[0])
    mean_agg = summed / jnp.clip(counts, 1.0, None)[:, None]
    return mean_agg @ Wl.T + bl + x @ Wr.T


def reference(x, edge_index, W1l, b1l, W1r, W2l, b2l, W2r):
    h = _sage_conv(x, edge_index, W1l, b1l, W1r)
    h = jax.nn.relu(h)
    out = _sage_conv(h, edge_index, W2l, b2l, W2r)
    return out

if __name__ == "__main__":
    import jax
    _d = setup_inputs()
    print(jax.jit(kernel)(*tuple(_d.values())))

</pallas_src>

<mosaic_0001>
#map = affine_map<(d0, d1) -> (0, 0)>
#map1 = affine_map<(d0, d1) -> (0)>
#map2 = affine_map<(d0, d1) -> (0, 0, 0)>
module attributes {stable_mosaic.version = 14 : i64} {
  func.func @body(%arg0: i32, %arg1: i32, %arg2: memref<10000x128xf32, #tpu.memory_space<hbm>>, %arg3: memref<320000xi32, #tpu.memory_space<hbm>>, %arg4: memref<320000xi32, #tpu.memory_space<hbm>>, %arg5: memref<16x2x128xi32, #tpu.memory_space<hbm>>, %arg6: memref<10240x128xf32, #tpu.memory_space<hbm>>, %arg7: memref<10240xf32, #tpu.memory_space<hbm>>, %arg8: memref<2x10240x128xf32, #tpu.memory_space<hbm>>, %arg9: memref<8x128xi32, #tpu.memory_space<vmem>>, %arg10: memref<8x128xi32, #tpu.memory_space<vmem>>, %arg11: memref<!tpu.dma_semaphore, #tpu.memory_space<semaphore_mem>>, %arg12: memref<!tpu.dma_semaphore, #tpu.memory_space<semaphore_mem>>, %arg13: memref<2x128xi32, #tpu.memory_space<vmem>>, %arg14: memref<128x128xf32, #tpu.memory_space<vmem>>, %arg15: memref<128x128xf32, #tpu.memory_space<vmem>>, %arg16: memref<10240x128xf32, #tpu.memory_space<vmem_shared>>, %arg17: memref<!tpu.dma_semaphore, #tpu.memory_space<semaphore_mem>>, %arg18: memref<!tpu.dma_semaphore, #tpu.memory_space<semaphore_mem>>) attributes {dimension_semantics = [#tpu.dimension_semantics<core_parallel>, #tpu.dimension_semantics<subcore_parallel>], iteration_bounds = array<i64: 2, 16>, scalar_prefetch = 0 : i64, scratch_operands = 10 : i64, tpu.core_type = #tpu.core_type<sc_vector_subcore>, window_params = [{transform_indices = #map}, {transform_indices = #map1}, {transform_indices = #map1}, {transform_indices = #map2}, {transform_indices = #map}, {transform_indices = #map1}, {transform_indices = #map2}]} {
    %mul3A = arith.constant 640 : i32
    %mul3A_0 = arith.muli %arg1, %mul3A : i32
    %mul3A_1 = arith.constant 20000 : i32
    %mul3A_2 = arith.muli %arg1, %mul3A_1 : i32
    %mul3A_3 = arith.constant 11904 : i32
    %mul3A_4 = arith.muli %arg0, %mul3A_3 : i32
    %add3A = arith.addi %mul3A_2, %mul3A_4 : i32
    %eq3A = arith.constant 0 : i32
    %eq3A_5 = arith.cmpi eq, %arg0, %eq3A : i32
    %jit3A = arith.constant 93 : i32
    %jit3A_6 = arith.constant 63 : i32
    %select_n3A = arith.select %eq3A_5, %jit3A, %jit3A_6 : i32
    "tpu.region"() ({
      %run_scoped3A = tpu.sem_alloc : memref<!tpu.dma_semaphore, #tpu.memory_space<semaphore_mem>>
      %dma_start3A_232 = arith.constant 0 : i32
      %dma_start3A_233 = tpu.memref_slice %arg16[%mul3A_0, %dma_start3A_232] : memref<10240x128xf32, #tpu.memory_space<vmem_shared>> -> memref<640x128xf32, #tpu.memory_space<vmem_shared>>
      %dma_start3A_234 = arith.constant 0 : i32
      %dma_start3A_235 = tpu.memref_slice %arg6[%mul3A_0, %dma_start3A_234] : memref<10240x128xf32, #tpu.memory_space<hbm>> -> memref<640x128xf32, #tpu.memory_space<hbm>>
      tpu.enqueue_dma source(%dma_start3A_235 : memref<640x128xf32, #tpu.memory_space<hbm>>) target(%dma_start3A_233 : memref<640x128xf32, #tpu.memory_space<vmem_shared>>) target_semaphore(%run_scoped3A : memref<!tpu.dma_semaphore, #tpu.memory_space<semaphore_mem>>)
      %dma_wait3A_236 = arith.constant 0 : i32
      %dma_wait3A_237 = tpu.memref_slice %arg16[%mul3A_0, %dma_wait3A_236] : memref<10240x128xf32, #tpu.memory_space<vmem_shared>> -> memref<640x128xf32, #tpu.memory_space<vmem_shared>>
      %dma_wait3A_238 = arith.constant 0 : i32
      %dma_wait3A_239 = tpu.memref_slice %arg6[%mul3A_0, %dma_wait3A_238] : memref<10240x128xf32, #tpu.memory_space<hbm>> -> memref<640x128xf32, #tpu.memory_space<hbm>>
      tpu.wait_dma2 semaphore(%run_scoped3A : memref<!tpu.dma_semaphore, #tpu.memory_space<semaphore_mem>>) src(%dma_wait3A_239 : memref<640x128xf32, #tpu.memory_space<hbm>>) dst(%dma_wait3A_237 : memref<640x128xf32, #tpu.memory_space<vmem_shared>>)
      tpu.yield
    }) : () -> ()
    %add3A_7 = arith.constant 0 : i32
    %add3A_8 = arith.addi %add3A, %add3A_7 : i32
    %dma_start3A = arith.constant 0 : i32
    %dma_start3A_9 = arith.constant 0 : i32
    %dma_start3A_10 = tpu.memref_slice %arg9[%dma_start3A, %dma_start3A_9] : memref<8x128xi32, #tpu.memory_space<vmem>> -> memref<1x128xi32, #tpu.memory_space<vmem>>
    %dma_start3A_11 = tpu.memref_squeeze %dma_start3A_10 : memref<1x128xi32, #tpu.memory_space<vmem>> -> memref<128xi32, #tpu.memory_space<vmem>>
    %dma_start3A_12 = tpu.memref_slice %arg3[%add3A_8] : memref<320000xi32, #tpu.memory_space<hbm>> -> memref<128xi32, #tpu.memory_space<hbm>>
    %dma_start3A_13 = arith.constant 0 : i32
    %dma_start3A_14 = tpu.memref_slice %arg9[%dma_start3A, %dma_start3A_13] : memref<8x128xi32, #tpu.memory_space<vmem>> -> memref<1x128xi32, #tpu.memory_space<vmem>>
    %dma_start3A_15 = tpu.memref_squeeze %dma_start3A_14 : memref<1x128xi32, #tpu.memory_space<vmem>> -> memref<128xi32, #tpu.memory_space<vmem>>
    %dma_start3A_16 = tpu.memref_slice %arg3[%add3A_8] : memref<320000xi32, #tpu.memory_space<hbm>> -> memref<128xi32, #tpu.memory_space<hbm>>
    tpu.enqueue_dma source(%dma_start3A_16 : memref<128xi32, #tpu.memory_space<hbm>>) target(%dma_start3A_15 : memref<128xi32, #tpu.memory_space<vmem>>) target_semaphore(%arg11 : memref<!tpu.dma_semaphore, #tpu.memory_space<semaphore_mem>>)
    %dma_start3A_17 = arith.constant 0 : i32
    %dma_start3A_18 = arith.constant 0 : i32
    %dma_start3A_19 = tpu.memref_slice %arg10[%dma_start3A_17, %dma_start3A_18] : memref<8x128xi32, #tpu.memory_space<vmem>> -> memref<1x128xi32, #tpu.memory_space<vmem>>
    %dma_start3A_20 = tpu.memref_squeeze %dma_start3A_19 : memref<1x128xi32, #tpu.memory_space<vmem>> -> memref<128xi32, #tpu.memory_space<vmem>>
    %dma_start3A_21 = tpu.memref_slice %arg4[%add3A_8] : memref<320000xi32, #tpu.memory_space<hbm>> -> memref<128xi32, #tpu.memory_space<hbm>>
    %dma_start3A_22 = arith.constant 0 : i32
    %dma_start3A_23 = tpu.memref_slice %arg10[%dma_start3A_17, %dma_start3A_22] : memref<8x128xi32, #tpu.memory_space<vmem>> -> memref<1x128xi32, #tpu.memory_space<vmem>>
    %dma_start3A_24 = tpu.memref_squeeze %dma_start3A_23 : memref<1x128xi32, #tpu.memory_space<vmem>> -> memref<128xi32, #tpu.memory_space<vmem>>
    %dma_start3A_25 = tpu.memref_slice %arg4[%add3A_8] : memref<320000xi32, #tpu.memory_space<hbm>> -> memref<128xi32, #tpu.memory_space<hbm>>
    tpu.enqueue_dma source(%dma_start3A_25 : memref<128xi32, #tpu.memory_space<hbm>>) target(%dma_start3A_24 : memref<128xi32, #tpu.memory_space<vmem>>) target_semaphore(%arg12 : memref<!tpu.dma_semaphore, #tpu.memory_space<semaphore_mem>>)
    %add3A_26 = arith.constant 128 : i32
    %add3A_27 = arith.addi %add3A, %add3A_26 : i32
    %dma_start3A_28 = arith.constant 1 : i32
    %dma_start3A_29 = arith.constant 0 : i32
    %dma_start3A_30 = tpu.memref_slice %arg9[%dma_start3A_28, %dma_start3A_29] : memref<8x128xi32, #tpu.memory_space<vmem>> -> memref<1x128xi32, #tpu.memory_space<vmem>>
    %dma_start3A_31 = tpu.memref_squeeze %dma_start3A_30 : memref<1x128xi32, #tpu.memory_space<vmem>> -> memref<128xi32, #tpu.memory_space<vmem>>
    %dma_start3A_32 = tpu.memref_slice %arg3[%add3A_27] : memref<320000xi32, #tpu.memory_space<hbm>> -> memref<128xi32, #tpu.memory_space<hbm>>
    %dma_start3A_33 = arith.constant 0 : i32
    %dma_start3A_34 = tpu.memref_slice %arg9[%dma_start3A_28, %dma_start3A_33] : memref<8x128xi32, #tpu.memory_space<vmem>> -> memref<1x128xi32, #tpu.memory_space<vmem>>
    %dma_start3A_35 = tpu.memref_squeeze %dma_start3A_34 : memref<1x128xi32, #tpu.memory_space<vmem>> -> memref<128xi32, #tpu.memory_space<vmem>>
    %dma_start3A_36 = tpu.memref_slice %arg3[%add3A_27] : memref<320000xi32, #tpu.memory_space<hbm>> -> memref<128xi32, #tpu.memory_space<hbm>>
    tpu.enqueue_dma source(%dma_start3A_36 : memref<128xi32, #tpu.memory_space<hbm>>) target(%dma_start3A_35 : memref<128xi32, #tpu.memory_space<vmem>>) target_semaphore(%arg11 : memref<!tpu.dma_semaphore, #tpu.memory_space<semaphore_mem>>)
    %dma_start3A_37 = arith.constant 1 : i32
    %dma_start3A_38 = arith.constant 0 : i32
    %dma_start3A_39 = tpu.memref_slice %arg10[%dma_start3A_37, %dma_start3A_38] : memref<8x128xi32, #tpu.memory_space<vmem>> -> memref<1x128xi32, #tpu.memory_space<vmem>>
    %dma_start3A_40 = tpu.memref_squeeze %dma_start3A_39 : memref<1x128xi32, #tpu.memory_space<vmem>> -> memref<128xi32, #tpu.memory_space<vmem>>
    %dma_start3A_41 = tpu.memref_slice %arg4[%add3A_27] : memref<320000xi32, #tpu.memory_space<hbm>> -> memref<128xi32, #tpu.memory_space<hbm>>
    %dma_start3A_42 = arith.constant 0 : i32
    %dma_start3A_43 = tpu.memref_slice %arg10[%dma_start3A_37, %dma_start3A_42] : memref<8x128xi32, #tpu.memory_space<vmem>> -> memref<1x128xi32, #tpu.memory_space<vmem>>
    %dma_start3A_44 = tpu.memref_squeeze %dma_start3A_43 : memref<1x128xi32, #tpu.memory_space<vmem>> -> memref<128xi32, #tpu.memory_space<vmem>>
    %dma_start3A_45 = tpu.memref_slice %arg4[%add3A_27] : memref<320000xi32, #tpu.memory_space<hbm>> -> memref<128xi32, #tpu.memory_space<hbm>>
    tpu.enqueue_dma source(%dma_start3A_45 : memref<128xi32, #tpu.memory_space<hbm>>) target(%dma_start3A_44 : memref<128xi32, #tpu.memory_space<vmem>>) target_semaphore(%arg12 : memref<!tpu.dma_semaphore, #tpu.memory_space<semaphore_mem>>)
    %add3A_46 = arith.constant 256 : i32
    %add3A_47 = arith.addi %add3A, %add3A_46 : i32
    %dma_start3A_48 = arith.constant 2 : i32
    %dma_start3A_49 = arith.constant 0 : i32
    %dma_start3A_50 = tpu.memref_slice %arg9[%dma_start3A_48, %dma_start3A_49] : memref<8x128xi32, #tpu.memory_space<vmem>> -> memref<1x128xi32, #tpu.memory_space<vmem>>
    %dma_start3A_51 = tpu.memref_squeeze %dma_start3A_50 : memref<1x128xi32, #tpu.memory_space<vmem>> -> memref<128xi32, #tpu.memory_space<vmem>>
    %dma_start3A_52 = tpu.memref_slice %arg3[%add3A_47] : memref<320000xi32, #tpu.memory_space<hbm>> -> memref<128xi32, #tpu.memory_space<hbm>>
    %dma_start3A_53 = arith.constant 0 : i32
    %dma_start3A_54 = tpu.memref_slice %arg9[%dma_start3A_48, %dma_start3A_53] : memref<8x128xi32, #tpu.memory_space<vmem>> -> memref<1x128xi32, #tpu.memory_space<vmem>>
    %dma_start3A_55 = tpu.memref_squeeze %dma_start3A_54 : memref<1x128xi32, #tpu.memory_space<vmem>> -> memref<128xi32, #tpu.memory_space<vmem>>
    %dma_start3A_56 = tpu.memref_slice %arg3[%add3A_47] : memref<320000xi32, #tpu.memory_space<hbm>> -> memref<128xi32, #tpu.memory_space<hbm>>
    tpu.enqueue_dma source(%dma_start3A_56 : memref<128xi32, #tpu.memory_space<hbm>>) target(%dma_start3A_55 : memref<128xi32, #tpu.memory_space<vmem>>) target_semaphore(%arg11 : memref<!tpu.dma_semaphore, #tpu.memory_space<semaphore_mem>>)
    %dma_start3A_57 = arith.constant 2 : i32
    %dma_start3A_58 = arith.constant 0 : i32
    %dma_start3A_59 = tpu.memref_slice %arg10[%dma_start3A_57, %dma_start3A_58] : memref<8x128xi32, #tpu.memory_space<vmem>> -> memref<1x128xi32, #tpu.memory_space<vmem>>
    %dma_start3A_60 = tpu.memref_squeeze %dma_start3A_59 : memref<1x128xi32, #tpu.memory_space<vmem>> -> memref<128xi32, #tpu.memory_space<vmem>>
    %dma_start3A_61 = tpu.memref_slice %arg4[%add3A_47] : memref<320000xi32, #tpu.memory_space<hbm>> -> memref<128xi32, #tpu.memory_space<hbm>>
    %dma_start3A_62 = arith.constant 0 : i32
    %dma_start3A_63 = tpu.memref_slice %arg10[%dma_start3A_57, %dma_start3A_62] : memref<8x128xi32, #tpu.memory_space<vmem>> -> memref<1x128xi32, #tpu.memory_space<vmem>>
    %dma_start3A_64 = tpu.memref_squeeze %dma_start3A_63 : memref<1x128xi32, #tpu.memory_space<vmem>> -> memref<128xi32, #tpu.memory_space<vmem>>
    %dma_start3A_65 = tpu.memref_slice %arg4[%add3A_47] : memref<320000xi32, #tpu.memory_space<hbm>> -> memref<128xi32, #tpu.memory_space<hbm>>
    tpu.enqueue_dma source(%dma_start3A_65 : memref<128xi32, #tpu.memory_space<hbm>>) target(%dma_start3A_64 : memref<128xi32, #tpu.memory_space<vmem>>) target_semaphore(%arg12 : memref<!tpu.dma_semaphore, #tpu.memory_space<semaphore_mem>>)
    %add3A_66 = arith.constant 384 : i32
    %add3A_67 = arith.addi %add3A, %add3A_66 : i32
    %dma_start3A_68 = arith.constant 3 : i32
    %dma_start3A_69 = arith.constant 0 : i32
    %dma_start3A_70 = tpu.memref_slice %arg9[%dma_start3A_68, %dma_start3A_69] : memref<8x128xi32, #tpu.memory_space<vmem>> -> memref<1x128xi32, #tpu.memory_space<vmem>>
    %dma_start3A_71 = tpu.memref_squeeze %dma_start3A_70 : memref<1x128xi32, #tpu.memory_space<vmem>> -> memref<128xi32, #tpu.memory_space<vmem>>
    %dma_start3A_72 = tpu.memref_slice %arg3[%add3A_67] : memref<320000xi32, #tpu.memory_space<hbm>> -> memref<128xi32, #tpu.memory_space<hbm>>
    %dma_start3A_73 = arith.constant 0 : i32
    %dma_start3A_74 = tpu.memref_slice %arg9[%dma_start3A_68, %dma_start3A_73] : memref<8x128xi32, #tpu.memory_space<vmem>> -> memref<1x128xi32, #tpu.memory_space<vmem>>
    %dma_start3A_75 = tpu.memref_squeeze %dma_start3A_74 : memref<1x128xi32, #tpu.memory_space<vmem>> -> memref<128xi32, #tpu.memory_space<vmem>>
    %dma_start3A_76 = tpu.memref_slice %arg3[%add3A_67] : memref<320000xi32, #tpu.memory_space<hbm>> -> memref<128xi32, #tpu.memory_space<hbm>>
    tpu.enqueue_dma source(%dma_start3A_76 : memref<128xi32, #tpu.memory_space<hbm>>) target(%dma_start3A_75 : memref<128xi32, #tpu.memory_space<vmem>>) target_semaphore(%arg11 : memref<!tpu.dma_semaphore, #tpu.memory_space<semaphore_mem>>)
    %dma_start3A_77 = arith.constant 3 : i32
    %dma_start3A_78 = arith.constant 0 : i32
    %dma_start3A_79 = tpu.memref_slice %arg10[%dma_start3A_77, %dma_start3A_78] : memref<8x128xi32, #tpu.memory_space<vmem>> -> memref<1x128xi32, #tpu.memory_space<vmem>>
    %dma_start3A_80 = tpu.memref_squeeze %dma_start3A_79 : memref<1x128xi32, #tpu.memory_space<vmem>> -> memref<128xi32, #tpu.memory_space<vmem>>
    %dma_start3A_81 = tpu.memref_slice %arg4[%add3A_67] : memref<320000xi32, #tpu.memory_space<hbm>> -> memref<128xi32, #tpu.memory_space<hbm>>
    %dma_start3A_82 = arith.constant 0 : i32
    %dma_start3A_83 = tpu.memref_slice %arg10[%dma_start3A_77, %dma_start3A_82] : memref<8x128xi32, #tpu.memory_space<vmem>> -> memref<1x128xi32, #tpu.memory_space<vmem>>
    %dma_start3A_84 = tpu.memref_squeeze %dma_start3A_83 : memref<1x128xi32, #tpu.memory_space<vmem>> -> memref<128xi32, #tpu.memory_space<vmem>>
    %dma_start3A_85 = tpu.memref_slice %arg4[%add3A_67] : memref<320000xi32, #tpu.memory_space<hbm>> -> memref<128xi32, #tpu.memory_space<hbm>>
    tpu.enqueue_dma source(%dma_start3A_85 : memref<128xi32, #tpu.memory_space<hbm>>) target(%dma_start3A_84 : memref<128xi32, #tpu.memory_space<vmem>>) target_semaphore(%arg12 : memref<!tpu.dma_semaphore, #tpu.memory_space<semaphore_mem>>)
    %add3A_86 = arith.constant 512 : i32
    %add3A_87 = arith.addi %add3A, %add3A_86 : i32
    %dma_start3A_88 = arith.constant 4 : i32
    %dma_start3A_89 = arith.constant 0 : i32
    %dma_start3A_90 = tpu.memref_slice %arg9[%dma_start3A_88, %dma_start3A_89] : memref<8x128xi32, #tpu.memory_space<vmem>> -> memref<1x128xi32, #tpu.memory_space<vmem>>
    %dma_start3A_91 = tpu.memref_squeeze %dma_start3A_90 : memref<1x128xi32, #tpu.memory_space<vmem>> -> memref<128xi32, #tpu.memory_space<vmem>>
    %dma_start3A_92 = tpu.memref_slice %arg3[%add3A_87] : memref<320000xi32, #tpu.memory_space<hbm>> -> memref<128xi32, #tpu.memory_space<hbm>>
    %dma_start3A_93 = arith.constant 0 : i32
    %dma_start3A_94 = tpu.memref_slice %arg9[%dma_start3A_88, %dma_start3A_93] : memref<8x128xi32, #tpu.memory_space<vmem>> -> memref<1x128xi32, #tpu.memory_space<vmem>>
    %dma_start3A_95 = tpu.memref_squeeze %dma_start3A_94 : memref<1x128xi32, #tpu.memory_space<vmem>> -> memref<128xi32, #tpu.memory_space<vmem>>
    %dma_start3A_96 = tpu.memref_slice %arg3[%add3A_87] : memref<320000xi32, #tpu.memory_space<hbm>> -> memref<128xi32, #tpu.memory_space<hbm>>
    tpu.enqueue_dma source(%dma_start3A_96 : memref<128xi32, #tpu.memory_space<hbm>>) target(%dma_start3A_95 : memref<128xi32, #tpu.memory_space<vmem>>) target_semaphore(%arg11 : memref<!tpu.dma_semaphore, #tpu.memory_space<semaphore_mem>>)
    %dma_start3A_97 = arith.constant 4 : i32
    %dma_start3A_98 = arith.constant 0 : i32
    %dma_start3A_99 = tpu.memref_slice %arg10[%dma_start3A_97, %dma_start3A_98] : memref<8x128xi32, #tpu.memory_space<vmem>> -> memref<1x128xi32, #tpu.memory_space<vmem>>
    %dma_start3A_100 = tpu.memref_squeeze %dma_start3A_99 : memref<1x128xi32, #tpu.memory_space<vmem>> -> memref<128xi32, #tpu.memory_space<vmem>>
    %dma_start3A_101 = tpu.memref_slice %arg4[%add3A_87] : memref<320000xi32, #tpu.memory_space<hbm>> -> memref<128xi32, #tpu.memory_space<hbm>>
    %dma_start3A_102 = arith.constant 0 : i32
    %dma_start3A_103 = tpu.memref_slice %arg10[%dma_start3A_97, %dma_start3A_102] : memref<8x128xi32, #tpu.memory_space<vmem>> -> memref<1x128xi32, #tpu.memory_space<vmem>>
    %dma_start3A_104 = tpu.memref_squeeze %dma_start3A_103 : memref<1x128xi32, #tpu.memory_space<vmem>> -> memref<128xi32, #tpu.memory_space<vmem>>
    %dma_start3A_105 = tpu.memref_slice %arg4[%add3A_87] : memref<320000xi32, #tpu.memory_space<hbm>> -> memref<128xi32, #tpu.memory_space<hbm>>
    tpu.enqueue_dma source(%dma_start3A_105 : memref<128xi32, #tpu.memory_space<hbm>>) target(%dma_start3A_104 : memref<128xi32, #tpu.memory_space<vmem>>) target_semaphore(%arg12 : memref<!tpu.dma_semaphore, #tpu.memory_space<semaphore_mem>>)
    %add3A_106 = arith.constant 640 : i32
    %add3A_107 = arith.addi %add3A, %add3A_106 : i32
    %dma_start3A_108 = arith.constant 5 : i32
    %dma_start3A_109 = arith.constant 0 : i32
    %dma_start3A_110 = tpu.memref_slice %arg9[%dma_start3A_108, %dma_start3A_109] : memref<8x128xi32, #tpu.memory_space<vmem>> -> memref<1x128xi32, #tpu.memory_space<vmem>>
    %dma_start3A_111 = tpu.memref_squeeze %dma_start3A_110 : memref<1x128xi32, #tpu.memory_space<vmem>> -> memref<128xi32, #tpu.memory_space<vmem>>
    %dma_start3A_112 = tpu.memref_slice %arg3[%add3A_107] : memref<320000xi32, #tpu.memory_space<hbm>> -> memref<128xi32, #tpu.memory_space<hbm>>
    %dma_start3A_113 = arith.constant 0 : i32
    %dma_start3A_114 = tpu.memref_slice %arg9[%dma_start3A_108, %dma_start3A_113] : memref<8x128xi32, #tpu.memory_space<vmem>> -> memref<1x128xi32, #tpu.memory_space<vmem>>
    %dma_start3A_115 = tpu.memref_squeeze %dma_start3A_114 : memref<1x128xi32, #tpu.memory_space<vmem>> -> memref<128xi32, #tpu.memory_space<vmem>>
    %dma_start3A_116 = tpu.memref_slice %arg3[%add3A_107] : memref<320000xi32, #tpu.memory_space<hbm>> -> memref<128xi32, #tpu.memory_space<hbm>>
    tpu.enqueue_dma source(%dma_start3A_116 : memref<128xi32, #tpu.memory_space<hbm>>) target(%dma_start3A_115 : memref<128xi32, #tpu.memory_space<vmem>>) target_semaphore(%arg11 : memref<!tpu.dma_semaphore, #tpu.memory_space<semaphore_mem>>)
    %dma_start3A_117 = arith.constant 5 : i32
    %dma_start3A_118 = arith.constant 0 : i32
    %dma_start3A_119 = tpu.memref_slice %arg10[%dma_start3A_117, %dma_start3A_118] : memref<8x128xi32, #tpu.memory_space<vmem>> -> memref<1x128xi32, #tpu.memory_space<vmem>>
    %dma_start3A_120 = tpu.memref_squeeze %dma_start3A_119 : memref<1x128xi32, #tpu.memory_space<vmem>> -> memref<128xi32, #tpu.memory_space<vmem>>
    %dma_start3A_121 = tpu.memref_slice %arg4[%add3A_107] : memref<320000xi32, #tpu.memory_space<hbm>> -> memref<128xi32, #tpu.memory_space<hbm>>
    %dma_start3A_122 = arith.constant 0 : i32
    %dma_start3A_123 = tpu.memref_slice %arg10[%dma_start3A_117, %dma_start3A_122] : memref<8x128xi32, #tpu.memory_space<vmem>> -> memref<1x128xi32, #tpu.memory_space<vmem>>
    %dma_start3A_124 = tpu.memref_squeeze %dma_start3A_123 : memref<1x128xi32, #tpu.memory_space<vmem>> -> memref<128xi32, #tpu.memory_space<vmem>>
    %dma_start3A_125 = tpu.memref_slice %arg4[%add3A_107] : memref<320000xi32, #tpu.memory_space<hbm>> -> memref<128xi32, #tpu.memory_space<hbm>>
    tpu.enqueue_dma source(%dma_start3A_125 : memref<128xi32, #tpu.memory_space<hbm>>) target(%dma_start3A_124 : memref<128xi32, #tpu.memory_space<vmem>>) target_semaphore(%arg12 : memref<!tpu.dma_semaphore, #tpu.memory_space<semaphore_mem>>)
    %add3A_126 = arith.constant 768 : i32
    %add3A_127 = arith.addi %add3A, %add3A_126 : i32
    %dma_start3A_128 = arith.constant 6 : i32
    %dma_start3A_129 = arith.constant 0 : i32
    %dma_start3A_130 = tpu.memref_slice %arg9[%dma_start3A_128, %dma_start3A_129] : memref<8x128xi32, #tpu.memory_space<vmem>> -> memref<1x128xi32, #tpu.memory_space<vmem>>
    %dma_start3A_131 = tpu.memref_squeeze %dma_start3A_130 : memref<1x128xi32, #tpu.memory_space<vmem>> -> memref<128xi32, #tpu.memory_space<vmem>>
    %dma_start3A_132 = tpu.memref_slice %arg3[%add3A_127] : memref<320000xi32, #tpu.memory_space<hbm>> -> memref<128xi32, #tpu.memory_space<hbm>>
    %dma_start3A_133 = arith.constant 0 : i32
    %dma_start3A_134 = tpu.memref_slice %arg9[%dma_start3A_128, %dma_start3A_133] : memref<8x128xi32, #tpu.memory_space<vmem>> -> memref<1x128xi32, #tpu.memory_space<vmem>>
    %dma_start3A_135 = tpu.memref_squeeze %dma_start3A_134 : memref<1x128xi32, #tpu.memory_space<vmem>> -> memref<128xi32, #tpu.memory_space<vmem>>
    %dma_start3A_136 = tpu.memref_slice %arg3[%add3A_127] : memref<320000xi32, #tpu.memory_space<hbm>> -> memref<128xi32, #tpu.memory_space<hbm>>
    tpu.enqueue_dma source(%dma_start3A_136 : memref<128xi32, #tpu.memory_space<hbm>>) target(%dma_start3A_135 : memref<128xi32, #tpu.memory_space<vmem>>) target_semaphore(%arg11 : memref<!tpu.dma_semaphore, #tpu.memory_space<semaphore_mem>>)
    %dma_start3A_137 = arith.constant 6 : i32
    %dma_start3A_138 = arith.constant 0 : i32
    %dma_start3A_139 = tpu.memref_slice %arg10[%dma_start3A_137, %dma_start3A_138] : memref<8x128xi32, #tpu.memory_space<vmem>> -> memref<1x128xi32, #tpu.memory_space<vmem>>
    %dma_start3A_140 = tpu.memref_squeeze %dma_start3A_139 : memref<1x128xi32, #tpu.memory_space<vmem>> -> memref<128xi32, #tpu.memory_space<vmem>>
    %dma_start3A_141 = tpu.memref_slice %arg4[%add3A_127] : memref<320000xi32, #tpu.memory_space<hbm>> -> memref<128xi32, #tpu.memory_space<hbm>>
    %dma_start3A_142 = arith.constant 0 : i32
    %dma_start3A_143 = tpu.memref_slice %arg10[%dma_start3A_137, %dma_start3A_142] : memref<8x128xi32, #tpu.memory_space<vmem>> -> memref<1x128xi32, #tpu.memory_space<vmem>>
    %dma_start3A_144 = tpu.memref_squeeze %dma_start3A_143 : memref<1x128xi32, #tpu.memory_space<vmem>> -> memref<128xi32, #tpu.memory_space<vmem>>
    %dma_start3A_145 = tpu.memref_slice %arg4[%add3A_127] : memref<320000xi32, #tpu.memory_space<hbm>> -> memref<128xi32, #tpu.memory_space<hbm>>
    tpu.enqueue_dma source(%dma_start3A_145 : memref<128xi32, #tpu.memory_space<hbm>>) target(%dma_start3A_144 : memref<128xi32, #tpu.memory_space<vmem>>) target_semaphore(%arg12 : memref<!tpu.dma_semaphore, #tpu.memory_space<semaphore_mem>>)
    %add3A_146 = arith.constant 896 : i32
    %add3A_147 = arith.addi %add3A, %add3A_146 : i32
    %dma_start3A_148 = arith.constant 7 : i32
    %dma_start3A_149 = arith.constant 0 : i32
    %dma_start3A_150 = tpu.memref_slice %arg9[%dma_start3A_148, %dma_start3A_149] : memref<8x128xi32, #tpu.memory_space<vmem>> -> memref<1x128xi32, #tpu.memory_space<vmem>>
    %dma_start3A_151 = tpu.memref_squeeze %dma_start3A_150 : memref<1x128xi32, #tpu.memory_space<vmem>> -> memref<128xi32, #tpu.memory_space<vmem>>
    %dma_start3A_152 = tpu.memref_slice %arg3[%add3A_147] : memref<320000xi32, #tpu.memory_space<hbm>> -> memref<128xi32, #tpu.memory_space<hbm>>
    %dma_start3A_153 = arith.constant 0 : i32
    %dma_start3A_154 = tpu.memref_slice %arg9[%dma_start3A_148, %dma_start3A_153] : memref<8x128xi32, #tpu.memory_space<vmem>> -> memref<1x128xi32, #tpu.memory_space<vmem>>
    %dma_start3A_155 = tpu.memref_squeeze %dma_start3A_154 : memref<1x128xi32, #tpu.memory_space<vmem>> -> memref<128xi32, #tpu.memory_space<vmem>>
    %dma_start3A_156 = tpu.memref_slice %arg3[%add3A_147] : memref<320000xi32, #tpu.memory_space<hbm>> -> memref<128xi32, #tpu.memory_space<hbm>>
    tpu.enqueue_dma source(%dma_start3A_156 : memref<128xi32, #tpu.memory_space<hbm>>) target(%dma_start3A_155 : memref<128xi32, #tpu.memory_space<vmem>>) target_semaphore(%arg11 : memref<!tpu.dma_semaphore, #tpu.memory_space<semaphore_mem>>)
    %dma_start3A_157 = arith.constant 7 : i32
    %dma_start3A_158 = arith.constant 0 : i32
    %dma_start3A_159 = tpu.memref_slice %arg10[%dma_start3A_157, %dma_start3A_158] : memref<8x128xi32, #tpu.memory_space<vmem>> -> memref<1x128xi32, #tpu.memory_space<vmem>>
    %dma_start3A_160 = tpu.memref_squeeze %dma_start3A_159 : memref<1x128xi32, #tpu.memory_space<vmem>> -> memref<128xi32, #tpu.memory_space<vmem>>
    %dma_start3A_161 = tpu.memref_slice %arg4[%add3A_147] : memref<320000xi32, #tpu.memory_space<hbm>> -> memref<128xi32, #tpu.memory_space<hbm>>
    %dma_start3A_162 = arith.constant 0 : i32
    %dma_start3A_163 = tpu.memref_slice %arg10[%dma_start3A_157, %dma_start3A_162] : memref<8x128xi32, #tpu.memory_space<vmem>> -> memref<1x128xi32, #tpu.memory_space<vmem>>
    %dma_start3A_164 = tpu.memref_squeeze %dma_start3A_163 : memref<1x128xi32, #tpu.memory_space<vmem>> -> memref<128xi32, #tpu.memory_space<vmem>>
    %dma_start3A_165 = tpu.memref_slice %arg4[%add3A_147] : memref<320000xi32, #tpu.memory_space<hbm>> -> memref<128xi32, #tpu.memory_space<hbm>>
    tpu.enqueue_dma source(%dma_start3A_165 : memref<128xi32, #tpu.memory_space<hbm>>) target(%dma_start3A_164 : memref<128xi32, #tpu.memory_space<vmem>>) target_semaphore(%arg12 : memref<!tpu.dma_semaphore, #tpu.memory_space<semaphore_mem>>)
    %eq3A_166 = arith.constant 1 : i32
    %eq3A_167 = arith.cmpi eq, %arg0, %eq3A_166 : i32
    %convert_element_type3A = arith.extui %eq3A_167 : i1 to i32
    %cond3A = arith.constant 0 : i32
    %cond3A_168 = arith.cmpi ne, %convert_element_type3A, %cond3A : i32
    scf.if %cond3A_168 {
      "tpu.region"() ({
        %run_scoped3A = tpu.sem_alloc : memref<!tpu.dma_semaphore, #tpu.memory_space<semaphore_mem>>
        %dma_start3A_232 = arith.constant 0 : i32
        %dma_start3A_233 = arith.constant 0 : i32
        %dma_start3A_234 = tpu.memref_slice %arg5[%arg1, %dma_start3A_232, %dma_start3A_233] : memref<16x2x128xi32, #tpu.memory_space<hbm>> -> memref<1x2x128xi32, #tpu.memory_space<hbm>>
        %dma_start3A_235 = tpu.memref_squeeze %dma_start3A_234 : memref<1x2x128xi32, #tpu.memory_space<hbm>> -> memref<2x128xi32, #tpu.memory_space<hbm>>
        %dma_start3A_236 = arith.constant 0 : i32
        %dma_start3A_237 = arith.constant 0 : i32
        %dma_start3A_238 = tpu.memref_slice %arg5[%arg1, %dma_start3A_236, %dma_start3A_237] : memref<16x2x128xi32, #tpu.memory_space<hbm>> -> memref<1x2x128xi32, #tpu.memory_space<hbm>>
        %dma_start3A_239 = tpu.memref_squeeze %dma_start3A_238 : memref<1x2x128xi32, #tpu.memory_space<hbm>> -> memref<2x128xi32, #tpu.memory_space<hbm>>
        tpu.enqueue_dma source(%dma_start3A_239 : memref<2x128xi32, #tpu.memory_space<hbm>>) target(%arg13 : memref<2x128xi32, #tpu.memory_space<vmem>>) target_semaphore(%run_scoped3A : memref<!tpu.dma_semaphore, #tpu.memory_space<semaphore_mem>>)
        %dma_wait3A_240 = arith.constant 0 : i32
        %dma_wait3A_241 = arith.constant 0 : i32
        %dma_wait3A_242 = tpu.memref_slice %arg5[%arg1, %dma_wait3A_240, %dma_wait3A_241] : memref<16x2x128xi32, #tpu.memory_space<hbm>> -> memref<1x2x128xi32, #tpu.memory_space<hbm>>
        %dma_wait3A_243 = tpu.memref_squeeze %dma_wait3A_242 : memref<1x2x128xi32, #tpu.memory_space<hbm>> -> memref<2x128xi32, #tpu.memory_space<hbm>>
        %dma_wait3A_244 = arith.constant 0 : i32
        %dma_wait3A_245 = arith.constant 0 : i32
        %dma_wait3A_246 = tpu.memref_slice %arg5[%arg1, %dma_wait3A_244, %dma_wait3A_245] : memref<16x2x128xi32, #tpu.memory_space<hbm>> -> memref<1x2x128xi32, #tpu.memory_space<hbm>>
        %dma_wait3A_247 = tpu.memref_squeeze %dma_wait3A_246 : memref<1x2x128xi32, #tpu.memory_space<hbm>> -> memref<2x128xi32, #tpu.memory_space<hbm>>
        tpu.wait_dma2 semaphore(%run_scoped3A : memref<!tpu.dma_semaphore, #tpu.memory_space<semaphore_mem>>) src(%dma_wait3A_247 : memref<2x128xi32, #tpu.memory_space<hbm>>) dst(%arg13 : memref<2x128xi32, #tpu.memory_space<vmem>>)
        tpu.yield
      }) : () -> ()
    } else {
    }
    %barrier3A = arith.constant 0 : index
    tpu.barrier barrier_id(%barrier3A)
    %eq3A_169 = arith.constant 1 : i32
    %eq3A_170 = arith.cmpi eq, %arg0, %eq3A_169 : i32
    %convert_element_type3A_171 = arith.extui %eq3A_170 : i1 to i32
    %cond3A_172 = arith.constant 0 : i32
    %cond3A_173 = arith.cmpi ne, %convert_element_type3A_171, %cond3A_172 : i32
    scf.if %cond3A_173 {
      %dma_start3A_232 = arith.constant 0 : i32
      %dma_start3A_233 = arith.constant 0 : i32
      %dma_start3A_234 = tpu.memref_slice %arg13[%dma_start3A_232, %dma_start3A_233] : memref<2x128xi32, #tpu.memory_space<vmem>> -> memref<1x128xi32, #tpu.memory_space<vmem>>
      %dma_start3A_235 = tpu.memref_squeeze %dma_start3A_234 : memref<1x128xi32, #tpu.memory_space<vmem>> -> memref<128xi32, #tpu.memory_space<vmem>>
      %dma_start3A_236 = arith.constant 0 : i32
      %dma_start3A_237 = arith.constant 0 : i32
      %dma_start3A_238 = tpu.memref_slice %arg2[%dma_start3A_236, %dma_start3A_237] : memref<10000x128xf32, #tpu.memory_space<hbm>> -> memref<10000x128xf32, #tpu.memory_space<hbm>>
      tpu.enqueue_indirect_dma source(%dma_start3A_238 : memref<10000x128xf32, #tpu.memory_space<hbm>>) target(%arg14 : memref<128x128xf32, #tpu.memory_space<vmem>>) offsets(%dma_start3A_235 : memref<128xi32, #tpu.memory_space<vmem>>) semaphore(%arg17 : memref<!tpu.dma_semaphore, #tpu.memory_space<semaphore_mem>>)
      %dma_wait3A_239 = arith.constant 0 : i32
      %dma_wait3A_240 = arith.constant 0 : i32
      %dma_wait3A_241 = tpu.memref_slice %arg13[%dma_wait3A_239, %dma_wait3A_240] : memref<2x128xi32, #tpu.memory_space<vmem>> -> memref<1x128xi32, #tpu.memory_space<vmem>>
      %dma_wait3A_242 = tpu.memref_squeeze %dma_wait3A_241 : memref<1x128xi32, #tpu.memory_space<vmem>> -> memref<128xi32, #tpu.memory_space<vmem>>
      %dma_wait3A_243 = arith.constant 0 : i32
      %dma_wait3A_244 = arith.constant 0 : i32
      %dma_wait3A_245 = tpu.memref_slice %arg2[%dma_wait3A_243, %dma_wait3A_244] : memref<10000x128xf32, #tpu.memory_space<hbm>> -> memref<10000x128xf32, #tpu.memory_space<hbm>>
      tpu.wait_indirect_dma semaphore(%arg17 : memref<!tpu.dma_semaphore, #tpu.memory_space<semaphore_mem>>) src(%dma_wait3A_245 : memref<10000x128xf32, #tpu.memory_space<hbm>>) dst(%arg14 : memref<128x128xf32, #tpu.memory_space<vmem>>)
      %run_scoped3A = arith.constant 1 : i32
      "tpu.region"() ({
        %run_scoped3A_246 = tpu.sem_alloc : memref<!tpu.dma_semaphore, #tpu.memory_space<semaphore_mem>>
        %dma_start3A_247 = arith.constant 0 : i32
        %dma_start3A_248 = tpu.memref_slice %arg13[%run_scoped3A, %dma_start3A_247] : memref<2x128xi32, #tpu.memory_space<vmem>> -> memref<1x128xi32, #tpu.memory_space<vmem>>
        %dma_start3A_249 = tpu.memref_squeeze %dma_start3A_248 : memref<1x128xi32, #tpu.memory_space<vmem>> -> memref<128xi32, #tpu.memory_space<vmem>>
        %dma_start3A_250 = arith.constant 0 : i32
        %dma_start3A_251 = arith.constant 0 : i32
        %dma_start3A_252 = tpu.memref_slice %arg16[%dma_start3A_250, %dma_start3A_251] : memref<10240x128xf32, #tpu.memory_space<vmem_shared>> -> memref<10240x128xf32, #tpu.memory_space<vmem_shared>>
        tpu.enqueue_indirect_dma source(%arg14 : memref<128x128xf32, #tpu.memory_space<vmem>>) target(%dma_start3A_252 : memref<10240x128xf32, #tpu.memory_space<vmem_shared>>) offsets(%dma_start3A_249 : memref<128xi32, #tpu.memory_space<vmem>>) semaphore(%run_scoped3A_246 : memref<!tpu.dma_semaphore, #tpu.memory_space<semaphore_mem>>) {add = true}
        %dma_wait3A_253 = arith.constant 0 : i32
        %dma_wait3A_254 = tpu.memref_slice %arg13[%run_scoped3A, %dma_wait3A_253] : memref<2x128xi32, #tpu.memory_space<vmem>> -> memref<1x128xi32, #tpu.memory_space<vmem>>
        %dma_wait3A_255 = tpu.memref_squeeze %dma_wait3A_254 : memref<1x128xi32, #tpu.memory_space<vmem>> -> memref<128xi32, #tpu.memory_space<vmem>>
        %dma_wait3A_256 = arith.constant 0 : i32
        %dma_wait3A_257 = arith.constant 0 : i32
        %dma_wait3A_258 = tpu.memref_slice %arg16[%dma_wait3A_256, %dma_wait3A_257] : memref<10240x128xf32, #tpu.memory_space<vmem_shared>> -> memref<10240x128xf32, #tpu.memory_space<vmem_shared>>
        tpu.wait_indirect_dma semaphore(%run_scoped3A_246 : memref<!tpu.dma_semaphore, #tpu.memory_space<semaphore_mem>>) src(%arg14 : memref<128x128xf32, #tpu.memory_space<vmem>>) dst(%dma_wait3A_258 : memref<10240x128xf32, #tpu.memory_space<vmem_shared>>)
        tpu.yield
      }) : () -> ()
    } else {
    }
    %eq3A_174 = arith.constant 0 : i32
    %eq3A_175 = arith.cmpi eq, %arg0, %eq3A_174 : i32
    %jit3A_176 = arith.constant 46 : i32
    %jit3A_177 = arith.constant 31 : i32
    %select_n3A_178 = arith.select %eq3A_175, %jit3A_176, %jit3A_177 : i32
    %dma_wait3A = arith.constant 0 : i32
    %dma_wait3A_179 = arith.constant 0 : i32
    %dma_wait3A_180 = tpu.memref_slice %arg9[%dma_wait3A, %dma_wait3A_179] : memref<8x128xi32, #tpu.memory_space<vmem>> -> memref<1x128xi32, #tpu.memory_space<vmem>>
    %dma_wait3A_181 = tpu.memref_squeeze %dma_wait3A_180 : memref<1x128xi32, #tpu.memory_space<vmem>> -> memref<128xi32, #tpu.memory_space<vmem>>
    %dma_wait3A_182 = arith.constant 0 : i32
    %dma_wait3A_183 = tpu.memref_slice %arg3[%dma_wait3A_182] : memref<320000xi32, #tpu.memory_space<hbm>> -> memref<128xi32, #tpu.memory_space<hbm>>
    %dma_wait3A_184 = arith.constant 0 : i32
    %dma_wait3A_185 = tpu.memref_slice %arg9[%dma_wait3A, %dma_wait3A_184] : memref<8x128xi32, #tpu.memory_space<vmem>> -> memref<1x128xi32, #tpu.memory_space<vmem>>
    %dma_wait3A_186 = tpu.memref_squeeze %dma_wait3A_185 : memref<1x128xi32, #tpu.memory_space<vmem>> -> memref<128xi32, #tpu.memory_space<vmem>>
    %dma_wait3A_187 = arith.constant 0 : i32
    %dma_wait3A_188 = tpu.memref_slice %arg3[%dma_wait3A_187] : memref<320000xi32, #tpu.memory_space<hbm>> -> memref<128xi32, #tpu.memory_space<hbm>>
    tpu.wait_dma2 semaphore(%arg11 : memref<!tpu.dma_semaphore, #tpu.memory_space<semaphore_mem>>) src(%dma_wait3A_188 : memref<128xi32, #tpu.memory_space<hbm>>) dst(%dma_wait3A_186 : memref<128xi32, #tpu.memory_space<vmem>>)
    %dma_wait3A_189 = arith.constant 0 : i32
    %dma_wait3A_190 = arith.constant 0 : i32
    %dma_wait3A_191 = tpu.memref_slice %arg10[%dma_wait3A_189, %dma_wait3A_190] : memref<8x128xi32, #tpu.memory_space<vmem>> -> memref<1x128xi32, #tpu.memory_space<vmem>>
    %dma_wait3A_192 = tpu.memref_squeeze %dma_wait3A_191 : memref<1x128xi32, #tpu.memory_space<vmem>> -> memref<128xi32, #tpu.memory_space<vmem>>
    %dma_wait3A_193 = arith.constant 0 : i32
    %dma_wait3A_194 = tpu.memref_slice %arg4[%dma_wait3A_193] : memref<320000xi32, #tpu.memory_space<hbm>> -> memref<128xi32, #tpu.memory_space<hbm>>
    %dma_wait3A_195 = arith.constant 0 : i32
    %dma_wait3A_196 = tpu.memref_slice %arg10[%dma_wait3A_189, %dma_wait3A_195] : memref<8x128xi32, #tpu.memory_space<vmem>> -> memref<1x128xi32, #tpu.memory_space<vmem>>
    %dma_wait3A_197 = tpu.memref_squeeze %dma_wait3A_196 : memref<1x128xi32, #tpu.memory_space<vmem>> -> memref<128xi32, #tpu.memory_space<vmem>>
    %dma_wait3A_198 = arith.constant 0 : i32
    %dma_wait3A_199 = tpu.memref_slice %arg4[%dma_wait3A_198] : memref<320000xi32, #tpu.memory_space<hbm>> -> memref<128xi32, #tpu.memory_space<hbm>>
    tpu.wait_dma2 semaphore(%arg12 : memref<!tpu.dma_semaphore, #tpu.memory_space<semaphore_mem>>) src(%dma_wait3A_199 : memref<128xi32, #tpu.memory_space<hbm>>) dst(%dma_wait3A_197 : memref<128xi32, #tpu.memory_space<vmem>>)
    %dma_start3A_200 = arith.constant 0 : i32
    %dma_start3A_201 = arith.constant 0 : i32
    %dma_start3A_202 = tpu.memref_slice %arg9[%dma_start3A_200, %dma_start3A_201] : memref<8x128xi32, #tpu.memory_space<vmem>> -> memref<1x128xi32, #tpu.memory_space<vmem>>
    %dma_start3A_203 = tpu.memref_squeeze %dma_start3A_202 : memref<1x128xi32, #tpu.memory_space<vmem>> -> memref<128xi32, #tpu.memory_space<vmem>>
    %dma_start3A_204 = arith.constant 0 : i32
    %dma_start3A_205 = arith.constant 0 : i32
    %dma_start3A_206 = tpu.memref_slice %arg2[%dma_start3A_204, %dma_start3A_205] : memref<10000x128xf32, #tpu.memory_space<hbm>> -> memref<10000x128xf32, #tpu.memory_space<hbm>>
    tpu.enqueue_indirect_dma source(%dma_start3A_206 : memref<10000x128xf32, #tpu.memory_space<hbm>>) target(%arg14 : memref<128x128xf32, #tpu.memory_space<vmem>>) offsets(%dma_start3A_203 : memref<128xi32, #tpu.memory_space<vmem>>) semaphore(%arg17 : memref<!tpu.dma_semaphore, #tpu.memory_space<semaphore_mem>>)
    %while3A = arith.constant 0 : i32
    %while3A_207 = arith.constant 0 : i32
    %while3A_208 = arith.subi %select_n3A_178, %while3A_207 : i32
    %while3A_209 = arith.addi %while3A_207, %while3A_208 : i32
    %while3A_210 = arith.constant 1 : i32
    %while3A_211 = arith.divsi %while3A_208, %while3A_210 : i32
    %while3A_212 = arith.muli %while3A_211, %while3A_210 : i32
    %while3A_213 = arith.addi %while3A_207, %while3A_212 : i32
    %while3A_214 = arith.constant 1 : i32
    scf.for %while3A_232 = %while3A_207 to %while3A_213 step %while3A_214  : i32 {
      %mul3A_233 = arith.constant 2 : i32
      %mul3A_234 = arith.muli %mul3A_233, %while3A_232 : i32
      %and3A_235 = arith.constant 7 : i32
      %and3A_236 = arith.andi %mul3A_234, %and3A_235 : i32
      %add3A_237 = arith.constant 1 : i32
      %add3A_238 = arith.addi %mul3A_234, %add3A_237 : i32
      %and3A_239 = arith.constant 7 : i32
      %and3A_240 = arith.andi %add3A_238, %and3A_239 : i32
      %add3A_241 = arith.constant 2 : i32
      %add3A_242 = arith.addi %mul3A_234, %add3A_241 : i32
      %and3A_243 = arith.constant 7 : i32
      %and3A_244 = arith.andi %add3A_242, %and3A_243 : i32
      %dma_wait3A_245 = arith.constant 0 : i32
      %dma_wait3A_246 = tpu.memref_slice %arg9[%and3A_240, %dma_wait3A_245] : memref<8x128xi32, #tpu.memory_space<vmem>> -> memref<1x128xi32, #tpu.memory_space<vmem>>
      %dma_wait3A_247 = tpu.memref_squeeze %dma_wait3A_246 : memref<1x128xi32, #tpu.memory_space<vmem>> -> memref<128xi32, #tpu.memory_space<vmem>>
      %dma_wait3A_248 = arith.constant 0 : i32
      %dma_wait3A_249 = tpu.memref_slice %arg3[%dma_wait3A_248] : memref<320000xi32, #tpu.memory_space<hbm>> -> memref<128xi32, #tpu.memory_space<hbm>>
      %dma_wait3A_250 = arith.constant 0 : i32
      %dma_wait3A_251 = tpu.memref_slice %arg9[%and3A_240, %dma_wait3A_250] : memref<8x128xi32, #tpu.memory_space<vmem>> -> memref<1x128xi32, #tpu.memory_space<vmem>>
      %dma_wait3A_252 = tpu.memref_squeeze %dma_wait3A_251 : memref<1x128xi32, #tpu.memory_space<vmem>> -> memref<128xi32, #tpu.memory_space<vmem>>
      %dma_wait3A_253 = arith.constant 0 : i32
      %dma_wait3A_254 = tpu.memref_slice %arg3[%dma_wait3A_253] : memref<320000xi32, #tpu.memory_space<hbm>> -> memref<128xi32, #tpu.memory_space<hbm>>
      tpu.wait_dma2 semaphore(%arg11 : memref<!tpu.dma_semaphore, #tpu.memory_space<semaphore_mem>>) src(%dma_wait3A_254 : memref<128xi32, #tpu.memory_space<hbm>>) dst(%dma_wait3A_252 : memref<128xi32, #tpu.memory_space<vmem>>)
      %dma_wait3A_255 = arith.constant 0 : i32
      %dma_wait3A_256 = tpu.memref_slice %arg10[%and3A_240, %dma_wait3A_255] : memref<8x128xi32, #tpu.memory_space<vmem>> -> memref<1x128xi32, #tpu.memory_space<vmem>>
      %dma_wait3A_257 = tpu.memref_squeeze %dma_wait3A_256 : memref<1x128xi32, #tpu.memory_space<vmem>> -> memref<128xi32, #tpu.memory_space<vmem>>
      %dma_wait3A_258 = arith.constant 0 : i32
      %dma_wait3A_259 = tpu.memref_slice %arg4[%dma_wait3A_258] : memref<320000xi32, #tpu.memory_space<hbm>> -> memref<128xi32, #tpu.memory_space<hbm>>
      %dma_wait3A_260 = arith.constant 0 : i32
      %dma_wait3A_261 = tpu.memref_slice %arg10[%and3A_240, %dma_wait3A_260] : memref<8x128xi32, #tpu.memory_space<vmem>> -> memref<1x128xi32, #tpu.memory_space<vmem>>
      %dma_wait3A_262 = tpu.memref_squeeze %dma_wait3A_261 : memref<1x128xi32, #tpu.memory_space<vmem>> -> memref<128xi32, #tpu.memory_space<vmem>>
      %dma_wait3A_263 = arith.constant 0 : i32
      %dma_wait3A_264 = tpu.memref_slice %arg4[%dma_wait3A_263] : memref<320000xi32, #tpu.memory_space<hbm>> -> memref<128xi32, #tpu.memory_space<hbm>>
      tpu.wait_dma2 semaphore(%arg12 : memref<!tpu.dma_semaphore, #tpu.memory_space<semaphore_mem>>) src(%dma_wait3A_264 : memref<128xi32, #tpu.memory_space<hbm>>) dst(%dma_wait3A_262 : memref<128xi32, #tpu.memory_space<vmem>>)
      %dma_start3A_265 = arith.constant 0 : i32
      %dma_start3A_266 = tpu.memref_slice %arg9[%and3A_240, %dma_start3A_265] : memref<8x128xi32, #tpu.memory_space<vmem>> -> memref<1x128xi32, #tpu.memory_space<vmem>>
      %dma_start3A_267 = tpu.memref_squeeze %dma_start3A_266 : memref<1x128xi32, #tpu.memory_space<vmem>> -> memref<128xi32, #tpu.memory_space<vmem>>
      %dma_start3A_268 = arith.constant 0 : i32
      %dma_start3A_269 = arith.constant 0 : i32
      %dma_start3A_270 = tpu.memref_slice %arg2[%dma_start3A_268, %dma_start3A_269] : memref<10000x128xf32, #tpu.memory_space<hbm>> -> memref<10000x128xf32, #tpu.memory_space<hbm>>
      tpu.enqueue_indirect_dma source(%dma_start3A_270 : memref<10000x128xf32, #tpu.memory_space<hbm>>) target(%arg15 : memref<128x128xf32, #tpu.memory_space<vmem>>) offsets(%dma_start3A_267 : memref<128xi32, #tpu.memory_space<vmem>>) semaphore(%arg18 : memref<!tpu.dma_semaphore, #tpu.memory_space<semaphore_mem>>)
      %dma_wait3A_271 = arith.constant 0 : i32
      %dma_wait3A_272 = tpu.memref_slice %arg9[%and3A_236, %dma_wait3A_271] : memref<8x128xi32, #tpu.memory_space<vmem>> -> memref<1x128xi32, #tpu.memory_space<vmem>>
      %dma_wait3A_273 = tpu.memref_squeeze %dma_wait3A_272 : memref<1x128xi32, #tpu.memory_space<vmem>> -> memref<128xi32, #tpu.memory_space<vmem>>
      %dma_wait3A_274 = arith.constant 0 : i32
      %dma_wait3A_275 = arith.constant 0 : i32
      %dma_wait3A_276 = tpu.memref_slice %arg2[%dma_wait3A_274, %dma_wait3A_275] : memref<10000x128xf32, #tpu.memory_space<hbm>> -> memref<10000x128xf32, #tpu.memory_space<hbm>>
      tpu.wait_indirect_dma semaphore(%arg17 : memref<!tpu.dma_semaphore, #tpu.memory_space<semaphore_mem>>) src(%dma_wait3A_276 : memref<10000x128xf32, #tpu.memory_space<hbm>>) dst(%arg14 : memref<128x128xf32, #tpu.memory_space<vmem>>)
      "tpu.region"() ({
        %run_scoped3A = tpu.sem_alloc : memref<!tpu.dma_semaphore, #tpu.memory_space<semaphore_mem>>
        %dma_start3A_323 = arith.constant 0 : i32
        %dma_start3A_324 = tpu.memref_slice %arg10[%and3A_236, %dma_start3A_323] : memref<8x128xi32, #tpu.memory_space<vmem>> -> memref<1x128xi32, #tpu.memory_space<vmem>>
        %dma_start3A_325 = tpu.memref_squeeze %dma_start3A_324 : memref<1x128xi32, #tpu.memory_space<vmem>> -> memref<128xi32, #tpu.memory_space<vmem>>
        %dma_start3A_326 = arith.constant 0 : i32
        %dma_start3A_327 = arith.constant 0 : i32
        %dma_start3A_328 = tpu.memref_slice %arg16[%dma_start3A_326, %dma_start3A_327] : memref<10240x128xf32, #tpu.memory_space<vmem_shared>> -> memref<10240x128xf32, #tpu.memory_space<vmem_shared>>
        tpu.enqueue_indirect_dma source(%arg14 : memref<128x128xf32, #tpu.memory_space<vmem>>) target(%dma_start3A_328 : memref<10240x128xf32, #tpu.memory_space<vmem_shared>>) offsets(%dma_start3A_325 : memref<128xi32, #tpu.memory_space<vmem>>) semaphore(%run_scoped3A : memref<!tpu.dma_semaphore, #tpu.memory_space<semaphore_mem>>) {add = true}
        %dma_wait3A_329 = arith.constant 0 : i32
        %dma_wait3A_330 = tpu.memref_slice %arg10[%and3A_236, %dma_wait3A_329] : memref<8x128xi32, #tpu.memory_space<vmem>> -> memref<1x128xi32, #tpu.memory_space<vmem>>
        %dma_wait3A_331 = tpu.memref_squeeze %dma_wait3A_330 : memref<1x128xi32, #tpu.memory_space<vmem>> -> memref<128xi32, #tpu.memory_space<vmem>>
        %dma_wait3A_332 = arith.constant 0 : i32
        %dma_wait3A_333 = arith.constant 0 : i32
        %dma_wait3A_334 = tpu.memref_slice %arg16[%dma_wait3A_332, %dma_wait3A_333] : memref<10240x128xf32, #tpu.memory_space<vmem_shared>> -> memref<10240x128xf32, #tpu.memory_space<vmem_shared>>
        tpu.wait_indirect_dma semaphore(%run_scoped3A : memref<!tpu.dma_semaphore, #tpu.memory_space<semaphore_mem>>) src(%arg14 : memref<128x128xf32, #tpu.memory_space<vmem>>) dst(%dma_wait3A_334 : memref<10240x128xf32, #tpu.memory_space<vmem_shared>>)
        tpu.yield
      }) : () -> ()
      %add3A_277 = arith.constant 8 : i32
      %add3A_278 = arith.addi %mul3A_234, %add3A_277 : i32
      %lt3A_279 = arith.cmpi slt, %add3A_278, %select_n3A : i32
      %convert_element_type3A_280 = arith.extui %lt3A_279 : i1 to i32
      %cond3A_281 = arith.constant 0 : i32
      %cond3A_282 = arith.cmpi ne, %convert_element_type3A_280, %cond3A_281 : i32
      scf.if %cond3A_282 {
        %add3A_323 = arith.constant 8 : i32
        %add3A_324 = arith.addi %mul3A_234, %add3A_323 : i32
        %and3A_325 = arith.constant 7 : i32
        %and3A_326 = arith.andi %mul3A_234, %and3A_325 : i32
        %mul3A_327 = arith.constant 128 : i32
        %mul3A_328 = arith.muli %add3A_324, %mul3A_327 : i32
        %add3A_329 = arith.addi %add3A, %mul3A_328 : i32
        %dma_start3A_330 = arith.constant 0 : i32
        %dma_start3A_331 = tpu.memref_slice %arg9[%and3A_326, %dma_start3A_330] : memref<8x128xi32, #tpu.memory_space<vmem>> -> memref<1x128xi32, #tpu.memory_space<vmem>>
        %dma_start3A_332 = tpu.memref_squeeze %dma_start3A_331 : memref<1x128xi32, #tpu.memory_space<vmem>> -> memref<128xi32, #tpu.memory_space<vmem>>
        %dma_start3A_333 = tpu.memref_slice %arg3[%add3A_329] : memref<320000xi32, #tpu.memory_space<hbm>> -> memref<128xi32, #tpu.memory_space<hbm>>
        %dma_start3A_334 = arith.constant 0 : i32
        %dma_start3A_335 = tpu.memref_slice %arg9[%and3A_326, %dma_start3A_334] : memref<8x128xi32, #tpu.memory_space<vmem>> -> memref<1x128xi32, #tpu.memory_space<vmem>>
        %dma_start3A_336 = tpu.memref_squeeze %dma_start3A_335 : memref<1x128xi32, #tpu.memory_space<vmem>> -> memref<128xi32, #tpu.memory_space<vmem>>
        %dma_start3A_337 = tpu.memref_slice %arg3[%add3A_329] : memref<320000xi32, #tpu.memory_space<hbm>> -> memref<128xi32, #tpu.memory_space<hbm>>
        tpu.enqueue_dma source(%dma_start3A_337 : memref<128xi32, #tpu.memory_space<hbm>>) target(%dma_start3A_336 : memref<128xi32, #tpu.memory_space<vmem>>) target_semaphore(%arg11 : memref<!tpu.dma_semaphore, #tpu.memory_space<semaphore_mem>>)
        %dma_start3A_338 = arith.constant 0 : i32
        %dma_start3A_339 = tpu.memref_slice %arg10[%and3A_326, %dma_start3A_338] : memref<8x128xi32, #tpu.memory_space<vmem>> -> memref<1x128xi32, #tpu.memory_space<vmem>>
        %dma_start3A_340 = tpu.memref_squeeze %dma_start3A_339 : memref<1x128xi32, #tpu.memory_space<vmem>> -> memref<128xi32, #tpu.memory_space<vmem>>
        %dma_start3A_341 = tpu.memref_slice %arg4[%add3A_329] : memref<320000xi32, #tpu.memory_space<hbm>> -> memref<128xi32, #tpu.memory_space<hbm>>
        %dma_start3A_342 = arith.constant 0 : i32
        %dma_start3A_343 = tpu.memref_slice %arg10[%and3A_326, %dma_start3A_342] : memref<8x128xi32, #tpu.memory_space<vmem>> -> memref<1x128xi32, #tpu.memory_space<vmem>>
        %dma_start3A_344 = tpu.memref_squeeze %dma_start3A_343 : memref<1x128xi32, #tpu.memory_space<vmem>> -> memref<128xi32, #tpu.memory_space<vmem>>
        %dma_start3A_345 = tpu.memref_slice %arg4[%add3A_329] : memref<320000xi32, #tpu.memory_space<hbm>> -> memref<128xi32, #tpu.memory_space<hbm>>
        tpu.enqueue_dma source(%dma_start3A_345 : memref<128xi32, #tpu.memory_space<hbm>>) target(%dma_start3A_344 : memref<128xi32, #tpu.memory_space<vmem>>) target_semaphore(%arg12 : memref<!tpu.dma_semaphore, #tpu.memory_space<semaphore_mem>>)
      } else {
      }
      %dma_wait3A_283 = arith.constant 0 : i32
      %dma_wait3A_284 = tpu.memref_slice %arg9[%and3A_244, %dma_wait3A_283] : memref<8x128xi32, #tpu.memory_space<vmem>> -> memref<1x128xi32, #tpu.memory_space<vmem>>
      %dma_wait3A_285 = tpu.memref_squeeze %dma_wait3A_284 : memref<1x128xi32, #tpu.memory_space<vmem>> -> memref<128xi32, #tpu.memory_space<vmem>>
      %dma_wait3A_286 = arith.constant 0 : i32
      %dma_wait3A_287 = tpu.memref_slice %arg3[%dma_wait3A_286] : memref<320000xi32, #tpu.memory_space<hbm>> -> memref<128xi32, #tpu.memory_space<hbm>>
      %dma_wait3A_288 = arith.constant 0 : i32
      %dma_wait3A_289 = tpu.memref_slice %arg9[%and3A_244, %dma_wait3A_288] : memref<8x128xi32, #tpu.memory_space<vmem>> -> memref<1x128xi32, #tpu.memory_space<vmem>>
      %dma_wait3A_290 = tpu.memref_squeeze %dma_wait3A_289 : memref<1x128xi32, #tpu.memory_space<vmem>> -> memref<128xi32, #tpu.memory_space<vmem>>
      %dma_wait3A_291 = arith.constant 0 : i32
      %dma_wait3A_292 = tpu.memref_slice %arg3[%dma_wait3A_291] : memref<320000xi32, #tpu.memory_space<hbm>> -> memref<128xi32, #tpu.memory_space<hbm>>
      tpu.wait_dma2 semaphore(%arg11 : memref<!tpu.dma_semaphore, #tpu.memory_space<semaphore_mem>>) src(%dma_wait3A_292 : memref<128xi32, #tpu.memory_space<hbm>>) dst(%dma_wait3A_290 : memref<128xi32, #tpu.memory_space<vmem>>)
      %dma_wait3A_293 = arith.constant 0 : i32
      %dma_wait3A_294 = tpu.memref_slice %arg10[%and3A_244, %dma_wait3A_293] : memref<8x128xi32, #tpu.memory_space<vmem>> -> memref<1x128xi32, #tpu.memory_space<vmem>>
      %dma_wait3A_295 = tpu.memref_squeeze %dma_wait3A_294 : memref<1x128xi32, #tpu.memory_space<vmem>> -> memref<128xi32, #tpu.memory_space<vmem>>
      %dma_wait3A_296 = arith.constant 0 : i32
      %dma_wait3A_297 = tpu.memref_slice %arg4[%dma_wait3A_296] : memref<320000xi32, #tpu.memory_space<hbm>> -> memref<128xi32, #tpu.memory_space<hbm>>
      %dma_wait3A_298 = arith.constant 0 : i32
      %dma_wait3A_299 = tpu.memref_slice %arg10[%and3A_244, %dma_wait3A_298] : memref<8x128xi32, #tpu.memory_space<vmem>> -> memref<1x128xi32, #tpu.memory_space<vmem>>
      %dma_wait3A_300 = tpu.memref_squeeze %dma_wait3A_299 : memref<1x128xi32, #tpu.memory_space<vmem>> -> memref<128xi32, #tpu.memory_space<vmem>>
      %dma_wait3A_301 = arith.constant 0 : i32
      %dma_wait3A_302 = tpu.memref_slice %arg4[%dma_wait3A_301] : memref<320000xi32, #tpu.memory_space<hbm>> -> memref<128xi32, #tpu.memory_space<hbm>>
      tpu.wait_dma2 semaphore(%arg12 : memref<!tpu.dma_semaphore, #tpu.memory_space<semaphore_mem>>) src(%dma_wait3A_302 : memref<128xi32, #tpu.memory_space<hbm>>) dst(%dma_wait3A_300 : memref<128xi32, #tpu.memory_space<vmem>>)
      %dma_start3A_303 = arith.constant 0 : i32
      %dma_start3A_304 = tpu.memref_slice %arg9[%and3A_244, %dma_start3A_303] : memref<8x128xi32, #tpu.memory_space<vmem>> -> memref<1x128xi32, #tpu.memory_space<vmem>>
      %dma_start3A_305 = tpu.memref_squeeze %dma_start3A_304 : memref<1x128xi32, #tpu.memory_space<vmem>> -> memref<128xi32, #tpu.memory_space<vmem>>
      %dma_start3A_306 = arith.constant 0 : i32
      %dma_start3A_307 = arith.constant 0 : i32
      %dma_start3A_308 = tpu.memref_slice %arg2[%dma_start3A_306, %dma_start3A_307] : memref<10000x128xf32, #tpu.memory_space<hbm>> -> memref<10000x128xf32, #tpu.memory_space<hbm>>
      tpu.enqueue_indirect_dma source(%dma_start3A_308 : memref<10000x128xf32, #tpu.memory_space<hbm>>) target(%arg14 : memref<128x128xf32, #tpu.memory_space<vmem>>) offsets(%dma_start3A_305 : memref<128xi32, #tpu.memory_space<vmem>>) semaphore(%arg17 : memref<!tpu.dma_semaphore, #tpu.memory_space<semaphore_mem>>)
      %dma_wait3A_309 = arith.constant 0 : i32
      %dma_wait3A_310 = tpu.memref_slice %arg9[%and3A_240, %dma_wait3A_309] : memref<8x128xi32, #tpu.memory_space<vmem>> -> memref<1x128xi32, #tpu.memory_space<vmem>>
      %dma_wait3A_311 = tpu.memref_squeeze %dma_wait3A_310 : memref<1x128xi32, #tpu.memory_space<vmem>> -> memref<128xi32, #tpu.memory_space<vmem>>
      %dma_wait3A_312 = arith.constant 0 : i32
      %dma_wait3A_313 = arith.constant 0 : i32
      %dma_wait3A_314 = tpu.memref_slice %arg2[%dma_wait3A_312, %dma_wait3A_313] : memref<10000x128xf32, #tpu.memory_space<hbm>> -> memref<10000x128xf32, #tpu.memory_space<hbm>>
      tpu.wait_indirect_dma semaphore(%arg18 : memref<!tpu.dma_semaphore, #tpu.memory_space<semaphore_mem>>) src(%dma_wait3A_314 : memref<10000x128xf32, #tpu.memory_space<hbm>>) dst(%arg15 : memref<128x128xf32, #tpu.memory_space<vmem>>)
      %add3A_315 = arith.constant 1 : i32
      %add3A_316 = arith.addi %mul3A_234, %add3A_315 : i32
      "tpu.region"() ({
        %run_scoped3A = tpu.sem_alloc : memref<!tpu.dma_semaphore, #tpu.memory_space<semaphore_mem>>
        %dma_start3A_323 = arith.constant 0 : i32
        %dma_start3A_324 = tpu.memref_slice %arg10[%and3A_240, %dma_start3A_323] : memref<8x128xi32, #tpu.memory_space<vmem>> -> memref<1x128xi32, #tpu.memory_space<vmem>>
        %dma_start3A_325 = tpu.memref_squeeze %dma_start3A_324 : memref<1x128xi32, #tpu.memory_space<vmem>> -> memref<128xi32, #tpu.memory_space<vmem>>
        %dma_start3A_326 = arith.constant 0 : i32
        %dma_start3A_327 = arith.constant 0 : i32
        %dma_start3A_328 = tpu.memref_slice %arg16[%dma_start3A_326, %dma_start3A_327] : memref<10240x128xf32, #tpu.memory_space<vmem_shared>> -> memref<10240x128xf32, #tpu.memory_space<vmem_shared>>
        tpu.enqueue_indirect_dma source(%arg15 : memref<128x128xf32, #tpu.memory_space<vmem>>) target(%dma_start3A_328 : memref<10240x128xf32, #tpu.memory_space<vmem_shared>>) offsets(%dma_start3A_325 : memref<128xi32, #tpu.memory_space<vmem>>) semaphore(%run_scoped3A : memref<!tpu.dma_semaphore, #tpu.memory_space<semaphore_mem>>) {add = true}
        %dma_wait3A_329 = arith.constant 0 : i32
        %dma_wait3A_330 = tpu.memref_slice %arg10[%and3A_240, %dma_wait3A_329] : memref<8x128xi32, #tpu.memory_space<vmem>> -> memref<1x128xi32, #tpu.memory_space<vmem>>
        %dma_wait3A_331 = tpu.memref_squeeze %dma_wait3A_330 : memref<1x128xi32, #tpu.memory_space<vmem>> -> memref<128xi32, #tpu.memory_space<vmem>>
        %dma_wait3A_332 = arith.constant 0 : i32
        %dma_wait3A_333 = arith.constant 0 : i32
        %dma_wait3A_334 = tpu.memref_slice %arg16[%dma_wait3A_332, %dma_wait3A_333] : memref<10240x128xf32, #tpu.memory_space<vmem_shared>> -> memref<10240x128xf32, #tpu.memory_space<vmem_shared>>
        tpu.wait_indirect_dma semaphore(%run_scoped3A : memref<!tpu.dma_semaphore, #tpu.memory_space<semaphore_mem>>) src(%arg15 : memref<128x128xf32, #tpu.memory_space<vmem>>) dst(%dma_wait3A_334 : memref<10240x128xf32, #tpu.memory_space<vmem_shared>>)
        tpu.yield
      }) : () -> ()
      %add3A_317 = arith.constant 8 : i32
      %add3A_318 = arith.addi %add3A_316, %add3A_317 : i32
      %lt3A_319 = arith.cmpi slt, %add3A_318, %select_n3A : i32
      %convert_element_type3A_320 = arith.extui %lt3A_319 : i1 to i32
      %cond3A_321 = arith.constant 0 : i32
      %cond3A_322 = arith.cmpi ne, %convert_element_type3A_320, %cond3A_321 : i32
      scf.if %cond3A_322 {
        %add3A_323 = arith.constant 8 : i32
        %add3A_324 = arith.addi %add3A_316, %add3A_323 : i32
        %and3A_325 = arith.constant 7 : i32
        %and3A_326 = arith.andi %add3A_316, %and3A_325 : i32
        %mul3A_327 = arith.constant 128 : i32
        %mul3A_328 = arith.muli %add3A_324, %mul3A_327 : i32
        %add3A_329 = arith.addi %add3A, %mul3A_328 : i32
        %dma_start3A_330 = arith.constant 0 : i32
        %dma_start3A_331 = tpu.memref_slice %arg9[%and3A_326, %dma_start3A_330] : memref<8x128xi32, #tpu.memory_space<vmem>> -> memref<1x128xi32, #tpu.memory_space<vmem>>
        %dma_start3A_332 = tpu.memref_squeeze %dma_start3A_331 : memref<1x128xi32, #tpu.memory_space<vmem>> -> memref<128xi32, #tpu.memory_space<vmem>>
        %dma_start3A_333 = tpu.memref_slice %arg3[%add3A_329] : memref<320000xi32, #tpu.memory_space<hbm>> -> memref<128xi32, #tpu.memory_space<hbm>>
        %dma_start3A_334 = arith.constant 0 : i32
        %dma_start3A_335 = tpu.memref_slice %arg9[%and3A_326, %dma_start3A_334] : memref<8x128xi32, #tpu.memory_space<vmem>> -> memref<1x128xi32, #tpu.memory_space<vmem>>
        %dma_start3A_336 = tpu.memref_squeeze %dma_start3A_335 : memref<1x128xi32, #tpu.memory_space<vmem>> -> memref<128xi32, #tpu.memory_space<vmem>>
        %dma_start3A_337 = tpu.memref_slice %arg3[%add3A_329] : memref<320000xi32, #tpu.memory_space<hbm>> -> memref<128xi32, #tpu.memory_space<hbm>>
        tpu.enqueue_dma source(%dma_start3A_337 : memref<128xi32, #tpu.memory_space<hbm>>) target(%dma_start3A_336 : memref<128xi32, #tpu.memory_space<vmem>>) target_semaphore(%arg11 : memref<!tpu.dma_semaphore, #tpu.memory_space<semaphore_mem>>)
        %dma_start3A_338 = arith.constant 0 : i32
        %dma_start3A_339 = tpu.memref_slice %arg10[%and3A_326, %dma_start3A_338] : memref<8x128xi32, #tpu.memory_space<vmem>> -> memref<1x128xi32, #tpu.memory_space<vmem>>
        %dma_start3A_340 = tpu.memref_squeeze %dma_start3A_339 : memref<1x128xi32, #tpu.memory_space<vmem>> -> memref<128xi32, #tpu.memory_space<vmem>>
        %dma_start3A_341 = tpu.memref_slice %arg4[%add3A_329] : memref<320000xi32, #tpu.memory_space<hbm>> -> memref<128xi32, #tpu.memory_space<hbm>>
        %dma_start3A_342 = arith.constant 0 : i32
        %dma_start3A_343 = tpu.memref_slice %arg10[%and3A_326, %dma_start3A_342] : memref<8x128xi32, #tpu.memory_space<vmem>> -> memref<1x128xi32, #tpu.memory_space<vmem>>
        %dma_start3A_344 = tpu.memref_squeeze %dma_start3A_343 : memref<1x128xi32, #tpu.memory_space<vmem>> -> memref<128xi32, #tpu.memory_space<vmem>>
        %dma_start3A_345 = tpu.memref_slice %arg4[%add3A_329] : memref<320000xi32, #tpu.memory_space<hbm>> -> memref<128xi32, #tpu.memory_space<hbm>>
        tpu.enqueue_dma source(%dma_start3A_345 : memref<128xi32, #tpu.memory_space<hbm>>) target(%dma_start3A_344 : memref<128xi32, #tpu.memory_space<vmem>>) target_semaphore(%arg12 : memref<!tpu.dma_semaphore, #tpu.memory_space<semaphore_mem>>)
      } else {
      }
    }
    %while3A_215 = arith.constant 1 : i32
    scf.for %while3A_232 = %while3A_213 to %while3A_209 step %while3A_215  : i32 {
      %mul3A_233 = arith.constant 2 : i32
      %mul3A_234 = arith.muli %mul3A_233, %while3A_232 : i32
      %and3A_235 = arith.constant 7 : i32
      %and3A_236 = arith.andi %mul3A_234, %and3A_235 : i32
      %add3A_237 = arith.constant 1 : i32
      %add3A_238 = arith.addi %mul3A_234, %add3A_237 : i32
      %and3A_239 = arith.constant 7 : i32
      %and3A_240 = arith.andi %add3A_238, %and3A_239 : i32
      %add3A_241 = arith.constant 2 : i32
      %add3A_242 = arith.addi %mul3A_234, %add3A_241 : i32
      %and3A_243 = arith.constant 7 : i32
      %and3A_244 = arith.andi %add3A_242, %and3A_243 : i32
      %dma_wait3A_245 = arith.constant 0 : i32
      %dma_wait3A_246 = tpu.memref_slice %arg9[%and3A_240, %dma_wait3A_245] : memref<8x128xi32, #tpu.memory_space<vmem>> -> memref<1x128xi32, #tpu.memory_space<vmem>>
      %dma_wait3A_247 = tpu.memref_squeeze %dma_wait3A_246 : memref<1x128xi32, #tpu.memory_space<vmem>> -> memref<128xi32, #tpu.memory_space<vmem>>
      %dma_wait3A_248 = arith.constant 0 : i32
      %dma_wait3A_249 = tpu.memref_slice %arg3[%dma_wait3A_248] : memref<320000xi32, #tpu.memory_space<hbm>> -> memref<128xi32, #tpu.memory_space<hbm>>
      %dma_wait3A_250 = arith.constant 0 : i32
      %dma_wait3A_251 = tpu.memref_slice %arg9[%and3A_240, %dma_wait3A_250] : memref<8x128xi32, #tpu.memory_space<vmem>> -> memref<1x128xi32, #tpu.memory_space<vmem>>
      %dma_wait3A_252 = tpu.memref_squeeze %dma_wait3A_251 : memref<1x128xi32, #tpu.memory_space<vmem>> -> memref<128xi32, #tpu.memory_space<vmem>>
      %dma_wait3A_253 = arith.constant 0 : i32
      %dma_wait3A_254 = tpu.memref_slice %arg3[%dma_wait3A_253] : memref<320000xi32, #tpu.memory_space<hbm>> -> memref<128xi32, #tpu.memory_space<hbm>>
      tpu.wait_dma2 semaphore(%arg11 : memref<!tpu.dma_semaphore, #tpu.memory_space<semaphore_mem>>) src(%dma_wait3A_254 : memref<128xi32, #tpu.memory_space<hbm>>) dst(%dma_wait3A_252 : memref<128xi32, #tpu.memory_space<vmem>>)
      %dma_wait3A_255 = arith.constant 0 : i32
      %dma_wait3A_256 = tpu.memref_slice %arg10[%and3A_240, %dma_wait3A_255] : memref<8x128xi32, #tpu.memory_space<vmem>> -> memref<1x128xi32, #tpu.memory_space<vmem>>
      %dma_wait3A_257 = tpu.memref_squeeze %dma_wait3A_256 : memref<1x128xi32, #tpu.memory_space<vmem>> -> memref<128xi32, #tpu.memory_space<vmem>>
      %dma_wait3A_258 = arith.constant 0 : i32
      %dma_wait3A_259 = tpu.memref_slice %arg4[%dma_wait3A_258] : memref<320000xi32, #tpu.memory_space<hbm>> -> memref<128xi32, #tpu.memory_space<hbm>>
      %dma_wait3A_260 = arith.constant 0 : i32
      %dma_wait3A_261 = tpu.memref_slice %arg10[%and3A_240, %dma_wait3A_260] : memref<8x128xi32, #tpu.memory_space<vmem>> -> memref<1x128xi32, #tpu.memory_space<vmem>>
      %dma_wait3A_262 = tpu.memref_squeeze %dma_wait3A_261 : memref<1x128xi32, #tpu.memory_space<vmem>> -> memref<128xi32, #tpu.memory_space<vmem>>
      %dma_wait3A_263 = arith.constant 0 : i32
      %dma_wait3A_264 = tpu.memref_slice %arg4[%dma_wait3A_263] : memref<320000xi32, #tpu.memory_space<hbm>> -> memref<128xi32, #tpu.memory_space<hbm>>
      tpu.wait_dma2 semaphore(%arg12 : memref<!tpu.dma_semaphore, #tpu.memory_space<semaphore_mem>>) src(%dma_wait3A_264 : memref<128xi32, #tpu.memory_space<hbm>>) dst(%dma_wait3A_262 : memref<128xi32, #tpu.memory_space<vmem>>)
      %dma_start3A_265 = arith.constant 0 : i32
      %dma_start3A_266 = tpu.memref_slice %arg9[%and3A_240, %dma_start3A_265] : memref<8x128xi32, #tpu.memory_space<vmem>> -> memref<1x128xi32, #tpu.memory_space<vmem>>
      %dma_start3A_267 = tpu.memref_squeeze %dma_start3A_266 : memref<1x128xi32, #tpu.memory_space<vmem>> -> memref<128xi32, #tpu.memory_space<vmem>>
      %dma_start3A_268 = arith.constant 0 : i32
      %dma_start3A_269 = arith.constant 0 : i32
      %dma_start3A_270 = tpu.memref_slice %arg2[%dma_start3A_268, %dma_start3A_269] : memref<10000x128xf32, #tpu.memory_space<hbm>> -> memref<10000x128xf32, #tpu.memory_space<hbm>>
      tpu.enqueue_indirect_dma source(%dma_start3A_270 : memref<10000x128xf32, #tpu.memory_space<hbm>>) target(%arg15 : memref<128x128xf32, #tpu.memory_space<vmem>>) offsets(%dma_start3A_267 : memref<128xi32, #tpu.memory_space<vmem>>) semaphore(%arg18 : memref<!tpu.dma_semaphore, #tpu.memory_space<semaphore_mem>>)
      %dma_wait3A_271 = arith.constant 0 : i32
      %dma_wait3A_272 = tpu.memref_slice %arg9[%and3A_236, %dma_wait3A_271] : memref<8x128xi32, #tpu.memory_space<vmem>> -> memref<1x128xi32, #tpu.memory_space<vmem>>
      %dma_wait3A_273 = tpu.memref_squeeze %dma_wait3A_272 : memref<1x128xi32, #tpu.memory_space<vmem>> -> memref<128xi32, #tpu.memory_space<vmem>>
      %dma_wait3A_274 = arith.constant 0 : i32
      %dma_wait3A_275 = arith.constant 0 : i32
      %dma_wait3A_276 = tpu.memref_slice %arg2[%dma_wait3A_274, %dma_wait3A_275] : memref<10000x128xf32, #tpu.memory_space<hbm>> -> memref<10000x128xf32, #tpu.memory_space<hbm>>
      tpu.wait_indirect_dma semaphore(%arg17 : memref<!tpu.dma_semaphore, #tpu.memory_space<semaphore_mem>>) src(%dma_wait3A_276 : memref<10000x128xf32, #tpu.memory_space<hbm>>) dst(%arg14 : memref<128x128xf32, #tpu.memory_space<vmem>>)
      "tpu.region"() ({
        %run_scoped3A = tpu.sem_alloc : memref<!tpu.dma_semaphore, #tpu.memory_space<semaphore_mem>>
        %dma_start3A_323 = arith.constant 0 : i32
        %dma_start3A_324 = tpu.memref_slice %arg10[%and3A_236, %dma_start3A_323] : memref<8x128xi32, #tpu.memory_space<vmem>> -> memref<1x128xi32, #tpu.memory_space<vmem>>
        %dma_start3A_325 = tpu.memref_squeeze %dma_start3A_324 : memref<1x128xi32, #tpu.memory_space<vmem>> -> memref<128xi32, #tpu.memory_space<vmem>>
        %dma_start3A_326 = arith.constant 0 : i32
        %dma_start3A_327 = arith.constant 0 : i32
        %dma_start3A_328 = tpu.memref_slice %arg16[%dma_start3A_326, %dma_start3A_327] : memref<10240x128xf32, #tpu.memory_space<vmem_shared>> -> memref<10240x128xf32, #tpu.memory_space<vmem_shared>>
        tpu.enqueue_indirect_dma source(%arg14 : memref<128x128xf32, #tpu.memory_space<vmem>>) target(%dma_start3A_328 : memref<10240x128xf32, #tpu.memory_space<vmem_shared>>) offsets(%dma_start3A_325 : memref<128xi32, #tpu.memory_space<vmem>>) semaphore(%run_scoped3A : memref<!tpu.dma_semaphore, #tpu.memory_space<semaphore_mem>>) {add = true}
        %dma_wait3A_329 = arith.constant 0 : i32
        %dma_wait3A_330 = tpu.memref_slice %arg10[%and3A_236, %dma_wait3A_329] : memref<8x128xi32, #tpu.memory_space<vmem>> -> memref<1x128xi32, #tpu.memory_space<vmem>>
        %dma_wait3A_331 = tpu.memref_squeeze %dma_wait3A_330 : memref<1x128xi32, #tpu.memory_space<vmem>> -> memref<128xi32, #tpu.memory_space<vmem>>
        %dma_wait3A_332 = arith.constant 0 : i32
        %dma_wait3A_333 = arith.constant 0 : i32
        %dma_wait3A_334 = tpu.memref_slice %arg16[%dma_wait3A_332, %dma_wait3A_333] : memref<10240x128xf32, #tpu.memory_space<vmem_shared>> -> memref<10240x128xf32, #tpu.memory_space<vmem_shared>>
        tpu.wait_indirect_dma semaphore(%run_scoped3A : memref<!tpu.dma_semaphore, #tpu.memory_space<semaphore_mem>>) src(%arg14 : memref<128x128xf32, #tpu.memory_space<vmem>>) dst(%dma_wait3A_334 : memref<10240x128xf32, #tpu.memory_space<vmem_shared>>)
        tpu.yield
      }) : () -> ()
      %add3A_277 = arith.constant 8 : i32
      %add3A_278 = arith.addi %mul3A_234, %add3A_277 : i32
      %lt3A_279 = arith.cmpi slt, %add3A_278, %select_n3A : i32
      %convert_element_type3A_280 = arith.extui %lt3A_279 : i1 to i32
      %cond3A_281 = arith.constant 0 : i32
      %cond3A_282 = arith.cmpi ne, %convert_element_type3A_280, %cond3A_281 : i32
      scf.if %cond3A_282 {
        %add3A_323 = arith.constant 8 : i32
        %add3A_324 = arith.addi %mul3A_234, %add3A_323 : i32
        %and3A_325 = arith.constant 7 : i32
        %and3A_326 = arith.andi %mul3A_234, %and3A_325 : i32
        %mul3A_327 = arith.constant 128 : i32
        %mul3A_328 = arith.muli %add3A_324, %mul3A_327 : i32
        %add3A_329 = arith.addi %add3A, %mul3A_328 : i32
        %dma_start3A_330 = arith.constant 0 : i32
        %dma_start3A_331 = tpu.memref_slice %arg9[%and3A_326, %dma_start3A_330] : memref<8x128xi32, #tpu.memory_space<vmem>> -> memref<1x128xi32, #tpu.memory_space<vmem>>
        %dma_start3A_332 = tpu.memref_squeeze %dma_start3A_331 : memref<1x128xi32, #tpu.memory_space<vmem>> -> memref<128xi32, #tpu.memory_space<vmem>>
        %dma_start3A_333 = tpu.memref_slice %arg3[%add3A_329] : memref<320000xi32, #tpu.memory_space<hbm>> -> memref<128xi32, #tpu.memory_space<hbm>>
        %dma_start3A_334 = arith.constant 0 : i32
        %dma_start3A_335 = tpu.memref_slice %arg9[%and3A_326, %dma_start3A_334] : memref<8x128xi32, #tpu.memory_space<vmem>> -> memref<1x128xi32, #tpu.memory_space<vmem>>
        %dma_start3A_336 = tpu.memref_squeeze %dma_start3A_335 : memref<1x128xi32, #tpu.memory_space<vmem>> -> memref<128xi32, #tpu.memory_space<vmem>>
        %dma_start3A_337 = tpu.memref_slice %arg3[%add3A_329] : memref<320000xi32, #tpu.memory_space<hbm>> -> memref<128xi32, #tpu.memory_space<hbm>>
        tpu.enqueue_dma source(%dma_start3A_337 : memref<128xi32, #tpu.memory_space<hbm>>) target(%dma_start3A_336 : memref<128xi32, #tpu.memory_space<vmem>>) target_semaphore(%arg11 : memref<!tpu.dma_semaphore, #tpu.memory_space<semaphore_mem>>)
        %dma_start3A_338 = arith.constant 0 : i32
        %dma_start3A_339 = tpu.memref_slice %arg10[%and3A_326, %dma_start3A_338] : memref<8x128xi32, #tpu.memory_space<vmem>> -> memref<1x128xi32, #tpu.memory_space<vmem>>
        %dma_start3A_340 = tpu.memref_squeeze %dma_start3A_339 : memref<1x128xi32, #tpu.memory_space<vmem>> -> memref<128xi32, #tpu.memory_space<vmem>>
        %dma_start3A_341 = tpu.memref_slice %arg4[%add3A_329] : memref<320000xi32, #tpu.memory_space<hbm>> -> memref<128xi32, #tpu.memory_space<hbm>>
        %dma_start3A_342 = arith.constant 0 : i32
        %dma_start3A_343 = tpu.memref_slice %arg10[%and3A_326, %dma_start3A_342] : memref<8x128xi32, #tpu.memory_space<vmem>> -> memref<1x128xi32, #tpu.memory_space<vmem>>
        %dma_start3A_344 = tpu.memref_squeeze %dma_start3A_343 : memref<1x128xi32, #tpu.memory_space<vmem>> -> memref<128xi32, #tpu.memory_space<vmem>>
        %dma_start3A_345 = tpu.memref_slice %arg4[%add3A_329] : memref<320000xi32, #tpu.memory_space<hbm>> -> memref<128xi32, #tpu.memory_space<hbm>>
        tpu.enqueue_dma source(%dma_start3A_345 : memref<128xi32, #tpu.memory_space<hbm>>) target(%dma_start3A_344 : memref<128xi32, #tpu.memory_space<vmem>>) target_semaphore(%arg12 : memref<!tpu.dma_semaphore, #tpu.memory_space<semaphore_mem>>)
      } else {
      }
      %dma_wait3A_283 = arith.constant 0 : i32
      %dma_wait3A_284 = tpu.memref_slice %arg9[%and3A_244, %dma_wait3A_283] : memref<8x128xi32, #tpu.memory_space<vmem>> -> memref<1x128xi32, #tpu.memory_space<vmem>>
      %dma_wait3A_285 = tpu.memref_squeeze %dma_wait3A_284 : memref<1x128xi32, #tpu.memory_space<vmem>> -> memref<128xi32, #tpu.memory_space<vmem>>
      %dma_wait3A_286 = arith.constant 0 : i32
      %dma_wait3A_287 = tpu.memref_slice %arg3[%dma_wait3A_286] : memref<320000xi32, #tpu.memory_space<hbm>> -> memref<128xi32, #tpu.memory_space<hbm>>
      %dma_wait3A_288 = arith.constant 0 : i32
      %dma_wait3A_289 = tpu.memref_slice %arg9[%and3A_244, %dma_wait3A_288] : memref<8x128xi32, #tpu.memory_space<vmem>> -> memref<1x128xi32, #tpu.memory_space<vmem>>
      %dma_wait3A_290 = tpu.memref_squeeze %dma_wait3A_289 : memref<1x128xi32, #tpu.memory_space<vmem>> -> memref<128xi32, #tpu.memory_space<vmem>>
      %dma_wait3A_291 = arith.constant 0 : i32
      %dma_wait3A_292 = tpu.memref_slice %arg3[%dma_wait3A_291] : memref<320000xi32, #tpu.memory_space<hbm>> -> memref<128xi32, #tpu.memory_space<hbm>>
      tpu.wait_dma2 semaphore(%arg11 : memref<!tpu.dma_semaphore, #tpu.memory_space<semaphore_mem>>) src(%dma_wait3A_292 : memref<128xi32, #tpu.memory_space<hbm>>) dst(%dma_wait3A_290 : memref<128xi32, #tpu.memory_space<vmem>>)
      %dma_wait3A_293 = arith.constant 0 : i32
      %dma_wait3A_294 = tpu.memref_slice %arg10[%and3A_244, %dma_wait3A_293] : memref<8x128xi32, #tpu.memory_space<vmem>> -> memref<1x128xi32, #tpu.memory_space<vmem>>
      %dma_wait3A_295 = tpu.memref_squeeze %dma_wait3A_294 : memref<1x128xi32, #tpu.memory_space<vmem>> -> memref<128xi32, #tpu.memory_space<vmem>>
      %dma_wait3A_296 = arith.constant 0 : i32
      %dma_wait3A_297 = tpu.memref_slice %arg4[%dma_wait3A_296] : memref<320000xi32, #tpu.memory_space<hbm>> -> memref<128xi32, #tpu.memory_space<hbm>>
      %dma_wait3A_298 = arith.constant 0 : i32
      %dma_wait3A_299 = tpu.memref_slice %arg10[%and3A_244, %dma_wait3A_298] : memref<8x128xi32, #tpu.memory_space<vmem>> -> memref<1x128xi32, #tpu.memory_space<vmem>>
      %dma_wait3A_300 = tpu.memref_squeeze %dma_wait3A_299 : memref<1x128xi32, #tpu.memory_space<vmem>> -> memref<128xi32, #tpu.memory_space<vmem>>
      %dma_wait3A_301 = arith.constant 0 : i32
      %dma_wait3A_302 = tpu.memref_slice %arg4[%dma_wait3A_301] : memref<320000xi32, #tpu.memory_space<hbm>> -> memref<128xi32, #tpu.memory_space<hbm>>
      tpu.wait_dma2 semaphore(%arg12 : memref<!tpu.dma_semaphore, #tpu.memory_space<semaphore_mem>>) src(%dma_wait3A_302 : memref<128xi32, #tpu.memory_space<hbm>>) dst(%dma_wait3A_300 : memref<128xi32, #tpu.memory_space<vmem>>)
      %dma_start3A_303 = arith.constant 0 : i32
      %dma_start3A_304 = tpu.memref_slice %arg9[%and3A_244, %dma_start3A_303] : memref<8x128xi32, #tpu.memory_space<vmem>> -> memref<1x128xi32, #tpu.memory_space<vmem>>
      %dma_start3A_305 = tpu.memref_squeeze %dma_start3A_304 : memref<1x128xi32, #tpu.memory_space<vmem>> -> memref<128xi32, #tpu.memory_space<vmem>>
      %dma_start3A_306 = arith.constant 0 : i32
      %dma_start3A_307 = arith.constant 0 : i32
      %dma_start3A_308 = tpu.memref_slice %arg2[%dma_start3A_306, %dma_start3A_307] : memref<10000x128xf32, #tpu.memory_space<hbm>> -> memref<10000x128xf32, #tpu.memory_space<hbm>>
      tpu.enqueue_indirect_dma source(%dma_start3A_308 : memref<10000x128xf32, #tpu.memory_space<hbm>>) target(%arg14 : memref<128x128xf32, #tpu.memory_space<vmem>>) offsets(%dma_start3A_305 : memref<128xi32, #tpu.memory_space<vmem>>) semaphore(%arg17 : memref<!tpu.dma_semaphore, #tpu.memory_space<semaphore_mem>>)
      %dma_wait3A_309 = arith.constant 0 : i32
      %dma_wait3A_310 = tpu.memref_slice %arg9[%and3A_240, %dma_wait3A_309] : memref<8x128xi32, #tpu.memory_space<vmem>> -> memref<1x128xi32, #tpu.memory_space<vmem>>
      %dma_wait3A_311 = tpu.memref_squeeze %dma_wait3A_310 : memref<1x128xi32, #tpu.memory_space<vmem>> -> memref<128xi32, #tpu.memory_space<vmem>>
      %dma_wait3A_312 = arith.constant 0 : i32
      %dma_wait3A_313 = arith.constant 0 : i32
      %dma_wait3A_314 = tpu.memref_slice %arg2[%dma_wait3A_312, %dma_wait3A_313] : memref<10000x128xf32, #tpu.memory_space<hbm>> -> memref<10000x128xf32, #tpu.memory_space<hbm>>
      tpu.wait_indirect_dma semaphore(%arg18 : memref<!tpu.dma_semaphore, #tpu.memory_space<semaphore_mem>>) src(%dma_wait3A_314 : memref<10000x128xf32, #tpu.memory_space<hbm>>) dst(%arg15 : memref<128x128xf32, #tpu.memory_space<vmem>>)
      %add3A_315 = arith.constant 1 : i32
      %add3A_316 = arith.addi %mul3A_234, %add3A_315 : i32
      "tpu.region"() ({
        %run_scoped3A = tpu.sem_alloc : memref<!tpu.dma_semaphore, #tpu.memory_space<semaphore_mem>>
        %dma_start3A_323 = arith.constant 0 : i32
        %dma_start3A_324 = tpu.memref_slice %arg10[%and3A_240, %dma_start3A_323] : memref<8x128xi32, #tpu.memory_space<vmem>> -> memref<1x128xi32, #tpu.memory_space<vmem>>
        %dma_start3A_325 = tpu.memref_squeeze %dma_start3A_324 : memref<1x128xi32, #tpu.memory_space<vmem>> -> memref<128xi32, #tpu.memory_space<vmem>>
        %dma_start3A_326 = arith.constant 0 : i32
        %dma_start3A_327 = arith.constant 0 : i32
        %dma_start3A_328 = tpu.memref_slice %arg16[%dma_start3A_326, %dma_start3A_327] : memref<10240x128xf32, #tpu.memory_space<vmem_shared>> -> memref<10240x128xf32, #tpu.memory_space<vmem_shared>>
        tpu.enqueue_indirect_dma source(%arg15 : memref<128x128xf32, #tpu.memory_space<vmem>>) target(%dma_start3A_328 : memref<10240x128xf32, #tpu.memory_space<vmem_shared>>) offsets(%dma_start3A_325 : memref<128xi32, #tpu.memory_space<vmem>>) semaphore(%run_scoped3A : memref<!tpu.dma_semaphore, #tpu.memory_space<semaphore_mem>>) {add = true}
        %dma_wait3A_329 = arith.constant 0 : i32
        %dma_wait3A_330 = tpu.memref_slice %arg10[%and3A_240, %dma_wait3A_329] : memref<8x128xi32, #tpu.memory_space<vmem>> -> memref<1x128xi32, #tpu.memory_space<vmem>>
        %dma_wait3A_331 = tpu.memref_squeeze %dma_wait3A_330 : memref<1x128xi32, #tpu.memory_space<vmem>> -> memref<128xi32, #tpu.memory_space<vmem>>
        %dma_wait3A_332 = arith.constant 0 : i32
        %dma_wait3A_333 = arith.constant 0 : i32
        %dma_wait3A_334 = tpu.memref_slice %arg16[%dma_wait3A_332, %dma_wait3A_333] : memref<10240x128xf32, #tpu.memory_space<vmem_shared>> -> memref<10240x128xf32, #tpu.memory_space<vmem_shared>>
        tpu.wait_indirect_dma semaphore(%run_scoped3A : memref<!tpu.dma_semaphore, #tpu.memory_space<semaphore_mem>>) src(%arg15 : memref<128x128xf32, #tpu.memory_space<vmem>>) dst(%dma_wait3A_334 : memref<10240x128xf32, #tpu.memory_space<vmem_shared>>)
        tpu.yield
      }) : () -> ()
      %add3A_317 = arith.constant 8 : i32
      %add3A_318 = arith.addi %add3A_316, %add3A_317 : i32
      %lt3A_319 = arith.cmpi slt, %add3A_318, %select_n3A : i32
      %convert_element_type3A_320 = arith.extui %lt3A_319 : i1 to i32
      %cond3A_321 = arith.constant 0 : i32
      %cond3A_322 = arith.cmpi ne, %convert_element_type3A_320, %cond3A_321 : i32
      scf.if %cond3A_322 {
        %add3A_323 = arith.constant 8 : i32
        %add3A_324 = arith.addi %add3A_316, %add3A_323 : i32
        %and3A_325 = arith.constant 7 : i32
        %and3A_326 = arith.andi %add3A_316, %and3A_325 : i32
        %mul3A_327 = arith.constant 128 : i32
        %mul3A_328 = arith.muli %add3A_324, %mul3A_327 : i32
        %add3A_329 = arith.addi %add3A, %mul3A_328 : i32
        %dma_start3A_330 = arith.constant 0 : i32
        %dma_start3A_331 = tpu.memref_slice %arg9[%and3A_326, %dma_start3A_330] : memref<8x128xi32, #tpu.memory_space<vmem>> -> memref<1x128xi32, #tpu.memory_space<vmem>>
        %dma_start3A_332 = tpu.memref_squeeze %dma_start3A_331 : memref<1x128xi32, #tpu.memory_space<vmem>> -> memref<128xi32, #tpu.memory_space<vmem>>
        %dma_start3A_333 = tpu.memref_slice %arg3[%add3A_329] : memref<320000xi32, #tpu.memory_space<hbm>> -> memref<128xi32, #tpu.memory_space<hbm>>
        %dma_start3A_334 = arith.constant 0 : i32
        %dma_start3A_335 = tpu.memref_slice %arg9[%and3A_326, %dma_start3A_334] : memref<8x128xi32, #tpu.memory_space<vmem>> -> memref<1x128xi32, #tpu.memory_space<vmem>>
        %dma_start3A_336 = tpu.memref_squeeze %dma_start3A_335 : memref<1x128xi32, #tpu.memory_space<vmem>> -> memref<128xi32, #tpu.memory_space<vmem>>
        %dma_start3A_337 = tpu.memref_slice %arg3[%add3A_329] : memref<320000xi32, #tpu.memory_space<hbm>> -> memref<128xi32, #tpu.memory_space<hbm>>
        tpu.enqueue_dma source(%dma_start3A_337 : memref<128xi32, #tpu.memory_space<hbm>>) target(%dma_start3A_336 : memref<128xi32, #tpu.memory_space<vmem>>) target_semaphore(%arg11 : memref<!tpu.dma_semaphore, #tpu.memory_space<semaphore_mem>>)
        %dma_start3A_338 = arith.constant 0 : i32
        %dma_start3A_339 = tpu.memref_slice %arg10[%and3A_326, %dma_start3A_338] : memref<8x128xi32, #tpu.memory_space<vmem>> -> memref<1x128xi32, #tpu.memory_space<vmem>>
        %dma_start3A_340 = tpu.memref_squeeze %dma_start3A_339 : memref<1x128xi32, #tpu.memory_space<vmem>> -> memref<128xi32, #tpu.memory_space<vmem>>
        %dma_start3A_341 = tpu.memref_slice %arg4[%add3A_329] : memref<320000xi32, #tpu.memory_space<hbm>> -> memref<128xi32, #tpu.memory_space<hbm>>
        %dma_start3A_342 = arith.constant 0 : i32
        %dma_start3A_343 = tpu.memref_slice %arg10[%and3A_326, %dma_start3A_342] : memref<8x128xi32, #tpu.memory_space<vmem>> -> memref<1x128xi32, #tpu.memory_space<vmem>>
        %dma_start3A_344 = tpu.memref_squeeze %dma_start3A_343 : memref<1x128xi32, #tpu.memory_space<vmem>> -> memref<128xi32, #tpu.memory_space<vmem>>
        %dma_start3A_345 = tpu.memref_slice %arg4[%add3A_329] : memref<320000xi32, #tpu.memory_space<hbm>> -> memref<128xi32, #tpu.memory_space<hbm>>
        tpu.enqueue_dma source(%dma_start3A_345 : memref<128xi32, #tpu.memory_space<hbm>>) target(%dma_start3A_344 : memref<128xi32, #tpu.memory_space<vmem>>) target_semaphore(%arg12 : memref<!tpu.dma_semaphore, #tpu.memory_space<semaphore_mem>>)
      } else {
      }
    }
    %sub3A = arith.constant 1 : i32
    %sub3A_216 = arith.subi %select_n3A, %sub3A : i32
    %and3A = arith.constant 7 : i32
    %and3A_217 = arith.andi %sub3A_216, %and3A : i32
    %dma_wait3A_218 = arith.constant 0 : i32
    %dma_wait3A_219 = tpu.memref_slice %arg9[%and3A_217, %dma_wait3A_218] : memref<8x128xi32, #tpu.memory_space<vmem>> -> memref<1x128xi32, #tpu.memory_space<vmem>>
    %dma_wait3A_220 = tpu.memref_squeeze %dma_wait3A_219 : memref<1x128xi32, #tpu.memory_space<vmem>> -> memref<128xi32, #tpu.memory_space<vmem>>
    %dma_wait3A_221 = arith.constant 0 : i32
    %dma_wait3A_222 = arith.constant 0 : i32
    %dma_wait3A_223 = tpu.memref_slice %arg2[%dma_wait3A_221, %dma_wait3A_222] : memref<10000x128xf32, #tpu.memory_space<hbm>> -> memref<10000x128xf32, #tpu.memory_space<hbm>>
    tpu.wait_indirect_dma semaphore(%arg17 : memref<!tpu.dma_semaphore, #tpu.memory_space<semaphore_mem>>) src(%dma_wait3A_223 : memref<10000x128xf32, #tpu.memory_space<hbm>>) dst(%arg14 : memref<128x128xf32, #tpu.memory_space<vmem>>)
    %sub3A_224 = arith.constant 1 : i32
    %sub3A_225 = arith.subi %select_n3A, %sub3A_224 : i32
    "tpu.region"() ({
      %run_scoped3A = tpu.sem_alloc : memref<!tpu.dma_semaphore, #tpu.memory_space<semaphore_mem>>
      %dma_start3A_232 = arith.constant 0 : i32
      %dma_start3A_233 = tpu.memref_slice %arg10[%and3A_217, %dma_start3A_232] : memref<8x128xi32, #tpu.memory_space<vmem>> -> memref<1x128xi32, #tpu.memory_space<vmem>>
      %dma_start3A_234 = tpu.memref_squeeze %dma_start3A_233 : memref<1x128xi32, #tpu.memory_space<vmem>> -> memref<128xi32, #tpu.memory_space<vmem>>
      %dma_start3A_235 = arith.constant 0 : i32
      %dma_start3A_236 = arith.constant 0 : i32
      %dma_start3A_237 = tpu.memref_slice %arg16[%dma_start3A_235, %dma_start3A_236] : memref<10240x128xf32, #tpu.memory_space<vmem_shared>> -> memref<10240x128xf32, #tpu.memory_space<vmem_shared>>
      tpu.enqueue_indirect_dma source(%arg14 : memref<128x128xf32, #tpu.memory_space<vmem>>) target(%dma_start3A_237 : memref<10240x128xf32, #tpu.memory_space<vmem_shared>>) offsets(%dma_start3A_234 : memref<128xi32, #tpu.memory_space<vmem>>) semaphore(%run_scoped3A : memref<!tpu.dma_semaphore, #tpu.memory_space<semaphore_mem>>) {add = true}
      %dma_wait3A_238 = arith.constant 0 : i32
      %dma_wait3A_239 = tpu.memref_slice %arg10[%and3A_217, %dma_wait3A_238] : memref<8x128xi32, #tpu.memory_space<vmem>> -> memref<1x128xi32, #tpu.memory_space<vmem>>
      %dma_wait3A_240 = tpu.memref_squeeze %dma_wait3A_239 : memref<1x128xi32, #tpu.memory_space<vmem>> -> memref<128xi32, #tpu.memory_space<vmem>>
      %dma_wait3A_241 = arith.constant 0 : i32
      %dma_wait3A_242 = arith.constant 0 : i32
      %dma_wait3A_243 = tpu.memref_slice %arg16[%dma_wait3A_241, %dma_wait3A_242] : memref<10240x128xf32, #tpu.memory_space<vmem_shared>> -> memref<10240x128xf32, #tpu.memory_space<vmem_shared>>
      tpu.wait_indirect_dma semaphore(%run_scoped3A : memref<!tpu.dma_semaphore, #tpu.memory_space<semaphore_mem>>) src(%arg14 : memref<128x128xf32, #tpu.memory_space<vmem>>) dst(%dma_wait3A_243 : memref<10240x128xf32, #tpu.memory_space<vmem_shared>>)
      tpu.yield
    }) : () -> ()
    %add3A_226 = arith.constant 8 : i32
    %add3A_227 = arith.addi %sub3A_225, %add3A_226 : i32
    %lt3A = arith.cmpi slt, %add3A_227, %select_n3A : i32
    %convert_element_type3A_228 = arith.extui %lt3A : i1 to i32
    %cond3A_229 = arith.constant 0 : i32
    %cond3A_230 = arith.cmpi ne, %convert_element_type3A_228, %cond3A_229 : i32
    scf.if %cond3A_230 {
      %add3A_232 = arith.constant 8 : i32
      %add3A_233 = arith.addi %sub3A_225, %add3A_232 : i32
      %and3A_234 = arith.constant 7 : i32
      %and3A_235 = arith.andi %sub3A_225, %and3A_234 : i32
      %mul3A_236 = arith.constant 128 : i32
      %mul3A_237 = arith.muli %add3A_233, %mul3A_236 : i32
      %add3A_238 = arith.addi %add3A, %mul3A_237 : i32
      %dma_start3A_239 = arith.constant 0 : i32
      %dma_start3A_240 = tpu.memref_slice %arg9[%and3A_235, %dma_start3A_239] : memref<8x128xi32, #tpu.memory_space<vmem>> -> memref<1x128xi32, #tpu.memory_space<vmem>>
      %dma_start3A_241 = tpu.memref_squeeze %dma_start3A_240 : memref<1x128xi32, #tpu.memory_space<vmem>> -> memref<128xi32, #tpu.memory_space<vmem>>
      %dma_start3A_242 = tpu.memref_slice %arg3[%add3A_238] : memref<320000xi32, #tpu.memory_space<hbm>> -> memref<128xi32, #tpu.memory_space<hbm>>
      %dma_start3A_243 = arith.constant 0 : i32
      %dma_start3A_244 = tpu.memref_slice %arg9[%and3A_235, %dma_start3A_243] : memref<8x128xi32, #tpu.memory_space<vmem>> -> memref<1x128xi32, #tpu.memory_space<vmem>>
      %dma_start3A_245 = tpu.memref_squeeze %dma_start3A_244 : memref<1x128xi32, #tpu.memory_space<vmem>> -> memref<128xi32, #tpu.memory_space<vmem>>
      %dma_start3A_246 = tpu.memref_slice %arg3[%add3A_238] : memref<320000xi32, #tpu.memory_space<hbm>> -> memref<128xi32, #tpu.memory_space<hbm>>
      tpu.enqueue_dma source(%dma_start3A_246 : memref<128xi32, #tpu.memory_space<hbm>>) target(%dma_start3A_245 : memref<128xi32, #tpu.memory_space<vmem>>) target_semaphore(%arg11 : memref<!tpu.dma_semaphore, #tpu.memory_space<semaphore_mem>>)
      %dma_start3A_247 = arith.constant 0 : i32
      %dma_start3A_248 = tpu.memref_slice %arg10[%and3A_235, %dma_start3A_247] : memref<8x128xi32, #tpu.memory_space<vmem>> -> memref<1x128xi32, #tpu.memory_space<vmem>>
      %dma_start3A_249 = tpu.memref_squeeze %dma_start3A_248 : memref<1x128xi32, #tpu.memory_space<vmem>> -> memref<128xi32, #tpu.memory_space<vmem>>
      %dma_start3A_250 = tpu.memref_slice %arg4[%add3A_238] : memref<320000xi32, #tpu.memory_space<hbm>> -> memref<128xi32, #tpu.memory_space<hbm>>
      %dma_start3A_251 = arith.constant 0 : i32
      %dma_start3A_252 = tpu.memref_slice %arg10[%and3A_235, %dma_start3A_251] : memref<8x128xi32, #tpu.memory_space<vmem>> -> memref<1x128xi32, #tpu.memory_space<vmem>>
      %dma_start3A_253 = tpu.memref_squeeze %dma_start3A_252 : memref<1x128xi32, #tpu.memory_space<vmem>> -> memref<128xi32, #tpu.memory_space<vmem>>
      %dma_start3A_254 = tpu.memref_slice %arg4[%add3A_238] : memref<320000xi32, #tpu.memory_space<hbm>> -> memref<128xi32, #tpu.memory_space<hbm>>
      tpu.enqueue_dma source(%dma_start3A_254 : memref<128xi32, #tpu.memory_space<hbm>>) target(%dma_start3A_253 : memref<128xi32, #tpu.memory_space<vmem>>) target_semaphore(%arg12 : memref<!tpu.dma_semaphore, #tpu.memory_space<semaphore_mem>>)
    } else {
    }
    %barrier3A_231 = arith.constant 0 : index
    tpu.barrier barrier_id(%barrier3A_231)
    "tpu.region"() ({
      %run_scoped3A = tpu.sem_alloc : memref<!tpu.dma_semaphore, #tpu.memory_space<semaphore_mem>>
      %dma_start3A_232 = arith.constant 0 : i32
      %dma_start3A_233 = tpu.memref_slice %arg8[%arg0, %mul3A_0, %dma_start3A_232] : memref<2x10240x128xf32, #tpu.memory_space<hbm>> -> memref<1x640x128xf32, #tpu.memory_space<hbm>>
      %dma_start3A_234 = tpu.memref_squeeze %dma_start3A_233 : memref<1x640x128xf32, #tpu.memory_space<hbm>> -> memref<640x128xf32, #tpu.memory_space<hbm>>
      %dma_start3A_235 = arith.constant 0 : i32
      %dma_start3A_236 = tpu.memref_slice %arg16[%mul3A_0, %dma_start3A_235] : memref<10240x128xf32, #tpu.memory_space<vmem_shared>> -> memref<640x128xf32, #tpu.memory_space<vmem_shared>>
      tpu.enqueue_dma source(%dma_start3A_236 : memref<640x128xf32, #tpu.memory_space<vmem_shared>>) target(%dma_start3A_234 : memref<640x128xf32, #tpu.memory_space<hbm>>) target_semaphore(%run_scoped3A : memref<!tpu.dma_semaphore, #tpu.memory_space<semaphore_mem>>)
      %dma_wait3A_237 = arith.constant 0 : i32
      %dma_wait3A_238 = tpu.memref_slice %arg8[%arg0, %mul3A_0, %dma_wait3A_237] : memref<2x10240x128xf32, #tpu.memory_space<hbm>> -> memref<1x640x128xf32, #tpu.memory_space<hbm>>
      %dma_wait3A_239 = tpu.memref_squeeze %dma_wait3A_238 : memref<1x640x128xf32, #tpu.memory_space<hbm>> -> memref<640x128xf32, #tpu.memory_space<hbm>>
      %dma_wait3A_240 = arith.constant 0 : i32
      %dma_wait3A_241 = tpu.memref_slice %arg16[%mul3A_0, %dma_wait3A_240] : memref<10240x128xf32, #tpu.memory_space<vmem_shared>> -> memref<640x128xf32, #tpu.memory_space<vmem_shared>>
      tpu.wait_dma2 semaphore(%run_scoped3A : memref<!tpu.dma_semaphore, #tpu.memory_space<semaphore_mem>>) src(%dma_wait3A_241 : memref<640x128xf32, #tpu.memory_space<vmem_shared>>) dst(%dma_wait3A_239 : memref<640x128xf32, #tpu.memory_space<hbm>>)
      tpu.yield
    }) : () -> ()
    return
  }
}

#map = affine_map<(d0, d1) -> (0, 0)>
#map1 = affine_map<(d0, d1) -> (0)>
#map2 = affine_map<(d0, d1) -> (0, 0, 0)>
module attributes {stable_mosaic.version = 14 : i64} {
  func.func @body(%arg0: i32, %arg1: i32, %arg2: memref<10000x128xf32, #tpu.memory_space<hbm>>, %arg3: memref<320000xi32, #tpu.memory_space<hbm>>, %arg4: memref<320000xi32, #tpu.memory_space<hbm>>, %arg5: memref<16x2x128xi32, #tpu.memory_space<hbm>>, %arg6: memref<10240x128xf32, #tpu.memory_space<hbm>>, %arg7: memref<10240xf32, #tpu.memory_space<hbm>>, %arg8: memref<2x10240x128xf32, #tpu.memory_space<hbm>>, %arg9: memref<2x1x10240xf32, #tpu.memory_space<hbm>>, %arg10: memref<8x128xi32, #tpu.memory_space<vmem>>, %arg11: memref<8x128xi32, #tpu.memory_space<vmem>>, %arg12: memref<!tpu.dma_semaphore, #tpu.memory_space<semaphore_mem>>, %arg13: memref<!tpu.dma_semaphore, #tpu.memory_space<semaphore_mem>>, %arg14: memref<2x128xi32, #tpu.memory_space<vmem>>, %arg15: memref<128x128xf32, #tpu.memory_space<vmem>>, %arg16: memref<128x128xf32, #tpu.memory_space<vmem>>, %arg17: memref<10240x128xf32, #tpu.memory_space<vmem_shared>>, %arg18: memref<!tpu.dma_semaphore, #tpu.memory_space<semaphore_mem>>, %arg19: memref<!tpu.dma_semaphore, #tpu.memory_space<semaphore_mem>>, %arg20: memref<128xf32, #tpu.memory_space<vmem>>, %arg21: memref<10240xf32, #tpu.memory_space<vmem_shared>>) attributes {dimension_semantics = [#tpu.dimension_semantics<core_parallel>, #tpu.dimension_semantics<subcore_parallel>], iteration_bounds = array<i64: 2, 16>, scalar_prefetch = 0 : i64, scratch_operands = 12 : i64, tpu.core_type = #tpu.core_type<sc_vector_subcore>, window_params = [{transform_indices = #map}, {transform_indices = #map1}, {transform_indices = #map1}, {transform_indices = #map2}, {transform_indices = #map}, {transform_indices = #map1}, {transform_indices = #map2}, {transform_indices = #map2}]} {
    %mul3A = arith.constant 640 : i32
    %mul3A_0 = arith.muli %arg1, %mul3A : i32
    %mul3A_1 = arith.constant 20000 : i32
    %mul3A_2 = arith.muli %arg1, %mul3A_1 : i32
    %mul3A_3 = arith.constant 11904 : i32
    %mul3A_4 = arith.muli %arg0, %mul3A_3 : i32
    %add3A = arith.addi %mul3A_2, %mul3A_4 : i32
    %eq3A = arith.constant 0 : i32
    %eq3A_5 = arith.cmpi eq, %arg0, %eq3A : i32
    %jit3A = arith.constant 93 : i32
    %jit3A_6 = arith.constant 63 : i32
    %select_n3A = arith.select %eq3A_5, %jit3A, %jit3A_6 : i32
    "tpu.region"() ({
      %run_scoped3A_278 = tpu.sem_alloc : memref<!tpu.dma_semaphore, #tpu.memory_space<semaphore_mem>>
      %dma_start3A_279 = arith.constant 0 : i32
      %dma_start3A_280 = tpu.memref_slice %arg17[%mul3A_0, %dma_start3A_279] : memref<10240x128xf32, #tpu.memory_space<vmem_shared>> -> memref<640x128xf32, #tpu.memory_space<vmem_shared>>
      %dma_start3A_281 = arith.constant 0 : i32
      %dma_start3A_282 = tpu.memref_slice %arg6[%mul3A_0, %dma_start3A_281] : memref<10240x128xf32, #tpu.memory_space<hbm>> -> memref<640x128xf32, #tpu.memory_space<hbm>>
      tpu.enqueue_dma source(%dma_start3A_282 : memref<640x128xf32, #tpu.memory_space<hbm>>) target(%dma_start3A_280 : memref<640x128xf32, #tpu.memory_space<vmem_shared>>) target_semaphore(%run_scoped3A_278 : memref<!tpu.dma_semaphore, #tpu.memory_space<semaphore_mem>>)
      %dma_wait3A_283 = arith.constant 0 : i32
      %dma_wait3A_284 = tpu.memref_slice %arg17[%mul3A_0, %dma_wait3A_283] : memref<10240x128xf32, #tpu.memory_space<vmem_shared>> -> memref<640x128xf32, #tpu.memory_space<vmem_shared>>
      %dma_wait3A_285 = arith.constant 0 : i32
      %dma_wait3A_286 = tpu.memref_slice %arg6[%mul3A_0, %dma_wait3A_285] : memref<10240x128xf32, #tpu.memory_space<hbm>> -> memref<640x128xf32, #tpu.memory_space<hbm>>
      tpu.wait_dma2 semaphore(%run_scoped3A_278 : memref<!tpu.dma_semaphore, #tpu.memory_space<semaphore_mem>>) src(%dma_wait3A_286 : memref<640x128xf32, #tpu.memory_space<hbm>>) dst(%dma_wait3A_284 : memref<640x128xf32, #tpu.memory_space<vmem_shared>>)
      tpu.yield
    }) : () -> ()
    "tpu.region"() ({
      %run_scoped3A_278 = tpu.sem_alloc : memref<!tpu.dma_semaphore, #tpu.memory_space<semaphore_mem>>
      %dma_start3A_279 = tpu.memref_slice %arg21[%mul3A_0] : memref<10240xf32, #tpu.memory_space<vmem_shared>> -> memref<640xf32, #tpu.memory_space<vmem_shared>>
      %dma_start3A_280 = tpu.memref_slice %arg7[%mul3A_0] : memref<10240xf32, #tpu.memory_space<hbm>> -> memref<640xf32, #tpu.memory_space<hbm>>
      tpu.enqueue_dma source(%dma_start3A_280 : memref<640xf32, #tpu.memory_space<hbm>>) target(%dma_start3A_279 : memref<640xf32, #tpu.memory_space<vmem_shared>>) target_semaphore(%run_scoped3A_278 : memref<!tpu.dma_semaphore, #tpu.memory_space<semaphore_mem>>)
      %dma_wait3A_281 = tpu.memref_slice %arg21[%mul3A_0] : memref<10240xf32, #tpu.memory_space<vmem_shared>> -> memref<640xf32, #tpu.memory_space<vmem_shared>>
      %dma_wait3A_282 = tpu.memref_slice %arg7[%mul3A_0] : memref<10240xf32, #tpu.memory_space<hbm>> -> memref<640xf32, #tpu.memory_space<hbm>>
      tpu.wait_dma2 semaphore(%run_scoped3A_278 : memref<!tpu.dma_semaphore, #tpu.memory_space<semaphore_mem>>) src(%dma_wait3A_282 : memref<640xf32, #tpu.memory_space<hbm>>) dst(%dma_wait3A_281 : memref<640xf32, #tpu.memory_space<vmem_shared>>)
      tpu.yield
    }) : () -> ()
    %broadcast_in_dim3A = arith.constant 1.000000e+00 : f32
    %broadcast_in_dim3A_7 = vector.broadcast %broadcast_in_dim3A : f32 to vector<16xf32>
    %swap3A = arith.constant 0 : index
    %swap3A_8 = tpu.vector_load %arg20[%swap3A] {strides = array<i32>} : memref<128xf32, #tpu.memory_space<vmem>>, vector<16xf32>,
    %swap3A_9 = vector.shape_cast %swap3A_8 : vector<16xf32> to vector<16xf32>
    %swap3A_10 = vector.shape_cast %broadcast_in_dim3A_7 : vector<16xf32> to vector<16xf32>
    tpu.vector_store %arg20[%swap3A], %swap3A_10 {strides = array<i32>} : memref<128xf32, #tpu.memory_space<vmem>>, vector<16xf32>,
    %broadcast_in_dim3A_11 = arith.constant 1.000000e+00 : f32
    %broadcast_in_dim3A_12 = vector.broadcast %broadcast_in_dim3A_11 : f32 to vector<16xf32>
    %swap3A_13 = arith.constant 16 : index
    %swap3A_14 = tpu.vector_load %arg20[%swap3A_13] {strides = array<i32>} : memref<128xf32, #tpu.memory_space<vmem>>, vector<16xf32>,
    %swap3A_15 = vector.shape_cast %swap3A_14 : vector<16xf32> to vector<16xf32>
    %swap3A_16 = vector.shape_cast %broadcast_in_dim3A_12 : vector<16xf32> to vector<16xf32>
    tpu.vector_store %arg20[%swap3A_13], %swap3A_16 {strides = array<i32>} : memref<128xf32, #tpu.memory_space<vmem>>, vector<16xf32>,
    %broadcast_in_dim3A_17 = arith.constant 1.000000e+00 : f32
    %broadcast_in_dim3A_18 = vector.broadcast %broadcast_in_dim3A_17 : f32 to vector<16xf32>
    %swap3A_19 = arith.constant 32 : index
    %swap3A_20 = tpu.vector_load %arg20[%swap3A_19] {strides = array<i32>} : memref<128xf32, #tpu.memory_space<vmem>>, vector<16xf32>,
    %swap3A_21 = vector.shape_cast %swap3A_20 : vector<16xf32> to vector<16xf32>
    %swap3A_22 = vector.shape_cast %broadcast_in_dim3A_18 : vector<16xf32> to vector<16xf32>
    tpu.vector_store %arg20[%swap3A_19], %swap3A_22 {strides = array<i32>} : memref<128xf32, #tpu.memory_space<vmem>>, vector<16xf32>,
    %broadcast_in_dim3A_23 = arith.constant 1.000000e+00 : f32
    %broadcast_in_dim3A_24 = vector.broadcast %broadcast_in_dim3A_23 : f32 to vector<16xf32>
    %swap3A_25 = arith.constant 48 : index
    %swap3A_26 = tpu.vector_load %arg20[%swap3A_25] {strides = array<i32>} : memref<128xf32, #tpu.memory_space<vmem>>, vector<16xf32>,
    %swap3A_27 = vector.shape_cast %swap3A_26 : vector<16xf32> to vector<16xf32>
    %swap3A_28 = vector.shape_cast %broadcast_in_dim3A_24 : vector<16xf32> to vector<16xf32>
    tpu.vector_store %arg20[%swap3A_25], %swap3A_28 {strides = array<i32>} : memref<128xf32, #tpu.memory_space<vmem>>, vector<16xf32>,
    %broadcast_in_dim3A_29 = arith.constant 1.000000e+00 : f32
    %broadcast_in_dim3A_30 = vector.broadcast %broadcast_in_dim3A_29 : f32 to vector<16xf32>
    %swap3A_31 = arith.constant 64 : index
    %swap3A_32 = tpu.vector_load %arg20[%swap3A_31] {strides = array<i32>} : memref<128xf32, #tpu.memory_space<vmem>>, vector<16xf32>,
    %swap3A_33 = vector.shape_cast %swap3A_32 : vector<16xf32> to vector<16xf32>
    %swap3A_34 = vector.shape_cast %broadcast_in_dim3A_30 : vector<16xf32> to vector<16xf32>
    tpu.vector_store %arg20[%swap3A_31], %swap3A_34 {strides = array<i32>} : memref<128xf32, #tpu.memory_space<vmem>>, vector<16xf32>,
    %broadcast_in_dim3A_35 = arith.constant 1.000000e+00 : f32
    %broadcast_in_dim3A_36 = vector.broadcast %broadcast_in_dim3A_35 : f32 to vector<16xf32>
    %swap3A_37 = arith.constant 80 : index
    %swap3A_38 = tpu.vector_load %arg20[%swap3A_37] {strides = array<i32>} : memref<128xf32, #tpu.memory_space<vmem>>, vector<16xf32>,
    %swap3A_39 = vector.shape_cast %swap3A_38 : vector<16xf32> to vector<16xf32>
    %swap3A_40 = vector.shape_cast %broadcast_in_dim3A_36 : vector<16xf32> to vector<16xf32>
    tpu.vector_store %arg20[%swap3A_37], %swap3A_40 {strides = array<i32>} : memref<128xf32, #tpu.memory_space<vmem>>, vector<16xf32>,
    %broadcast_in_dim3A_41 = arith.constant 1.000000e+00 : f32
    %broadcast_in_dim3A_42 = vector.broadcast %broadcast_in_dim3A_41 : f32 to vector<16xf32>
    %swap3A_43 = arith.constant 96 : index
    %swap3A_44 = tpu.vector_load %arg20[%swap3A_43] {strides = array<i32>} : memref<128xf32, #tpu.memory_space<vmem>>, vector<16xf32>,
    %swap3A_45 = vector.shape_cast %swap3A_44 : vector<16xf32> to vector<16xf32>
    %swap3A_46 = vector.shape_cast %broadcast_in_dim3A_42 : vector<16xf32> to vector<16xf32>
    tpu.vector_store %arg20[%swap3A_43], %swap3A_46 {strides = array<i32>} : memref<128xf32, #tpu.memory_space<vmem>>, vector<16xf32>,
    %broadcast_in_dim3A_47 = arith.constant 1.000000e+00 : f32
    %broadcast_in_dim3A_48 = vector.broadcast %broadcast_in_dim3A_47 : f32 to vector<16xf32>
    %swap3A_49 = arith.constant 112 : index
    %swap3A_50 = tpu.vector_load %arg20[%swap3A_49] {strides = array<i32>} : memref<128xf32, #tpu.memory_space<vmem>>, vector<16xf32>,
    %swap3A_51 = vector.shape_cast %swap3A_50 : vector<16xf32> to vector<16xf32>
    %swap3A_52 = vector.shape_cast %broadcast_in_dim3A_48 : vector<16xf32> to vector<16xf32>
    tpu.vector_store %arg20[%swap3A_49], %swap3A_52 {strides = array<i32>} : memref<128xf32, #tpu.memory_space<vmem>>, vector<16xf32>,
    %add3A_53 = arith.constant 0 : i32
    %add3A_54 = arith.addi %add3A, %add3A_53 : i32
    %dma_start3A = arith.constant 0 : i32
    %dma_start3A_55 = arith.constant 0 : i32
    %dma_start3A_56 = tpu.memref_slice %arg10[%dma_start3A, %dma_start3A_55] : memref<8x128xi32, #tpu.memory_space<vmem>> -> memref<1x128xi32, #tpu.memory_space<vmem>>
    %dma_start3A_57 = tpu.memref_squeeze %dma_start3A_56 : memref<1x128xi32, #tpu.memory_space<vmem>> -> memref<128xi32, #tpu.memory_space<vmem>>
    %dma_start3A_58 = tpu.memref_slice %arg3[%add3A_54] : memref<320000xi32, #tpu.memory_space<hbm>> -> memref<128xi32, #tpu.memory_space<hbm>>
    %dma_start3A_59 = arith.constant 0 : i32
    %dma_start3A_60 = tpu.memref_slice %arg10[%dma_start3A, %dma_start3A_59] : memref<8x128xi32, #tpu.memory_space<vmem>> -> memref<1x128xi32, #tpu.memory_space<vmem>>
    %dma_start3A_61 = tpu.memref_squeeze %dma_start3A_60 : memref<1x128xi32, #tpu.memory_space<vmem>> -> memref<128xi32, #tpu.memory_space<vmem>>
    %dma_start3A_62 = tpu.memref_slice %arg3[%add3A_54] : memref<320000xi32, #tpu.memory_space<hbm>> -> memref<128xi32, #tpu.memory_space<hbm>>
    tpu.enqueue_dma source(%dma_start3A_62 : memref<128xi32, #tpu.memory_space<hbm>>) target(%dma_start3A_61 : memref<128xi32, #tpu.memory_space<vmem>>) target_semaphore(%arg12 : memref<!tpu.dma_semaphore, #tpu.memory_space<semaphore_mem>>)
    %dma_start3A_63 = arith.constant 0 : i32
    %dma_start3A_64 = arith.constant 0 : i32
    %dma_start3A_65 = tpu.memref_slice %arg11[%dma_start3A_63, %dma_start3A_64] : memref<8x128xi32, #tpu.memory_space<vmem>> -> memref<1x128xi32, #tpu.memory_space<vmem>>
    %dma_start3A_66 = tpu.memref_squeeze %dma_start3A_65 : memref<1x128xi32, #tpu.memory_space<vmem>> -> memref<128xi32, #tpu.memory_space<vmem>>
    %dma_start3A_67 = tpu.memref_slice %arg4[%add3A_54] : memref<320000xi32, #tpu.memory_space<hbm>> -> memref<128xi32, #tpu.memory_space<hbm>>
    %dma_start3A_68 = arith.constant 0 : i32
    %dma_start3A_69 = tpu.memref_slice %arg11[%dma_start3A_63, %dma_start3A_68] : memref<8x128xi32, #tpu.memory_space<vmem>> -> memref<1x128xi32, #tpu.memory_space<vmem>>
    %dma_start3A_70 = tpu.memref_squeeze %dma_start3A_69 : memref<1x128xi32, #tpu.memory_space<vmem>> -> memref<128xi32, #tpu.memory_space<vmem>>
    %dma_start3A_71 = tpu.memref_slice %arg4[%add3A_54] : memref<320000xi32, #tpu.memory_space<hbm>> -> memref<128xi32, #tpu.memory_space<hbm>>
    tpu.enqueue_dma source(%dma_start3A_71 : memref<128xi32, #tpu.memory_space<hbm>>) target(%dma_start3A_70 : memref<128xi32, #tpu.memory_space<vmem>>) target_semaphore(%arg13 : memref<!tpu.dma_semaphore, #tpu.memory_space<semaphore_mem>>)
    %add3A_72 = arith.constant 128 : i32
    %add3A_73 = arith.addi %add3A, %add3A_72 : i32
    %dma_start3A_74 = arith.constant 1 : i32
    %dma_start3A_75 = arith.constant 0 : i32
    %dma_start3A_76 = tpu.memref_slice %arg10[%dma_start3A_74, %dma_start3A_75] : memref<8x128xi32, #tpu.memory_space<vmem>> -> memref<1x128xi32, #tpu.memory_space<vmem>>
    %dma_start3A_77 = tpu.memref_squeeze %dma_start3A_76 : memref<1x128xi32, #tpu.memory_space<vmem>> -> memref<128xi32, #tpu.memory_space<vmem>>
    %dma_start3A_78 = tpu.memref_slice %arg3[%add3A_73] : memref<320000xi32, #tpu.memory_space<hbm>> -> memref<128xi32, #tpu.memory_space<hbm>>
    %dma_start3A_79 = arith.constant 0 : i32
    %dma_start3A_80 = tpu.memref_slice %arg10[%dma_start3A_74, %dma_start3A_79] : memref<8x128xi32, #tpu.memory_space<vmem>> -> memref<1x128xi32, #tpu.memory_space<vmem>>
    %dma_start3A_81 = tpu.memref_squeeze %dma_start3A_80 : memref<1x128xi32, #tpu.memory_space<vmem>> -> memref<128xi32, #tpu.memory_space<vmem>>
    %dma_start3A_82 = tpu.memref_slice %arg3[%add3A_73] : memref<320000xi32, #tpu.memory_space<hbm>> -> memref<128xi32, #tpu.memory_space<hbm>>
    tpu.enqueue_dma source(%dma_start3A_82 : memref<128xi32, #tpu.memory_space<hbm>>) target(%dma_start3A_81 : memref<128xi32, #tpu.memory_space<vmem>>) target_semaphore(%arg12 : memref<!tpu.dma_semaphore, #tpu.memory_space<semaphore_mem>>)
    %dma_start3A_83 = arith.constant 1 : i32
    %dma_start3A_84 = arith.constant 0 : i32
    %dma_start3A_85 = tpu.memref_slice %arg11[%dma_start3A_83, %dma_start3A_84] : memref<8x128xi32, #tpu.memory_space<vmem>> -> memref<1x128xi32, #tpu.memory_space<vmem>>
    %dma_start3A_86 = tpu.memref_squeeze %dma_start3A_85 : memref<1x128xi32, #tpu.memory_space<vmem>> -> memref<128xi32, #tpu.memory_space<vmem>>
    %dma_start3A_87 = tpu.memref_slice %arg4[%add3A_73] : memref<320000xi32, #tpu.memory_space<hbm>> -> memref<128xi32, #tpu.memory_space<hbm>>
    %dma_start3A_88 = arith.constant 0 : i32
    %dma_start3A_89 = tpu.memref_slice %arg11[%dma_start3A_83, %dma_start3A_88] : memref<8x128xi32, #tpu.memory_space<vmem>> -> memref<1x128xi32, #tpu.memory_space<vmem>>
    %dma_start3A_90 = tpu.memref_squeeze %dma_start3A_89 : memref<1x128xi32, #tpu.memory_space<vmem>> -> memref<128xi32, #tpu.memory_space<vmem>>
    %dma_start3A_91 = tpu.memref_slice %arg4[%add3A_73] : memref<320000xi32, #tpu.memory_space<hbm>> -> memref<128xi32, #tpu.memory_space<hbm>>
    tpu.enqueue_dma source(%dma_start3A_91 : memref<128xi32, #tpu.memory_space<hbm>>) target(%dma_start3A_90 : memref<128xi32, #tpu.memory_space<vmem>>) target_semaphore(%arg13 : memref<!tpu.dma_semaphore, #tpu.memory_space<semaphore_mem>>)
    %add3A_92 = arith.constant 256 : i32
    %add3A_93 = arith.addi %add3A, %add3A_92 : i32
    %dma_start3A_94 = arith.constant 2 : i32
    %dma_start3A_95 = arith.constant 0 : i32
    %dma_start3A_96 = tpu.memref_slice %arg10[%dma_start3A_94, %dma_start3A_95] : memref<8x128xi32, #tpu.memory_space<vmem>> -> memref<1x128xi32, #tpu.memory_space<vmem>>
    %dma_start3A_97 = tpu.memref_squeeze %dma_start3A_96 : memref<1x128xi32, #tpu.memory_space<vmem>> -> memref<128xi32, #tpu.memory_space<vmem>>
    %dma_start3A_98 = tpu.memref_slice %arg3[%add3A_93] : memref<320000xi32, #tpu.memory_space<hbm>> -> memref<128xi32, #tpu.memory_space<hbm>>
    %dma_start3A_99 = arith.constant 0 : i32
    %dma_start3A_100 = tpu.memref_slice %arg10[%dma_start3A_94, %dma_start3A_99] : memref<8x128xi32, #tpu.memory_space<vmem>> -> memref<1x128xi32, #tpu.memory_space<vmem>>
    %dma_start3A_101 = tpu.memref_squeeze %dma_start3A_100 : memref<1x128xi32, #tpu.memory_space<vmem>> -> memref<128xi32, #tpu.memory_space<vmem>>
    %dma_start3A_102 = tpu.memref_slice %arg3[%add3A_93] : memref<320000xi32, #tpu.memory_space<hbm>> -> memref<128xi32, #tpu.memory_space<hbm>>
    tpu.enqueue_dma source(%dma_start3A_102 : memref<128xi32, #tpu.memory_space<hbm>>) target(%dma_start3A_101 : memref<128xi32, #tpu.memory_space<vmem>>) target_semaphore(%arg12 : memref<!tpu.dma_semaphore, #tpu.memory_space<semaphore_mem>>)
    %dma_start3A_103 = arith.constant 2 : i32
    %dma_start3A_104 = arith.constant 0 : i32
    %dma_start3A_105 = tpu.memref_slice %arg11[%dma_start3A_103, %dma_start3A_104] : memref<8x128xi32, #tpu.memory_space<vmem>> -> memref<1x128xi32, #tpu.memory_space<vmem>>
    %dma_start3A_106 = tpu.memref_squeeze %dma_start3A_105 : memref<1x128xi32, #tpu.memory_space<vmem>> -> memref<128xi32, #tpu.memory_space<vmem>>
    %dma_start3A_107 = tpu.memref_slice %arg4[%add3A_93] : memref<320000xi32, #tpu.memory_space<hbm>> -> memref<128xi32, #tpu.memory_space<hbm>>
    %dma_start3A_108 = arith.constant 0 : i32
    %dma_start3A_109 = tpu.memref_slice %arg11[%dma_start3A_103, %dma_start3A_108] : memref<8x128xi32, #tpu.memory_space<vmem>> -> memref<1x128xi32, #tpu.memory_space<vmem>>
    %dma_start3A_110 = tpu.memref_squeeze %dma_start3A_109 : memref<1x128xi32, #tpu.memory_space<vmem>> -> memref<128xi32, #tpu.memory_space<vmem>>
    %dma_start3A_111 = tpu.memref_slice %arg4[%add3A_93] : memref<320000xi32, #tpu.memory_space<hbm>> -> memref<128xi32, #tpu.memory_space<hbm>>
    tpu.enqueue_dma source(%dma_start3A_111 : memref<128xi32, #tpu.memory_space<hbm>>) target(%dma_start3A_110 : memref<128xi32, #tpu.memory_space<vmem>>) target_semaphore(%arg13 : memref<!tpu.dma_semaphore, #tpu.memory_space<semaphore_mem>>)
    %add3A_112 = arith.constant 384 : i32
    %add3A_113 = arith.addi %add3A, %add3A_112 : i32
    %dma_start3A_114 = arith.constant 3 : i32
    %dma_start3A_115 = arith.constant 0 : i32
    %dma_start3A_116 = tpu.memref_slice %arg10[%dma_start3A_114, %dma_start3A_115] : memref<8x128xi32, #tpu.memory_space<vmem>> -> memref<1x128xi32, #tpu.memory_space<vmem>>
    %dma_start3A_117 = tpu.memref_squeeze %dma_start3A_116 : memref<1x128xi32, #tpu.memory_space<vmem>> -> memref<128xi32, #tpu.memory_space<vmem>>
    %dma_start3A_118 = tpu.memref_slice %arg3[%add3A_113] : memref<320000xi32, #tpu.memory_space<hbm>> -> memref<128xi32, #tpu.memory_space<hbm>>
    %dma_start3A_119 = arith.constant 0 : i32
    %dma_start3A_120 = tpu.memref_slice %arg10[%dma_start3A_114, %dma_start3A_119] : memref<8x128xi32, #tpu.memory_space<vmem>> -> memref<1x128xi32, #tpu.memory_space<vmem>>
    %dma_start3A_121 = tpu.memref_squeeze %dma_start3A_120 : memref<1x128xi32, #tpu.memory_space<vmem>> -> memref<128xi32, #tpu.memory_space<vmem>>
    %dma_start3A_122 = tpu.memref_slice %arg3[%add3A_113] : memref<320000xi32, #tpu.memory_space<hbm>> -> memref<128xi32, #tpu.memory_space<hbm>>
    tpu.enqueue_dma source(%dma_start3A_122 : memref<128xi32, #tpu.memory_space<hbm>>) target(%dma_start3A_121 : memref<128xi32, #tpu.memory_space<vmem>>) target_semaphore(%arg12 : memref<!tpu.dma_semaphore, #tpu.memory_space<semaphore_mem>>)
    %dma_start3A_123 = arith.constant 3 : i32
    %dma_start3A_124 = arith.constant 0 : i32
    %dma_start3A_125 = tpu.memref_slice %arg11[%dma_start3A_123, %dma_start3A_124] : memref<8x128xi32, #tpu.memory_space<vmem>> -> memref<1x128xi32, #tpu.memory_space<vmem>>
    %dma_start3A_126 = tpu.memref_squeeze %dma_start3A_125 : memref<1x128xi32, #tpu.memory_space<vmem>> -> memref<128xi32, #tpu.memory_space<vmem>>
    %dma_start3A_127 = tpu.memref_slice %arg4[%add3A_113] : memref<320000xi32, #tpu.memory_space<hbm>> -> memref<128xi32, #tpu.memory_space<hbm>>
    %dma_start3A_128 = arith.constant 0 : i32
    %dma_start3A_129 = tpu.memref_slice %arg11[%dma_start3A_123, %dma_start3A_128] : memref<8x128xi32, #tpu.memory_space<vmem>> -> memref<1x128xi32, #tpu.memory_space<vmem>>
    %dma_start3A_130 = tpu.memref_squeeze %dma_start3A_129 : memref<1x128xi32, #tpu.memory_space<vmem>> -> memref<128xi32, #tpu.memory_space<vmem>>
    %dma_start3A_131 = tpu.memref_slice %arg4[%add3A_113] : memref<320000xi32, #tpu.memory_space<hbm>> -> memref<128xi32, #tpu.memory_space<hbm>>
    tpu.enqueue_dma source(%dma_start3A_131 : memref<128xi32, #tpu.memory_space<hbm>>) target(%dma_start3A_130 : memref<128xi32, #tpu.memory_space<vmem>>) target_semaphore(%arg13 : memref<!tpu.dma_semaphore, #tpu.memory_space<semaphore_mem>>)
    %add3A_132 = arith.constant 512 : i32
    %add3A_133 = arith.addi %add3A, %add3A_132 : i32
    %dma_start3A_134 = arith.constant 4 : i32
    %dma_start3A_135 = arith.constant 0 : i32
    %dma_start3A_136 = tpu.memref_slice %arg10[%dma_start3A_134, %dma_start3A_135] : memref<8x128xi32, #tpu.memory_space<vmem>> -> memref<1x128xi32, #tpu.memory_space<vmem>>
    %dma_start3A_137 = tpu.memref_squeeze %dma_start3A_136 : memref<1x128xi32, #tpu.memory_space<vmem>> -> memref<128xi32, #tpu.memory_space<vmem>>
    %dma_start3A_138 = tpu.memref_slice %arg3[%add3A_133] : memref<320000xi32, #tpu.memory_space<hbm>> -> memref<128xi32, #tpu.memory_space<hbm>>
    %dma_start3A_139 = arith.constant 0 : i32
    %dma_start3A_140 = tpu.memref_slice %arg10[%dma_start3A_134, %dma_start3A_139] : memref<8x128xi32, #tpu.memory_space<vmem>> -> memref<1x128xi32, #tpu.memory_space<vmem>>
    %dma_start3A_141 = tpu.memref_squeeze %dma_start3A_140 : memref<1x128xi32, #tpu.memory_space<vmem>> -> memref<128xi32, #tpu.memory_space<vmem>>
    %dma_start3A_142 = tpu.memref_slice %arg3[%add3A_133] : memref<320000xi32, #tpu.memory_space<hbm>> -> memref<128xi32, #tpu.memory_space<hbm>>
    tpu.enqueue_dma source(%dma_start3A_142 : memref<128xi32, #tpu.memory_space<hbm>>) target(%dma_start3A_141 : memref<128xi32, #tpu.memory_space<vmem>>) target_semaphore(%arg12 : memref<!tpu.dma_semaphore, #tpu.memory_space<semaphore_mem>>)
    %dma_start3A_143 = arith.constant 4 : i32
    %dma_start3A_144 = arith.constant 0 : i32
    %dma_start3A_145 = tpu.memref_slice %arg11[%dma_start3A_143, %dma_start3A_144] : memref<8x128xi32, #tpu.memory_space<vmem>> -> memref<1x128xi32, #tpu.memory_space<vmem>>
    %dma_start3A_146 = tpu.memref_squeeze %dma_start3A_145 : memref<1x128xi32, #tpu.memory_space<vmem>> -> memref<128xi32, #tpu.memory_space<vmem>>
    %dma_start3A_147 = tpu.memref_slice %arg4[%add3A_133] : memref<320000xi32, #tpu.memory_space<hbm>> -> memref<128xi32, #tpu.memory_space<hbm>>
    %dma_start3A_148 = arith.constant 0 : i32
    %dma_start3A_149 = tpu.memref_slice %arg11[%dma_start3A_143, %dma_start3A_148] : memref<8x128xi32, #tpu.memory_space<vmem>> -> memref<1x128xi32, #tpu.memory_space<vmem>>
    %dma_start3A_150 = tpu.memref_squeeze %dma_start3A_149 : memref<1x128xi32, #tpu.memory_space<vmem>> -> memref<128xi32, #tpu.memory_space<vmem>>
    %dma_start3A_151 = tpu.memref_slice %arg4[%add3A_133] : memref<320000xi32, #tpu.memory_space<hbm>> -> memref<128xi32, #tpu.memory_space<hbm>>
    tpu.enqueue_dma source(%dma_start3A_151 : memref<128xi32, #tpu.memory_space<hbm>>) target(%dma_start3A_150 : memref<128xi32, #tpu.memory_space<vmem>>) target_semaphore(%arg13 : memref<!tpu.dma_semaphore, #tpu.memory_space<semaphore_mem>>)
    %add3A_152 = arith.constant 640 : i32
    %add3A_153 = arith.addi %add3A, %add3A_152 : i32
    %dma_start3A_154 = arith.constant 5 : i32
    %dma_start3A_155 = arith.constant 0 : i32
    %dma_start3A_156 = tpu.memref_slice %arg10[%dma_start3A_154, %dma_start3A_155] : memref<8x128xi32, #tpu.memory_space<vmem>> -> memref<1x128xi32, #tpu.memory_space<vmem>>
    %dma_start3A_157 = tpu.memref_squeeze %dma_start3A_156 : memref<1x128xi32, #tpu.memory_space<vmem>> -> memref<128xi32, #tpu.memory_space<vmem>>
    %dma_start3A_158 = tpu.memref_slice %arg3[%add3A_153] : memref<320000xi32, #tpu.memory_space<hbm>> -> memref<128xi32, #tpu.memory_space<hbm>>
    %dma_start3A_159 = arith.constant 0 : i32
    %dma_start3A_160 = tpu.memref_slice %arg10[%dma_start3A_154, %dma_start3A_159] : memref<8x128xi32, #tpu.memory_space<vmem>> -> memref<1x128xi32, #tpu.memory_space<vmem>>
    %dma_start3A_161 = tpu.memref_squeeze %dma_start3A_160 : memref<1x128xi32, #tpu.memory_space<vmem>> -> memref<128xi32, #tpu.memory_space<vmem>>
    %dma_start3A_162 = tpu.memref_slice %arg3[%add3A_153] : memref<320000xi32, #tpu.memory_space<hbm>> -> memref<128xi32, #tpu.memory_space<hbm>>
    tpu.enqueue_dma source(%dma_start3A_162 : memref<128xi32, #tpu.memory_space<hbm>>) target(%dma_start3A_161 : memref<128xi32, #tpu.memory_space<vmem>>) target_semaphore(%arg12 : memref<!tpu.dma_semaphore, #tpu.memory_space<semaphore_mem>>)
    %dma_start3A_163 = arith.constant 5 : i32
    %dma_start3A_164 = arith.constant 0 : i32
    %dma_start3A_165 = tpu.memref_slice %arg11[%dma_start3A_163, %dma_start3A_164] : memref<8x128xi32, #tpu.memory_space<vmem>> -> memref<1x128xi32, #tpu.memory_space<vmem>>
    %dma_start3A_166 = tpu.memref_squeeze %dma_start3A_165 : memref<1x128xi32, #tpu.memory_space<vmem>> -> memref<128xi32, #tpu.memory_space<vmem>>
    %dma_start3A_167 = tpu.memref_slice %arg4[%add3A_153] : memref<320000xi32, #tpu.memory_space<hbm>> -> memref<128xi32, #tpu.memory_space<hbm>>
    %dma_start3A_168 = arith.constant 0 : i32
    %dma_start3A_169 = tpu.memref_slice %arg11[%dma_start3A_163, %dma_start3A_168] : memref<8x128xi32, #tpu.memory_space<vmem>> -> memref<1x128xi32, #tpu.memory_space<vmem>>
    %dma_start3A_170 = tpu.memref_squeeze %dma_start3A_169 : memref<1x128xi32, #tpu.memory_space<vmem>> -> memref<128xi32, #tpu.memory_space<vmem>>
    %dma_start3A_171 = tpu.memref_slice %arg4[%add3A_153] : memref<320000xi32, #tpu.memory_space<hbm>> -> memref<128xi32, #tpu.memory_space<hbm>>
    tpu.enqueue_dma source(%dma_start3A_171 : memref<128xi32, #tpu.memory_space<hbm>>) target(%dma_start3A_170 : memref<128xi32, #tpu.memory_space<vmem>>) target_semaphore(%arg13 : memref<!tpu.dma_semaphore, #tpu.memory_space<semaphore_mem>>)
    %add3A_172 = arith.constant 768 : i32
    %add3A_173 = arith.addi %add3A, %add3A_172 : i32
    %dma_start3A_174 = arith.constant 6 : i32
    %dma_start3A_175 = arith.constant 0 : i32
    %dma_start3A_176 = tpu.memref_slice %arg10[%dma_start3A_174, %dma_start3A_175] : memref<8x128xi32, #tpu.memory_space<vmem>> -> memref<1x128xi32, #tpu.memory_space<vmem>>
    %dma_start3A_177 = tpu.memref_squeeze %dma_start3A_176 : memref<1x128xi32, #tpu.memory_space<vmem>> -> memref<128xi32, #tpu.memory_space<vmem>>
    %dma_start3A_178 = tpu.memref_slice %arg3[%add3A_173] : memref<320000xi32, #tpu.memory_space<hbm>> -> memref<128xi32, #tpu.memory_space<hbm>>
    %dma_start3A_179 = arith.constant 0 : i32
    %dma_start3A_180 = tpu.memref_slice %arg10[%dma_start3A_174, %dma_start3A_179] : memref<8x128xi32, #tpu.memory_space<vmem>> -> memref<1x128xi32, #tpu.memory_space<vmem>>
    %dma_start3A_181 = tpu.memref_squeeze %dma_start3A_180 : memref<1x128xi32, #tpu.memory_space<vmem>> -> memref<128xi32, #tpu.memory_space<vmem>>
    %dma_start3A_182 = tpu.memref_slice %arg3[%add3A_173] : memref<320000xi32, #tpu.memory_space<hbm>> -> memref<128xi32, #tpu.memory_space<hbm>>
    tpu.enqueue_dma source(%dma_start3A_182 : memref<128xi32, #tpu.memory_space<hbm>>) target(%dma_start3A_181 : memref<128xi32, #tpu.memory_space<vmem>>) target_semaphore(%arg12 : memref<!tpu.dma_semaphore, #tpu.memory_space<semaphore_mem>>)
    %dma_start3A_183 = arith.constant 6 : i32
    %dma_start3A_184 = arith.constant 0 : i32
    %dma_start3A_185 = tpu.memref_slice %arg11[%dma_start3A_183, %dma_start3A_184] : memref<8x128xi32, #tpu.memory_space<vmem>> -> memref<1x128xi32, #tpu.memory_space<vmem>>
    %dma_start3A_186 = tpu.memref_squeeze %dma_start3A_185 : memref<1x128xi32, #tpu.memory_space<vmem>> -> memref<128xi32, #tpu.memory_space<vmem>>
    %dma_start3A_187 = tpu.memref_slice %arg4[%add3A_173] : memref<320000xi32, #tpu.memory_space<hbm>> -> memref<128xi32, #tpu.memory_space<hbm>>
    %dma_start3A_188 = arith.constant 0 : i32
    %dma_start3A_189 = tpu.memref_slice %arg11[%dma_start3A_183, %dma_start3A_188] : memref<8x128xi32, #tpu.memory_space<vmem>> -> memref<1x128xi32, #tpu.memory_space<vmem>>
    %dma_start3A_190 = tpu.memref_squeeze %dma_start3A_189 : memref<1x128xi32, #tpu.memory_space<vmem>> -> memref<128xi32, #tpu.memory_space<vmem>>
    %dma_start3A_191 = tpu.memref_slice %arg4[%add3A_173] : memref<320000xi32, #tpu.memory_space<hbm>> -> memref<128xi32, #tpu.memory_space<hbm>>
    tpu.enqueue_dma source(%dma_start3A_191 : memref<128xi32, #tpu.memory_space<hbm>>) target(%dma_start3A_190 : memref<128xi32, #tpu.memory_space<vmem>>) target_semaphore(%arg13 : memref<!tpu.dma_semaphore, #tpu.memory_space<semaphore_mem>>)
    %add3A_192 = arith.constant 896 : i32
    %add3A_193 = arith.addi %add3A, %add3A_192 : i32
    %dma_start3A_194 = arith.constant 7 : i32
    %dma_start3A_195 = arith.constant 0 : i32
    %dma_start3A_196 = tpu.memref_slice %arg10[%dma_start3A_194, %dma_start3A_195] : memref<8x128xi32, #tpu.memory_space<vmem>> -> memref<1x128xi32, #tpu.memory_space<vmem>>
    %dma_start3A_197 = tpu.memref_squeeze %dma_start3A_196 : memref<1x128xi32, #tpu.memory_space<vmem>> -> memref<128xi32, #tpu.memory_space<vmem>>
    %dma_start3A_198 = tpu.memref_slice %arg3[%add3A_193] : memref<320000xi32, #tpu.memory_space<hbm>> -> memref<128xi32, #tpu.memory_space<hbm>>
    %dma_start3A_199 = arith.constant 0 : i32
    %dma_start3A_200 = tpu.memref_slice %arg10[%dma_start3A_194, %dma_start3A_199] : memref<8x128xi32, #tpu.memory_space<vmem>> -> memref<1x128xi32, #tpu.memory_space<vmem>>
    %dma_start3A_201 = tpu.memref_squeeze %dma_start3A_200 : memref<1x128xi32, #tpu.memory_space<vmem>> -> memref<128xi32, #tpu.memory_space<vmem>>
    %dma_start3A_202 = tpu.memref_slice %arg3[%add3A_193] : memref<320000xi32, #tpu.memory_space<hbm>> -> memref<128xi32, #tpu.memory_space<hbm>>
    tpu.enqueue_dma source(%dma_start3A_202 : memref<128xi32, #tpu.memory_space<hbm>>) target(%dma_start3A_201 : memref<128xi32, #tpu.memory_space<vmem>>) target_semaphore(%arg12 : memref<!tpu.dma_semaphore, #tpu.memory_space<semaphore_mem>>)
    %dma_start3A_203 = arith.constant 7 : i32
    %dma_start3A_204 = arith.constant 0 : i32
    %dma_start3A_205 = tpu.memref_slice %arg11[%dma_start3A_203, %dma_start3A_204] : memref<8x128xi32, #tpu.memory_space<vmem>> -> memref<1x128xi32, #tpu.memory_space<vmem>>
    %dma_start3A_206 = tpu.memref_squeeze %dma_start3A_205 : memref<1x128xi32, #tpu.memory_space<vmem>> -> memref<128xi32, #tpu.memory_space<vmem>>
    %dma_start3A_207 = tpu.memref_slice %arg4[%add3A_193] : memref<320000xi32, #tpu.memory_space<hbm>> -> memref<128xi32, #tpu.memory_space<hbm>>
    %dma_start3A_208 = arith.constant 0 : i32
    %dma_start3A_209 = tpu.memref_slice %arg11[%dma_start3A_203, %dma_start3A_208] : memref<8x128xi32, #tpu.memory_space<vmem>> -> memref<1x128xi32, #tpu.memory_space<vmem>>
    %dma_start3A_210 = tpu.memref_squeeze %dma_start3A_209 : memref<1x128xi32, #tpu.memory_space<vmem>> -> memref<128xi32, #tpu.memory_space<vmem>>
    %dma_start3A_211 = tpu.memref_slice %arg4[%add3A_193] : memref<320000xi32, #tpu.memory_space<hbm>> -> memref<128xi32, #tpu.memory_space<hbm>>
    tpu.enqueue_dma source(%dma_start3A_211 : memref<128xi32, #tpu.memory_space<hbm>>) target(%dma_start3A_210 : memref<128xi32, #tpu.memory_space<vmem>>) target_semaphore(%arg13 : memref<!tpu.dma_semaphore, #tpu.memory_space<semaphore_mem>>)
    %eq3A_212 = arith.constant 1 : i32
    %eq3A_213 = arith.cmpi eq, %arg0, %eq3A_212 : i32
    %convert_element_type3A = arith.extui %eq3A_213 : i1 to i32
    %cond3A = arith.constant 0 : i32
    %cond3A_214 = arith.cmpi ne, %convert_element_type3A, %cond3A : i32
    scf.if %cond3A_214 {
      "tpu.region"() ({
        %run_scoped3A_278 = tpu.sem_alloc : memref<!tpu.dma_semaphore, #tpu.memory_space<semaphore_mem>>
        %dma_start3A_279 = arith.constant 0 : i32
        %dma_start3A_280 = arith.constant 0 : i32
        %dma_start3A_281 = tpu.memref_slice %arg5[%arg1, %dma_start3A_279, %dma_start3A_280] : memref<16x2x128xi32, #tpu.memory_space<hbm>> -> memref<1x2x128xi32, #tpu.memory_space<hbm>>
        %dma_start3A_282 = tpu.memref_squeeze %dma_start3A_281 : memref<1x2x128xi32, #tpu.memory_space<hbm>> -> memref<2x128xi32, #tpu.memory_space<hbm>>
        %dma_start3A_283 = arith.constant 0 : i32
        %dma_start3A_284 = arith.constant 0 : i32
        %dma_start3A_285 = tpu.memref_slice %arg5[%arg1, %dma_start3A_283, %dma_start3A_284] : memref<16x2x128xi32, #tpu.memory_space<hbm>> -> memref<1x2x128xi32, #tpu.memory_space<hbm>>
        %dma_start3A_286 = tpu.memref_squeeze %dma_start3A_285 : memref<1x2x128xi32, #tpu.memory_space<hbm>> -> memref<2x128xi32, #tpu.memory_space<hbm>>
        tpu.enqueue_dma source(%dma_start3A_286 : memref<2x128xi32, #tpu.memory_space<hbm>>) target(%arg14 : memref<2x128xi32, #tpu.memory_space<vmem>>) target_semaphore(%run_scoped3A_278 : memref<!tpu.dma_semaphore, #tpu.memory_space<semaphore_mem>>)
        %dma_wait3A_287 = arith.constant 0 : i32
        %dma_wait3A_288 = arith.constant 0 : i32
        %dma_wait3A_289 = tpu.memref_slice %arg5[%arg1, %dma_wait3A_287, %dma_wait3A_288] : memref<16x2x128xi32, #tpu.memory_space<hbm>> -> memref<1x2x128xi32, #tpu.memory_space<hbm>>
        %dma_wait3A_290 = tpu.memref_squeeze %dma_wait3A_289 : memref<1x2x128xi32, #tpu.memory_space<hbm>> -> memref<2x128xi32, #tpu.memory_space<hbm>>
        %dma_wait3A_291 = arith.constant 0 : i32
        %dma_wait3A_292 = arith.constant 0 : i32
        %dma_wait3A_293 = tpu.memref_slice %arg5[%arg1, %dma_wait3A_291, %dma_wait3A_292] : memref<16x2x128xi32, #tpu.memory_space<hbm>> -> memref<1x2x128xi32, #tpu.memory_space<hbm>>
        %dma_wait3A_294 = tpu.memref_squeeze %dma_wait3A_293 : memref<1x2x128xi32, #tpu.memory_space<hbm>> -> memref<2x128xi32, #tpu.memory_space<hbm>>
        tpu.wait_dma2 semaphore(%run_scoped3A_278 : memref<!tpu.dma_semaphore, #tpu.memory_space<semaphore_mem>>) src(%dma_wait3A_294 : memref<2x128xi32, #tpu.memory_space<hbm>>) dst(%arg14 : memref<2x128xi32, #tpu.memory_space<vmem>>)
        tpu.yield
      }) : () -> ()
    } else {
    }
    %barrier3A = arith.constant 0 : index
    tpu.barrier barrier_id(%barrier3A)
    %eq3A_215 = arith.constant 1 : i32
    %eq3A_216 = arith.cmpi eq, %arg0, %eq3A_215 : i32
    %convert_element_type3A_217 = arith.extui %eq3A_216 : i1 to i32
    %cond3A_218 = arith.constant 0 : i32
    %cond3A_219 = arith.cmpi ne, %convert_element_type3A_217, %cond3A_218 : i32
    scf.if %cond3A_219 {
      %dma_start3A_278 = arith.constant 0 : i32
      %dma_start3A_279 = arith.constant 0 : i32
      %dma_start3A_280 = tpu.memref_slice %arg14[%dma_start3A_278, %dma_start3A_279] : memref<2x128xi32, #tpu.memory_space<vmem>> -> memref<1x128xi32, #tpu.memory_space<vmem>>
      %dma_start3A_281 = tpu.memref_squeeze %dma_start3A_280 : memref<1x128xi32, #tpu.memory_space<vmem>> -> memref<128xi32, #tpu.memory_space<vmem>>
      %dma_start3A_282 = arith.constant 0 : i32
      %dma_start3A_283 = arith.constant 0 : i32
      %dma_start3A_284 = tpu.memref_slice %arg2[%dma_start3A_282, %dma_start3A_283] : memref<10000x128xf32, #tpu.memory_space<hbm>> -> memref<10000x128xf32, #tpu.memory_space<hbm>>
      tpu.enqueue_indirect_dma source(%dma_start3A_284 : memref<10000x128xf32, #tpu.memory_space<hbm>>) target(%arg15 : memref<128x128xf32, #tpu.memory_space<vmem>>) offsets(%dma_start3A_281 : memref<128xi32, #tpu.memory_space<vmem>>) semaphore(%arg18 : memref<!tpu.dma_semaphore, #tpu.memory_space<semaphore_mem>>)
      %dma_wait3A_285 = arith.constant 0 : i32
      %dma_wait3A_286 = arith.constant 0 : i32
      %dma_wait3A_287 = tpu.memref_slice %arg14[%dma_wait3A_285, %dma_wait3A_286] : memref<2x128xi32, #tpu.memory_space<vmem>> -> memref<1x128xi32, #tpu.memory_space<vmem>>
      %dma_wait3A_288 = tpu.memref_squeeze %dma_wait3A_287 : memref<1x128xi32, #tpu.memory_space<vmem>> -> memref<128xi32, #tpu.memory_space<vmem>>
      %dma_wait3A_289 = arith.constant 0 : i32
      %dma_wait3A_290 = arith.constant 0 : i32
      %dma_wait3A_291 = tpu.memref_slice %arg2[%dma_wait3A_289, %dma_wait3A_290] : memref<10000x128xf32, #tpu.memory_space<hbm>> -> memref<10000x128xf32, #tpu.memory_space<hbm>>
      tpu.wait_indirect_dma semaphore(%arg18 : memref<!tpu.dma_semaphore, #tpu.memory_space<semaphore_mem>>) src(%dma_wait3A_291 : memref<10000x128xf32, #tpu.memory_space<hbm>>) dst(%arg15 : memref<128x128xf32, #tpu.memory_space<vmem>>)
      %run_scoped3A_292 = arith.constant 1 : i32
      "tpu.region"() ({
        %run_scoped3A_294 = tpu.sem_alloc : memref<!tpu.dma_semaphore, #tpu.memory_space<semaphore_mem>>
        %dma_start3A_295 = arith.constant 0 : i32
        %dma_start3A_296 = tpu.memref_slice %arg14[%run_scoped3A_292, %dma_start3A_295] : memref<2x128xi32, #tpu.memory_space<vmem>> -> memref<1x128xi32, #tpu.memory_space<vmem>>
        %dma_start3A_297 = tpu.memref_squeeze %dma_start3A_296 : memref<1x128xi32, #tpu.memory_space<vmem>> -> memref<128xi32, #tpu.memory_space<vmem>>
        %dma_start3A_298 = arith.constant 0 : i32
        %dma_start3A_299 = arith.constant 0 : i32
        %dma_start3A_300 = tpu.memref_slice %arg17[%dma_start3A_298, %dma_start3A_299] : memref<10240x128xf32, #tpu.memory_space<vmem_shared>> -> memref<10240x128xf32, #tpu.memory_space<vmem_shared>>
        tpu.enqueue_indirect_dma source(%arg15 : memref<128x128xf32, #tpu.memory_space<vmem>>) target(%dma_start3A_300 : memref<10240x128xf32, #tpu.memory_space<vmem_shared>>) offsets(%dma_start3A_297 : memref<128xi32, #tpu.memory_space<vmem>>) semaphore(%run_scoped3A_294 : memref<!tpu.dma_semaphore, #tpu.memory_space<semaphore_mem>>) {add = true}
        %dma_wait3A_301 = arith.constant 0 : i32
        %dma_wait3A_302 = tpu.memref_slice %arg14[%run_scoped3A_292, %dma_wait3A_301] : memref<2x128xi32, #tpu.memory_space<vmem>> -> memref<1x128xi32, #tpu.memory_space<vmem>>
        %dma_wait3A_303 = tpu.memref_squeeze %dma_wait3A_302 : memref<1x128xi32, #tpu.memory_space<vmem>> -> memref<128xi32, #tpu.memory_space<vmem>>
        %dma_wait3A_304 = arith.constant 0 : i32
        %dma_wait3A_305 = arith.constant 0 : i32
        %dma_wait3A_306 = tpu.memref_slice %arg17[%dma_wait3A_304, %dma_wait3A_305] : memref<10240x128xf32, #tpu.memory_space<vmem_shared>> -> memref<10240x128xf32, #tpu.memory_space<vmem_shared>>
        tpu.wait_indirect_dma semaphore(%run_scoped3A_294 : memref<!tpu.dma_semaphore, #tpu.memory_space<semaphore_mem>>) src(%arg15 : memref<128x128xf32, #tpu.memory_space<vmem>>) dst(%dma_wait3A_306 : memref<10240x128xf32, #tpu.memory_space<vmem_shared>>)
        tpu.yield
      }) : () -> ()
      %run_scoped3A_293 = arith.constant 1 : i32
      "tpu.region"() ({
        %run_scoped3A_294 = tpu.sem_alloc : memref<!tpu.dma_semaphore, #tpu.memory_space<semaphore_mem>>
        %dma_start3A_295 = arith.constant 0 : i32
        %dma_start3A_296 = tpu.memref_slice %arg14[%run_scoped3A_293, %dma_start3A_295] : memref<2x128xi32, #tpu.memory_space<vmem>> -> memref<1x128xi32, #tpu.memory_space<vmem>>
        %dma_start3A_297 = tpu.memref_squeeze %dma_start3A_296 : memref<1x128xi32, #tpu.memory_space<vmem>> -> memref<128xi32, #tpu.memory_space<vmem>>
        %dma_start3A_298 = arith.constant 0 : i32
        %dma_start3A_299 = tpu.memref_slice %arg21[%dma_start3A_298] : memref<10240xf32, #tpu.memory_space<vmem_shared>> -> memref<10240xf32, #tpu.memory_space<vmem_shared>>
        tpu.enqueue_indirect_dma source(%arg20 : memref<128xf32, #tpu.memory_space<vmem>>) target(%dma_start3A_299 : memref<10240xf32, #tpu.memory_space<vmem_shared>>) offsets(%dma_start3A_297 : memref<128xi32, #tpu.memory_space<vmem>>) semaphore(%run_scoped3A_294 : memref<!tpu.dma_semaphore, #tpu.memory_space<semaphore_mem>>) {add = true}
        %dma_wait3A_300 = arith.constant 0 : i32
        %dma_wait3A_301 = tpu.memref_slice %arg14[%run_scoped3A_293, %dma_wait3A_300] : memref<2x128xi32, #tpu.memory_space<vmem>> -> memref<1x128xi32, #tpu.memory_space<vmem>>
        %dma_wait3A_302 = tpu.memref_squeeze %dma_wait3A_301 : memref<1x128xi32, #tpu.memory_space<vmem>> -> memref<128xi32, #tpu.memory_space<vmem>>
        %dma_wait3A_303 = arith.constant 0 : i32
        %dma_wait3A_304 = tpu.memref_slice %arg21[%dma_wait3A_303] : memref<10240xf32, #tpu.memory_space<vmem_shared>> -> memref<10240xf32, #tpu.memory_space<vmem_shared>>
        tpu.wait_indirect_dma semaphore(%run_scoped3A_294 : memref<!tpu.dma_semaphore, #tpu.memory_space<semaphore_mem>>) src(%arg20 : memref<128xf32, #tpu.memory_space<vmem>>) dst(%dma_wait3A_304 : memref<10240xf32, #tpu.memory_space<vmem_shared>>)
        tpu.yield
      }) : () -> ()
    } else {
    }
    %eq3A_220 = arith.constant 0 : i32
    %eq3A_221 = arith.cmpi eq, %arg0, %eq3A_220 : i32
    %jit3A_222 = arith.constant 46 : i32
    %jit3A_223 = arith.constant 31 : i32
    %select_n3A_224 = arith.select %eq3A_221, %jit3A_222, %jit3A_223 : i32
    %dma_wait3A = arith.constant 0 : i32
    %dma_wait3A_225 = arith.constant 0 : i32
    %dma_wait3A_226 = tpu.memref_slice %arg10[%dma_wait3A, %dma_wait3A_225] : memref<8x128xi32, #tpu.memory_space<vmem>> -> memref<1x128xi32, #tpu.memory_space<vmem>>
    %dma_wait3A_227 = tpu.memref_squeeze %dma_wait3A_226 : memref<1x128xi32, #tpu.memory_space<vmem>> -> memref<128xi32, #tpu.memory_space<vmem>>
    %dma_wait3A_228 = arith.constant 0 : i32
    %dma_wait3A_229 = tpu.memref_slice %arg3[%dma_wait3A_228] : memref<320000xi32, #tpu.memory_space<hbm>> -> memref<128xi32, #tpu.memory_space<hbm>>
    %dma_wait3A_230 = arith.constant 0 : i32
    %dma_wait3A_231 = tpu.memref_slice %arg10[%dma_wait3A, %dma_wait3A_230] : memref<8x128xi32, #tpu.memory_space<vmem>> -> memref<1x128xi32, #tpu.memory_space<vmem>>
    %dma_wait3A_232 = tpu.memref_squeeze %dma_wait3A_231 : memref<1x128xi32, #tpu.memory_space<vmem>> -> memref<128xi32, #tpu.memory_space<vmem>>
    %dma_wait3A_233 = arith.constant 0 : i32
    %dma_wait3A_234 = tpu.memref_slice %arg3[%dma_wait3A_233] : memref<320000xi32, #tpu.memory_space<hbm>> -> memref<128xi32, #tpu.memory_space<hbm>>
    tpu.wait_dma2 semaphore(%arg12 : memref<!tpu.dma_semaphore, #tpu.memory_space<semaphore_mem>>) src(%dma_wait3A_234 : memref<128xi32, #tpu.memory_space<hbm>>) dst(%dma_wait3A_232 : memref<128xi32, #tpu.memory_space<vmem>>)
    %dma_wait3A_235 = arith.constant 0 : i32
    %dma_wait3A_236 = arith.constant 0 : i32
    %dma_wait3A_237 = tpu.memref_slice %arg11[%dma_wait3A_235, %dma_wait3A_236] : memref<8x128xi32, #tpu.memory_space<vmem>> -> memref<1x128xi32, #tpu.memory_space<vmem>>
    %dma_wait3A_238 = tpu.memref_squeeze %dma_wait3A_237 : memref<1x128xi32, #tpu.memory_space<vmem>> -> memref<128xi32, #tpu.memory_space<vmem>>
    %dma_wait3A_239 = arith.constant 0 : i32
    %dma_wait3A_240 = tpu.memref_slice %arg4[%dma_wait3A_239] : memref<320000xi32, #tpu.memory_space<hbm>> -> memref<128xi32, #tpu.memory_space<hbm>>
    %dma_wait3A_241 = arith.constant 0 : i32
    %dma_wait3A_242 = tpu.memref_slice %arg11[%dma_wait3A_235, %dma_wait3A_241] : memref<8x128xi32, #tpu.memory_space<vmem>> -> memref<1x128xi32, #tpu.memory_space<vmem>>
    %dma_wait3A_243 = tpu.memref_squeeze %dma_wait3A_242 : memref<1x128xi32, #tpu.memory_space<vmem>> -> memref<128xi32, #tpu.memory_space<vmem>>
    %dma_wait3A_244 = arith.constant 0 : i32
    %dma_wait3A_245 = tpu.memref_slice %arg4[%dma_wait3A_244] : memref<320000xi32, #tpu.memory_space<hbm>> -> memref<128xi32, #tpu.memory_space<hbm>>
    tpu.wait_dma2 semaphore(%arg13 : memref<!tpu.dma_semaphore, #tpu.memory_space<semaphore_mem>>) src(%dma_wait3A_245 : memref<128xi32, #tpu.memory_space<hbm>>) dst(%dma_wait3A_243 : memref<128xi32, #tpu.memory_space<vmem>>)
    %dma_start3A_246 = arith.constant 0 : i32
    %dma_start3A_247 = arith.constant 0 : i32
    %dma_start3A_248 = tpu.memref_slice %arg10[%dma_start3A_246, %dma_start3A_247] : memref<8x128xi32, #tpu.memory_space<vmem>> -> memref<1x128xi32, #tpu.memory_space<vmem>>
    %dma_start3A_249 = tpu.memref_squeeze %dma_start3A_248 : memref<1x128xi32, #tpu.memory_space<vmem>> -> memref<128xi32, #tpu.memory_space<vmem>>
    %dma_start3A_250 = arith.constant 0 : i32
    %dma_start3A_251 = arith.constant 0 : i32
    %dma_start3A_252 = tpu.memref_slice %arg2[%dma_start3A_250, %dma_start3A_251] : memref<10000x128xf32, #tpu.memory_space<hbm>> -> memref<10000x128xf32, #tpu.memory_space<hbm>>
    tpu.enqueue_indirect_dma source(%dma_start3A_252 : memref<10000x128xf32, #tpu.memory_space<hbm>>) target(%arg15 : memref<128x128xf32, #tpu.memory_space<vmem>>) offsets(%dma_start3A_249 : memref<128xi32, #tpu.memory_space<vmem>>) semaphore(%arg18 : memref<!tpu.dma_semaphore, #tpu.memory_space<semaphore_mem>>)
    %while3A = arith.constant 0 : i32
    %while3A_253 = arith.constant 0 : i32
    %while3A_254 = arith.subi %select_n3A_224, %while3A_253 : i32
    %while3A_255 = arith.addi %while3A_253, %while3A_254 : i32
    %while3A_256 = arith.constant 1 : i32
    %while3A_257 = arith.divsi %while3A_254, %while3A_256 : i32
    %while3A_258 = arith.muli %while3A_257, %while3A_256 : i32
    %while3A_259 = arith.addi %while3A_253, %while3A_258 : i32
    %while3A_260 = arith.constant 1 : i32
    scf.for %while3A_278 = %while3A_253 to %while3A_259 step %while3A_260  : i32 {
      %mul3A_279 = arith.constant 2 : i32
      %mul3A_280 = arith.muli %mul3A_279, %while3A_278 : i32
      %and3A_281 = arith.constant 7 : i32
      %and3A_282 = arith.andi %mul3A_280, %and3A_281 : i32
      %add3A_283 = arith.constant 1 : i32
      %add3A_284 = arith.addi %mul3A_280, %add3A_283 : i32
      %and3A_285 = arith.constant 7 : i32
      %and3A_286 = arith.andi %add3A_284, %and3A_285 : i32
      %add3A_287 = arith.constant 2 : i32
      %add3A_288 = arith.addi %mul3A_280, %add3A_287 : i32
      %and3A_289 = arith.constant 7 : i32
      %and3A_290 = arith.andi %add3A_288, %and3A_289 : i32
      %dma_wait3A_291 = arith.constant 0 : i32
      %dma_wait3A_292 = tpu.memref_slice %arg10[%and3A_286, %dma_wait3A_291] : memref<8x128xi32, #tpu.memory_space<vmem>> -> memref<1x128xi32, #tpu.memory_space<vmem>>
      %dma_wait3A_293 = tpu.memref_squeeze %dma_wait3A_292 : memref<1x128xi32, #tpu.memory_space<vmem>> -> memref<128xi32, #tpu.memory_space<vmem>>
      %dma_wait3A_294 = arith.constant 0 : i32
      %dma_wait3A_295 = tpu.memref_slice %arg3[%dma_wait3A_294] : memref<320000xi32, #tpu.memory_space<hbm>> -> memref<128xi32, #tpu.memory_space<hbm>>
      %dma_wait3A_296 = arith.constant 0 : i32
      %dma_wait3A_297 = tpu.memref_slice %arg10[%and3A_286, %dma_wait3A_296] : memref<8x128xi32, #tpu.memory_space<vmem>> -> memref<1x128xi32, #tpu.memory_space<vmem>>
      %dma_wait3A_298 = tpu.memref_squeeze %dma_wait3A_297 : memref<1x128xi32, #tpu.memory_space<vmem>> -> memref<128xi32, #tpu.memory_space<vmem>>
      %dma_wait3A_299 = arith.constant 0 : i32
      %dma_wait3A_300 = tpu.memref_slice %arg3[%dma_wait3A_299] : memref<320000xi32, #tpu.memory_space<hbm>> -> memref<128xi32, #tpu.memory_space<hbm>>
      tpu.wait_dma2 semaphore(%arg12 : memref<!tpu.dma_semaphore, #tpu.memory_space<semaphore_mem>>) src(%dma_wait3A_300 : memref<128xi32, #tpu.memory_space<hbm>>) dst(%dma_wait3A_298 : memref<128xi32, #tpu.memory_space<vmem>>)
      %dma_wait3A_301 = arith.constant 0 : i32
      %dma_wait3A_302 = tpu.memref_slice %arg11[%and3A_286, %dma_wait3A_301] : memref<8x128xi32, #tpu.memory_space<vmem>> -> memref<1x128xi32, #tpu.memory_space<vmem>>
      %dma_wait3A_303 = tpu.memref_squeeze %dma_wait3A_302 : memref<1x128xi32, #tpu.memory_space<vmem>> -> memref<128xi32, #tpu.memory_space<vmem>>
      %dma_wait3A_304 = arith.constant 0 : i32
      %dma_wait3A_305 = tpu.memref_slice %arg4[%dma_wait3A_304] : memref<320000xi32, #tpu.memory_space<hbm>> -> memref<128xi32, #tpu.memory_space<hbm>>
      %dma_wait3A_306 = arith.constant 0 : i32
      %dma_wait3A_307 = tpu.memref_slice %arg11[%and3A_286, %dma_wait3A_306] : memref<8x128xi32, #tpu.memory_space<vmem>> -> memref<1x128xi32, #tpu.memory_space<vmem>>
      %dma_wait3A_308 = tpu.memref_squeeze %dma_wait3A_307 : memref<1x128xi32, #tpu.memory_space<vmem>> -> memref<128xi32, #tpu.memory_space<vmem>>
      %dma_wait3A_309 = arith.constant 0 : i32
      %dma_wait3A_310 = tpu.memref_slice %arg4[%dma_wait3A_309] : memref<320000xi32, #tpu.memory_space<hbm>> -> memref<128xi32, #tpu.memory_space<hbm>>
      tpu.wait_dma2 semaphore(%arg13 : memref<!tpu.dma_semaphore, #tpu.memory_space<semaphore_mem>>) src(%dma_wait3A_310 : memref<128xi32, #tpu.memory_space<hbm>>) dst(%dma_wait3A_308 : memref<128xi32, #tpu.memory_space<vmem>>)
      %dma_start3A_311 = arith.constant 0 : i32
      %dma_start3A_312 = tpu.memref_slice %arg10[%and3A_286, %dma_start3A_311] : memref<8x128xi32, #tpu.memory_space<vmem>> -> memref<1x128xi32, #tpu.memory_space<vmem>>
      %dma_start3A_313 = tpu.memref_squeeze %dma_start3A_312 : memref<1x128xi32, #tpu.memory_space<vmem>> -> memref<128xi32, #tpu.memory_space<vmem>>
      %dma_start3A_314 = arith.constant 0 : i32
      %dma_start3A_315 = arith.constant 0 : i32
      %dma_start3A_316 = tpu.memref_slice %arg2[%dma_start3A_314, %dma_start3A_315] : memref<10000x128xf32, #tpu.memory_space<hbm>> -> memref<10000x128xf32, #tpu.memory_space<hbm>>
      tpu.enqueue_indirect_dma source(%dma_start3A_316 : memref<10000x128xf32, #tpu.memory_space<hbm>>) target(%arg16 : memref<128x128xf32, #tpu.memory_space<vmem>>) offsets(%dma_start3A_313 : memref<128xi32, #tpu.memory_space<vmem>>) semaphore(%arg19 : memref<!tpu.dma_semaphore, #tpu.memory_space<semaphore_mem>>)
      %dma_wait3A_317 = arith.constant 0 : i32
      %dma_wait3A_318 = tpu.memref_slice %arg10[%and3A_282, %dma_wait3A_317] : memref<8x128xi32, #tpu.memory_space<vmem>> -> memref<1x128xi32, #tpu.memory_space<vmem>>
      %dma_wait3A_319 = tpu.memref_squeeze %dma_wait3A_318 : memref<1x128xi32, #tpu.memory_space<vmem>> -> memref<128xi32, #tpu.memory_space<vmem>>
      %dma_wait3A_320 = arith.constant 0 : i32
      %dma_wait3A_321 = arith.constant 0 : i32
      %dma_wait3A_322 = tpu.memref_slice %arg2[%dma_wait3A_320, %dma_wait3A_321] : memref<10000x128xf32, #tpu.memory_space<hbm>> -> memref<10000x128xf32, #tpu.memory_space<hbm>>
      tpu.wait_indirect_dma semaphore(%arg18 : memref<!tpu.dma_semaphore, #tpu.memory_space<semaphore_mem>>) src(%dma_wait3A_322 : memref<10000x128xf32, #tpu.memory_space<hbm>>) dst(%arg15 : memref<128x128xf32, #tpu.memory_space<vmem>>)
      "tpu.region"() ({
        %run_scoped3A_369 = tpu.sem_alloc : memref<!tpu.dma_semaphore, #tpu.memory_space<semaphore_mem>>
        %dma_start3A_370 = arith.constant 0 : i32
        %dma_start3A_371 = tpu.memref_slice %arg11[%and3A_282, %dma_start3A_370] : memref<8x128xi32, #tpu.memory_space<vmem>> -> memref<1x128xi32, #tpu.memory_space<vmem>>
        %dma_start3A_372 = tpu.memref_squeeze %dma_start3A_371 : memref<1x128xi32, #tpu.memory_space<vmem>> -> memref<128xi32, #tpu.memory_space<vmem>>
        %dma_start3A_373 = arith.constant 0 : i32
        %dma_start3A_374 = arith.constant 0 : i32
        %dma_start3A_375 = tpu.memref_slice %arg17[%dma_start3A_373, %dma_start3A_374] : memref<10240x128xf32, #tpu.memory_space<vmem_shared>> -> memref<10240x128xf32, #tpu.memory_space<vmem_shared>>
        tpu.enqueue_indirect_dma source(%arg15 : memref<128x128xf32, #tpu.memory_space<vmem>>) target(%dma_start3A_375 : memref<10240x128xf32, #tpu.memory_space<vmem_shared>>) offsets(%dma_start3A_372 : memref<128xi32, #tpu.memory_space<vmem>>) semaphore(%run_scoped3A_369 : memref<!tpu.dma_semaphore, #tpu.memory_space<semaphore_mem>>) {add = true}
        %dma_wait3A_376 = arith.constant 0 : i32
        %dma_wait3A_377 = tpu.memref_slice %arg11[%and3A_282, %dma_wait3A_376] : memref<8x128xi32, #tpu.memory_space<vmem>> -> memref<1x128xi32, #tpu.memory_space<vmem>>
        %dma_wait3A_378 = tpu.memref_squeeze %dma_wait3A_377 : memref<1x128xi32, #tpu.memory_space<vmem>> -> memref<128xi32, #tpu.memory_space<vmem>>
        %dma_wait3A_379 = arith.constant 0 : i32
        %dma_wait3A_380 = arith.constant 0 : i32
        %dma_wait3A_381 = tpu.memref_slice %arg17[%dma_wait3A_379, %dma_wait3A_380] : memref<10240x128xf32, #tpu.memory_space<vmem_shared>> -> memref<10240x128xf32, #tpu.memory_space<vmem_shared>>
        tpu.wait_indirect_dma semaphore(%run_scoped3A_369 : memref<!tpu.dma_semaphore, #tpu.memory_space<semaphore_mem>>) src(%arg15 : memref<128x128xf32, #tpu.memory_space<vmem>>) dst(%dma_wait3A_381 : memref<10240x128xf32, #tpu.memory_space<vmem_shared>>)
        tpu.yield
      }) : () -> ()
      "tpu.region"() ({
        %run_scoped3A_369 = tpu.sem_alloc : memref<!tpu.dma_semaphore, #tpu.memory_space<semaphore_mem>>
        %dma_start3A_370 = arith.constant 0 : i32
        %dma_start3A_371 = tpu.memref_slice %arg11[%and3A_282, %dma_start3A_370] : memref<8x128xi32, #tpu.memory_space<vmem>> -> memref<1x128xi32, #tpu.memory_space<vmem>>
        %dma_start3A_372 = tpu.memref_squeeze %dma_start3A_371 : memref<1x128xi32, #tpu.memory_space<vmem>> -> memref<128xi32, #tpu.memory_space<vmem>>
        %dma_start3A_373 = arith.constant 0 : i32
        %dma_start3A_374 = tpu.memref_slice %arg21[%dma_start3A_373] : memref<10240xf32, #tpu.memory_space<vmem_shared>> -> memref<10240xf32, #tpu.memory_space<vmem_shared>>
        tpu.enqueue_indirect_dma source(%arg20 : memref<128xf32, #tpu.memory_space<vmem>>) target(%dma_start3A_374 : memref<10240xf32, #tpu.memory_space<vmem_shared>>) offsets(%dma_start3A_372 : memref<128xi32, #tpu.memory_space<vmem>>) semaphore(%run_scoped3A_369 : memref<!tpu.dma_semaphore, #tpu.memory_space<semaphore_mem>>) {add = true}
        %dma_wait3A_375 = arith.constant 0 : i32
        %dma_wait3A_376 = tpu.memref_slice %arg11[%and3A_282, %dma_wait3A_375] : memref<8x128xi32, #tpu.memory_space<vmem>> -> memref<1x128xi32, #tpu.memory_space<vmem>>
        %dma_wait3A_377 = tpu.memref_squeeze %dma_wait3A_376 : memref<1x128xi32, #tpu.memory_space<vmem>> -> memref<128xi32, #tpu.memory_space<vmem>>
        %dma_wait3A_378 = arith.constant 0 : i32
        %dma_wait3A_379 = tpu.memref_slice %arg21[%dma_wait3A_378] : memref<10240xf32, #tpu.memory_space<vmem_shared>> -> memref<10240xf32, #tpu.memory_space<vmem_shared>>
        tpu.wait_indirect_dma semaphore(%run_scoped3A_369 : memref<!tpu.dma_semaphore, #tpu.memory_space<semaphore_mem>>) src(%arg20 : memref<128xf32, #tpu.memory_space<vmem>>) dst(%dma_wait3A_379 : memref<10240xf32, #tpu.memory_space<vmem_shared>>)
        tpu.yield
      }) : () -> ()
      %add3A_323 = arith.constant 8 : i32
      %add3A_324 = arith.addi %mul3A_280, %add3A_323 : i32
      %lt3A_325 = arith.cmpi slt, %add3A_324, %select_n3A : i32
      %convert_element_type3A_326 = arith.extui %lt3A_325 : i1 to i32
      %cond3A_327 = arith.constant 0 : i32
      %cond3A_328 = arith.cmpi ne, %convert_element_type3A_326, %cond3A_327 : i32
      scf.if %cond3A_328 {
        %add3A_369 = arith.constant 8 : i32
        %add3A_370 = arith.addi %mul3A_280, %add3A_369 : i32
        %and3A_371 = arith.constant 7 : i32
        %and3A_372 = arith.andi %mul3A_280, %and3A_371 : i32
        %mul3A_373 = arith.constant 128 : i32
        %mul3A_374 = arith.muli %add3A_370, %mul3A_373 : i32
        %add3A_375 = arith.addi %add3A, %mul3A_374 : i32
        %dma_start3A_376 = arith.constant 0 : i32
        %dma_start3A_377 = tpu.memref_slice %arg10[%and3A_372, %dma_start3A_376] : memref<8x128xi32, #tpu.memory_space<vmem>> -> memref<1x128xi32, #tpu.memory_space<vmem>>
        %dma_start3A_378 = tpu.memref_squeeze %dma_start3A_377 : memref<1x128xi32, #tpu.memory_space<vmem>> -> memref<128xi32, #tpu.memory_space<vmem>>
        %dma_start3A_379 = tpu.memref_slice %arg3[%add3A_375] : memref<320000xi32, #tpu.memory_space<hbm>> -> memref<128xi32, #tpu.memory_space<hbm>>
        %dma_start3A_380 = arith.constant 0 : i32
        %dma_start3A_381 = tpu.memref_slice %arg10[%and3A_372, %dma_start3A_380] : memref<8x128xi32, #tpu.memory_space<vmem>> -> memref<1x128xi32, #tpu.memory_space<vmem>>
        %dma_start3A_382 = tpu.memref_squeeze %dma_start3A_381 : memref<1x128xi32, #tpu.memory_space<vmem>> -> memref<128xi32, #tpu.memory_space<vmem>>
        %dma_start3A_383 = tpu.memref_slice %arg3[%add3A_375] : memref<320000xi32, #tpu.memory_space<hbm>> -> memref<128xi32, #tpu.memory_space<hbm>>
        tpu.enqueue_dma source(%dma_start3A_383 : memref<128xi32, #tpu.memory_space<hbm>>) target(%dma_start3A_382 : memref<128xi32, #tpu.memory_space<vmem>>) target_semaphore(%arg12 : memref<!tpu.dma_semaphore, #tpu.memory_space<semaphore_mem>>)
        %dma_start3A_384 = arith.constant 0 : i32
        %dma_start3A_385 = tpu.memref_slice %arg11[%and3A_372, %dma_start3A_384] : memref<8x128xi32, #tpu.memory_space<vmem>> -> memref<1x128xi32, #tpu.memory_space<vmem>>
        %dma_start3A_386 = tpu.memref_squeeze %dma_start3A_385 : memref<1x128xi32, #tpu.memory_space<vmem>> -> memref<128xi32, #tpu.memory_space<vmem>>
        %dma_start3A_387 = tpu.memref_slice %arg4[%add3A_375] : memref<320000xi32, #tpu.memory_space<hbm>> -> memref<128xi32, #tpu.memory_space<hbm>>
        %dma_start3A_388 = arith.constant 0 : i32
        %dma_start3A_389 = tpu.memref_slice %arg11[%and3A_372, %dma_start3A_388] : memref<8x128xi32, #tpu.memory_space<vmem>> -> memref<1x128xi32, #tpu.memory_space<vmem>>
        %dma_start3A_390 = tpu.memref_squeeze %dma_start3A_389 : memref<1x128xi32, #tpu.memory_space<vmem>> -> memref<128xi32, #tpu.memory_space<vmem>>
        %dma_start3A_391 = tpu.memref_slice %arg4[%add3A_375] : memref<320000xi32, #tpu.memory_space<hbm>> -> memref<128xi32, #tpu.memory_space<hbm>>
        tpu.enqueue_dma source(%dma_start3A_391 : memref<128xi32, #tpu.memory_space<hbm>>) target(%dma_start3A_390 : memref<128xi32, #tpu.memory_space<vmem>>) target_semaphore(%arg13 : memref<!tpu.dma_semaphore, #tpu.memory_space<semaphore_mem>>)
      } else {
      }
      %dma_wait3A_329 = arith.constant 0 : i32
      %dma_wait3A_330 = tpu.memref_slice %arg10[%and3A_290, %dma_wait3A_329] : memref<8x128xi32, #tpu.memory_space<vmem>> -> memref<1x128xi32, #tpu.memory_space<vmem>>
      %dma_wait3A_331 = tpu.memref_squeeze %dma_wait3A_330 : memref<1x128xi32, #tpu.memory_space<vmem>> -> memref<128xi32, #tpu.memory_space<vmem>>
      %dma_wait3A_332 = arith.constant 0 : i32
      %dma_wait3A_333 = tpu.memref_slice %arg3[%dma_wait3A_332] : memref<320000xi32, #tpu.memory_space<hbm>> -> memref<128xi32, #tpu.memory_space<hbm>>
      %dma_wait3A_334 = arith.constant 0 : i32
      %dma_wait3A_335 = tpu.memref_slice %arg10[%and3A_290, %dma_wait3A_334] : memref<8x128xi32, #tpu.memory_space<vmem>> -> memref<1x128xi32, #tpu.memory_space<vmem>>
      %dma_wait3A_336 = tpu.memref_squeeze %dma_wait3A_335 : memref<1x128xi32, #tpu.memory_space<vmem>> -> memref<128xi32, #tpu.memory_space<vmem>>
      %dma_wait3A_337 = arith.constant 0 : i32
      %dma_wait3A_338 = tpu.memref_slice %arg3[%dma_wait3A_337] : memref<320000xi32, #tpu.memory_space<hbm>> -> memref<128xi32, #tpu.memory_space<hbm>>
      tpu.wait_dma2 semaphore(%arg12 : memref<!tpu.dma_semaphore, #tpu.memory_space<semaphore_mem>>) src(%dma_wait3A_338 : memref<128xi32, #tpu.memory_space<hbm>>) dst(%dma_wait3A_336 : memref<128xi32, #tpu.memory_space<vmem>>)
      %dma_wait3A_339 = arith.constant 0 : i32
      %dma_wait3A_340 = tpu.memref_slice %arg11[%and3A_290, %dma_wait3A_339] : memref<8x128xi32, #tpu.memory_space<vmem>> -> memref<1x128xi32, #tpu.memory_space<vmem>>
      %dma_wait3A_341 = tpu.memref_squeeze %dma_wait3A_340 : memref<1x128xi32, #tpu.memory_space<vmem>> -> memref<128xi32, #tpu.memory_space<vmem>>
      %dma_wait3A_342 = arith.constant 0 : i32
      %dma_wait3A_343 = tpu.memref_slice %arg4[%dma_wait3A_342] : memref<320000xi32, #tpu.memory_space<hbm>> -> memref<128xi32, #tpu.memory_space<hbm>>
      %dma_wait3A_344 = arith.constant 0 : i32
      %dma_wait3A_345 = tpu.memref_slice %arg11[%and3A_290, %dma_wait3A_344] : memref<8x128xi32, #tpu.memory_space<vmem>> -> memref<1x128xi32, #tpu.memory_space<vmem>>
      %dma_wait3A_346 = tpu.memref_squeeze %dma_wait3A_345 : memref<1x128xi32, #tpu.memory_space<vmem>> -> memref<128xi32, #tpu.memory_space<vmem>>
      %dma_wait3A_347 = arith.constant 0 : i32
      %dma_wait3A_348 = tpu.memref_slice %arg4[%dma_wait3A_347] : memref<320000xi32, #tpu.memory_space<hbm>> -> memref<128xi32, #tpu.memory_space<hbm>>
      tpu.wait_dma2 semaphore(%arg13 : memref<!tpu.dma_semaphore, #tpu.memory_space<semaphore_mem>>) src(%dma_wait3A_348 : memref<128xi32, #tpu.memory_space<hbm>>) dst(%dma_wait3A_346 : memref<128xi32, #tpu.memory_space<vmem>>)
      %dma_start3A_349 = arith.constant 0 : i32
      %dma_start3A_350 = tpu.memref_slice %arg10[%and3A_290, %dma_start3A_349] : memref<8x128xi32, #tpu.memory_space<vmem>> -> memref<1x128xi32, #tpu.memory_space<vmem>>
      %dma_start3A_351 = tpu.memref_squeeze %dma_start3A_350 : memref<1x128xi32, #tpu.memory_space<vmem>> -> memref<128xi32, #tpu.memory_space<vmem>>
      %dma_start3A_352 = arith.constant 0 : i32
      %dma_start3A_353 = arith.constant 0 : i32
      %dma_start3A_354 = tpu.memref_slice %arg2[%dma_start3A_352, %dma_start3A_353] : memref<10000x128xf32, #tpu.memory_space<hbm>> -> memref<10000x128xf32, #tpu.memory_space<hbm>>
      tpu.enqueue_indirect_dma source(%dma_start3A_354 : memref<10000x128xf32, #tpu.memory_space<hbm>>) target(%arg15 : memref<128x128xf32, #tpu.memory_space<vmem>>) offsets(%dma_start3A_351 : memref<128xi32, #tpu.memory_space<vmem>>) semaphore(%arg18 : memref<!tpu.dma_semaphore, #tpu.memory_space<semaphore_mem>>)
      %dma_wait3A_355 = arith.constant 0 : i32
      %dma_wait3A_356 = tpu.memref_slice %arg10[%and3A_286, %dma_wait3A_355] : memref<8x128xi32, #tpu.memory_space<vmem>> -> memref<1x128xi32, #tpu.memory_space<vmem>>
      %dma_wait3A_357 = tpu.memref_squeeze %dma_wait3A_356 : memref<1x128xi32, #tpu.memory_space<vmem>> -> memref<128xi32, #tpu.memory_space<vmem>>
      %dma_wait3A_358 = arith.constant 0 : i32
      %dma_wait3A_359 = arith.constant 0 : i32
      %dma_wait3A_360 = tpu.memref_slice %arg2[%dma_wait3A_358, %dma_wait3A_359] : memref<10000x128xf32, #tpu.memory_space<hbm>> -> memref<10000x128xf32, #tpu.memory_space<hbm>>
      tpu.wait_indirect_dma semaphore(%arg19 : memref<!tpu.dma_semaphore, #tpu.memory_space<semaphore_mem>>) src(%dma_wait3A_360 : memref<10000x128xf32, #tpu.memory_space<hbm>>) dst(%arg16 : memref<128x128xf32, #tpu.memory_space<vmem>>)
      %add3A_361 = arith.constant 1 : i32
      %add3A_362 = arith.addi %mul3A_280, %add3A_361 : i32
      "tpu.region"() ({
        %run_scoped3A_369 = tpu.sem_alloc : memref<!tpu.dma_semaphore, #tpu.memory_space<semaphore_mem>>
        %dma_start3A_370 = arith.constant 0 : i32
        %dma_start3A_371 = tpu.memref_slice %arg11[%and3A_286, %dma_start3A_370] : memref<8x128xi32, #tpu.memory_space<vmem>> -> memref<1x128xi32, #tpu.memory_space<vmem>>
        %dma_start3A_372 = tpu.memref_squeeze %dma_start3A_371 : memref<1x128xi32, #tpu.memory_space<vmem>> -> memref<128xi32, #tpu.memory_space<vmem>>
        %dma_start3A_373 = arith.constant 0 : i32
        %dma_start3A_374 = arith.constant 0 : i32
        %dma_start3A_375 = tpu.memref_slice %arg17[%dma_start3A_373, %dma_start3A_374] : memref<10240x128xf32, #tpu.memory_space<vmem_shared>> -> memref<10240x128xf32, #tpu.memory_space<vmem_shared>>
        tpu.enqueue_indirect_dma source(%arg16 : memref<128x128xf32, #tpu.memory_space<vmem>>) target(%dma_start3A_375 : memref<10240x128xf32, #tpu.memory_space<vmem_shared>>) offsets(%dma_start3A_372 : memref<128xi32, #tpu.memory_space<vmem>>) semaphore(%run_scoped3A_369 : memref<!tpu.dma_semaphore, #tpu.memory_space<semaphore_mem>>) {add = true}
        %dma_wait3A_376 = arith.constant 0 : i32
        %dma_wait3A_377 = tpu.memref_slice %arg11[%and3A_286, %dma_wait3A_376] : memref<8x128xi32, #tpu.memory_space<vmem>> -> memref<1x128xi32, #tpu.memory_space<vmem>>
        %dma_wait3A_378 = tpu.memref_squeeze %dma_wait3A_377 : memref<1x128xi32, #tpu.memory_space<vmem>> -> memref<128xi32, #tpu.memory_space<vmem>>
        %dma_wait3A_379 = arith.constant 0 : i32
        %dma_wait3A_380 = arith.constant 0 : i32
        %dma_wait3A_381 = tpu.memref_slice %arg17[%dma_wait3A_379, %dma_wait3A_380] : memref<10240x128xf32, #tpu.memory_space<vmem_shared>> -> memref<10240x128xf32, #tpu.memory_space<vmem_shared>>
        tpu.wait_indirect_dma semaphore(%run_scoped3A_369 : memref<!tpu.dma_semaphore, #tpu.memory_space<semaphore_mem>>) src(%arg16 : memref<128x128xf32, #tpu.memory_space<vmem>>) dst(%dma_wait3A_381 : memref<10240x128xf32, #tpu.memory_space<vmem_shared>>)
        tpu.yield
      }) : () -> ()
      "tpu.region"() ({
        %run_scoped3A_369 = tpu.sem_alloc : memref<!tpu.dma_semaphore, #tpu.memory_space<semaphore_mem>>
        %dma_start3A_370 = arith.constant 0 : i32
        %dma_start3A_371 = tpu.memref_slice %arg11[%and3A_286, %dma_start3A_370] : memref<8x128xi32, #tpu.memory_space<vmem>> -> memref<1x128xi32, #tpu.memory_space<vmem>>
        %dma_start3A_372 = tpu.memref_squeeze %dma_start3A_371 : memref<1x128xi32, #tpu.memory_space<vmem>> -> memref<128xi32, #tpu.memory_space<vmem>>
        %dma_start3A_373 = arith.constant 0 : i32
        %dma_start3A_374 = tpu.memref_slice %arg21[%dma_start3A_373] : memref<10240xf32, #tpu.memory_space<vmem_shared>> -> memref<10240xf32, #tpu.memory_space<vmem_shared>>
        tpu.enqueue_indirect_dma source(%arg20 : memref<128xf32, #tpu.memory_space<vmem>>) target(%dma_start3A_374 : memref<10240xf32, #tpu.memory_space<vmem_shared>>) offsets(%dma_start3A_372 : memref<128xi32, #tpu.memory_space<vmem>>) semaphore(%run_scoped3A_369 : memref<!tpu.dma_semaphore, #tpu.memory_space<semaphore_mem>>) {add = true}
        %dma_wait3A_375 = arith.constant 0 : i32
        %dma_wait3A_376 = tpu.memref_slice %arg11[%and3A_286, %dma_wait3A_375] : memref<8x128xi32, #tpu.memory_space<vmem>> -> memref<1x128xi32, #tpu.memory_space<vmem>>
        %dma_wait3A_377 = tpu.memref_squeeze %dma_wait3A_376 : memref<1x128xi32, #tpu.memory_space<vmem>> -> memref<128xi32, #tpu.memory_space<vmem>>
        %dma_wait3A_378 = arith.constant 0 : i32
        %dma_wait3A_379 = tpu.memref_slice %arg21[%dma_wait3A_378] : memref<10240xf32, #tpu.memory_space<vmem_shared>> -> memref<10240xf32, #tpu.memory_space<vmem_shared>>
        tpu.wait_indirect_dma semaphore(%run_scoped3A_369 : memref<!tpu.dma_semaphore, #tpu.memory_space<semaphore_mem>>) src(%arg20 : memref<128xf32, #tpu.memory_space<vmem>>) dst(%dma_wait3A_379 : memref<10240xf32, #tpu.memory_space<vmem_shared>>)
        tpu.yield
      }) : () -> ()
      %add3A_363 = arith.constant 8 : i32
      %add3A_364 = arith.addi %add3A_362, %add3A_363 : i32
      %lt3A_365 = arith.cmpi slt, %add3A_364, %select_n3A : i32
      %convert_element_type3A_366 = arith.extui %lt3A_365 : i1 to i32
      %cond3A_367 = arith.constant 0 : i32
      %cond3A_368 = arith.cmpi ne, %convert_element_type3A_366, %cond3A_367 : i32
      scf.if %cond3A_368 {
        %add3A_369 = arith.constant 8 : i32
        %add3A_370 = arith.addi %add3A_362, %add3A_369 : i32
        %and3A_371 = arith.constant 7 : i32
        %and3A_372 = arith.andi %add3A_362, %and3A_371 : i32
        %mul3A_373 = arith.constant 128 : i32
        %mul3A_374 = arith.muli %add3A_370, %mul3A_373 : i32
        %add3A_375 = arith.addi %add3A, %mul3A_374 : i32
        %dma_start3A_376 = arith.constant 0 : i32
        %dma_start3A_377 = tpu.memref_slice %arg10[%and3A_372, %dma_start3A_376] : memref<8x128xi32, #tpu.memory_space<vmem>> -> memref<1x128xi32, #tpu.memory_space<vmem>>
        %dma_start3A_378 = tpu.memref_squeeze %dma_start3A_377 : memref<1x128xi32, #tpu.memory_space<vmem>> -> memref<128xi32, #tpu.memory_space<vmem>>
        %dma_start3A_379 = tpu.memref_slice %arg3[%add3A_375] : memref<320000xi32, #tpu.memory_space<hbm>> -> memref<128xi32, #tpu.memory_space<hbm>>
        %dma_start3A_380 = arith.constant 0 : i32
        %dma_start3A_381 = tpu.memref_slice %arg10[%and3A_372, %dma_start3A_380] : memref<8x128xi32, #tpu.memory_space<vmem>> -> memref<1x128xi32, #tpu.memory_space<vmem>>
        %dma_start3A_382 = tpu.memref_squeeze %dma_start3A_381 : memref<1x128xi32, #tpu.memory_space<vmem>> -> memref<128xi32, #tpu.memory_space<vmem>>
        %dma_start3A_383 = tpu.memref_slice %arg3[%add3A_375] : memref<320000xi32, #tpu.memory_space<hbm>> -> memref<128xi32, #tpu.memory_space<hbm>>
        tpu.enqueue_dma source(%dma_start3A_383 : memref<128xi32, #tpu.memory_space<hbm>>) target(%dma_start3A_382 : memref<128xi32, #tpu.memory_space<vmem>>) target_semaphore(%arg12 : memref<!tpu.dma_semaphore, #tpu.memory_space<semaphore_mem>>)
        %dma_start3A_384 = arith.constant 0 : i32
        %dma_start3A_385 = tpu.memref_slice %arg11[%and3A_372, %dma_start3A_384] : memref<8x128xi32, #tpu.memory_space<vmem>> -> memref<1x128xi32, #tpu.memory_space<vmem>>
        %dma_start3A_386 = tpu.memref_squeeze %dma_start3A_385 : memref<1x128xi32, #tpu.memory_space<vmem>> -> memref<128xi32, #tpu.memory_space<vmem>>
        %dma_start3A_387 = tpu.memref_slice %arg4[%add3A_375] : memref<320000xi32, #tpu.memory_space<hbm>> -> memref<128xi32, #tpu.memory_space<hbm>>
        %dma_start3A_388 = arith.constant 0 : i32
        %dma_start3A_389 = tpu.memref_slice %arg11[%and3A_372, %dma_start3A_388] : memref<8x128xi32, #tpu.memory_space<vmem>> -> memref<1x128xi32, #tpu.memory_space<vmem>>
        %dma_start3A_390 = tpu.memref_squeeze %dma_start3A_389 : memref<1x128xi32, #tpu.memory_space<vmem>> -> memref<128xi32, #tpu.memory_space<vmem>>
        %dma_start3A_391 = tpu.memref_slice %arg4[%add3A_375] : memref<320000xi32, #tpu.memory_space<hbm>> -> memref<128xi32, #tpu.memory_space<hbm>>
        tpu.enqueue_dma source(%dma_start3A_391 : memref<128xi32, #tpu.memory_space<hbm>>) target(%dma_start3A_390 : memref<128xi32, #tpu.memory_space<vmem>>) target_semaphore(%arg13 : memref<!tpu.dma_semaphore, #tpu.memory_space<semaphore_mem>>)
      } else {
      }
    }
    %while3A_261 = arith.constant 1 : i32
    scf.for %while3A_278 = %while3A_259 to %while3A_255 step %while3A_261  : i32 {
      %mul3A_279 = arith.constant 2 : i32
      %mul3A_280 = arith.muli %mul3A_279, %while3A_278 : i32
      %and3A_281 = arith.constant 7 : i32
      %and3A_282 = arith.andi %mul3A_280, %and3A_281 : i32
      %add3A_283 = arith.constant 1 : i32
      %add3A_284 = arith.addi %mul3A_280, %add3A_283 : i32
      %and3A_285 = arith.constant 7 : i32
      %and3A_286 = arith.andi %add3A_284, %and3A_285 : i32
      %add3A_287 = arith.constant 2 : i32
      %add3A_288 = arith.addi %mul3A_280, %add3A_287 : i32
      %and3A_289 = arith.constant 7 : i32
      %and3A_290 = arith.andi %add3A_288, %and3A_289 : i32
      %dma_wait3A_291 = arith.constant 0 : i32
      %dma_wait3A_292 = tpu.memref_slice %arg10[%and3A_286, %dma_wait3A_291] : memref<8x128xi32, #tpu.memory_space<vmem>> -> memref<1x128xi32, #tpu.memory_space<vmem>>
      %dma_wait3A_293 = tpu.memref_squeeze %dma_wait3A_292 : memref<1x128xi32, #tpu.memory_space<vmem>> -> memref<128xi32, #tpu.memory_space<vmem>>
      %dma_wait3A_294 = arith.constant 0 : i32
      %dma_wait3A_295 = tpu.memref_slice %arg3[%dma_wait3A_294] : memref<320000xi32, #tpu.memory_space<hbm>> -> memref<128xi32, #tpu.memory_space<hbm>>
      %dma_wait3A_296 = arith.constant 0 : i32
      %dma_wait3A_297 = tpu.memref_slice %arg10[%and3A_286, %dma_wait3A_296] : memref<8x128xi32, #tpu.memory_space<vmem>> -> memref<1x128xi32, #tpu.memory_space<vmem>>
      %dma_wait3A_298 = tpu.memref_squeeze %dma_wait3A_297 : memref<1x128xi32, #tpu.memory_space<vmem>> -> memref<128xi32, #tpu.memory_space<vmem>>
      %dma_wait3A_299 = arith.constant 0 : i32
      %dma_wait3A_300 = tpu.memref_slice %arg3[%dma_wait3A_299] : memref<320000xi32, #tpu.memory_space<hbm>> -> memref<128xi32, #tpu.memory_space<hbm>>
      tpu.wait_dma2 semaphore(%arg12 : memref<!tpu.dma_semaphore, #tpu.memory_space<semaphore_mem>>) src(%dma_wait3A_300 : memref<128xi32, #tpu.memory_space<hbm>>) dst(%dma_wait3A_298 : memref<128xi32, #tpu.memory_space<vmem>>)
      %dma_wait3A_301 = arith.constant 0 : i32
      %dma_wait3A_302 = tpu.memref_slice %arg11[%and3A_286, %dma_wait3A_301] : memref<8x128xi32, #tpu.memory_space<vmem>> -> memref<1x128xi32, #tpu.memory_space<vmem>>
      %dma_wait3A_303 = tpu.memref_squeeze %dma_wait3A_302 : memref<1x128xi32, #tpu.memory_space<vmem>> -> memref<128xi32, #tpu.memory_space<vmem>>
      %dma_wait3A_304 = arith.constant 0 : i32
      %dma_wait3A_305 = tpu.memref_slice %arg4[%dma_wait3A_304] : memref<320000xi32, #tpu.memory_space<hbm>> -> memref<128xi32, #tpu.memory_space<hbm>>
      %dma_wait3A_306 = arith.constant 0 : i32
      %dma_wait3A_307 = tpu.memref_slice %arg11[%and3A_286, %dma_wait3A_306] : memref<8x128xi32, #tpu.memory_space<vmem>> -> memref<1x128xi32, #tpu.memory_space<vmem>>
      %dma_wait3A_308 = tpu.memref_squeeze %dma_wait3A_307 : memref<1x128xi32, #tpu.memory_space<vmem>> -> memref<128xi32, #tpu.memory_space<vmem>>
      %dma_wait3A_309 = arith.constant 0 : i32
      %dma_wait3A_310 = tpu.memref_slice %arg4[%dma_wait3A_309] : memref<320000xi32, #tpu.memory_space<hbm>> -> memref<128xi32, #tpu.memory_space<hbm>>
      tpu.wait_dma2 semaphore(%arg13 : memref<!tpu.dma_semaphore, #tpu.memory_space<semaphore_mem>>) src(%dma_wait3A_310 : memref<128xi32, #tpu.memory_space<hbm>>) dst(%dma_wait3A_308 : memref<128xi32, #tpu.memory_space<vmem>>)
      %dma_start3A_311 = arith.constant 0 : i32
      %dma_start3A_312 = tpu.memref_slice %arg10[%and3A_286, %dma_start3A_311] : memref<8x128xi32, #tpu.memory_space<vmem>> -> memref<1x128xi32, #tpu.memory_space<vmem>>
      %dma_start3A_313 = tpu.memref_squeeze %dma_start3A_312 : memref<1x128xi32, #tpu.memory_space<vmem>> -> memref<128xi32, #tpu.memory_space<vmem>>
      %dma_start3A_314 = arith.constant 0 : i32
      %dma_start3A_315 = arith.constant 0 : i32
      %dma_start3A_316 = tpu.memref_slice %arg2[%dma_start3A_314, %dma_start3A_315] : memref<10000x128xf32, #tpu.memory_space<hbm>> -> memref<10000x128xf32, #tpu.memory_space<hbm>>
      tpu.enqueue_indirect_dma source(%dma_start3A_316 : memref<10000x128xf32, #tpu.memory_space<hbm>>) target(%arg16 : memref<128x128xf32, #tpu.memory_space<vmem>>) offsets(%dma_start3A_313 : memref<128xi32, #tpu.memory_space<vmem>>) semaphore(%arg19 : memref<!tpu.dma_semaphore, #tpu.memory_space<semaphore_mem>>)
      %dma_wait3A_317 = arith.constant 0 : i32
      %dma_wait3A_318 = tpu.memref_slice %arg10[%and3A_282, %dma_wait3A_317] : memref<8x128xi32, #tpu.memory_space<vmem>> -> memref<1x128xi32, #tpu.memory_space<vmem>>
      %dma_wait3A_319 = tpu.memref_squeeze %dma_wait3A_318 : memref<1x128xi32, #tpu.memory_space<vmem>> -> memref<128xi32, #tpu.memory_space<vmem>>
      %dma_wait3A_320 = arith.constant 0 : i32
      %dma_wait3A_321 = arith.constant 0 : i32
      %dma_wait3A_322 = tpu.memref_slice %arg2[%dma_wait3A_320, %dma_wait3A_321] : memref<10000x128xf32, #tpu.memory_space<hbm>> -> memref<10000x128xf32, #tpu.memory_space<hbm>>
      tpu.wait_indirect_dma semaphore(%arg18 : memref<!tpu.dma_semaphore, #tpu.memory_space<semaphore_mem>>) src(%dma_wait3A_322 : memref<10000x128xf32, #tpu.memory_space<hbm>>) dst(%arg15 : memref<128x128xf32, #tpu.memory_space<vmem>>)
      "tpu.region"() ({
        %run_scoped3A_369 = tpu.sem_alloc : memref<!tpu.dma_semaphore, #tpu.memory_space<semaphore_mem>>
        %dma_start3A_370 = arith.constant 0 : i32
        %dma_start3A_371 = tpu.memref_slice %arg11[%and3A_282, %dma_start3A_370] : memref<8x128xi32, #tpu.memory_space<vmem>> -> memref<1x128xi32, #tpu.memory_space<vmem>>
        %dma_start3A_372 = tpu.memref_squeeze %dma_start3A_371 : memref<1x128xi32, #tpu.memory_space<vmem>> -> memref<128xi32, #tpu.memory_space<vmem>>
        %dma_start3A_373 = arith.constant 0 : i32
        %dma_start3A_374 = arith.constant 0 : i32
        %dma_start3A_375 = tpu.memref_slice %arg17[%dma_start3A_373, %dma_start3A_374] : memref<10240x128xf32, #tpu.memory_space<vmem_shared>> -> memref<10240x128xf32, #tpu.memory_space<vmem_shared>>
        tpu.enqueue_indirect_dma source(%arg15 : memref<128x128xf32, #tpu.memory_space<vmem>>) target(%dma_start3A_375 : memref<10240x128xf32, #tpu.memory_space<vmem_shared>>) offsets(%dma_start3A_372 : memref<128xi32, #tpu.memory_space<vmem>>) semaphore(%run_scoped3A_369 : memref<!tpu.dma_semaphore, #tpu.memory_space<semaphore_mem>>) {add = true}
        %dma_wait3A_376 = arith.constant 0 : i32
        %dma_wait3A_377 = tpu.memref_slice %arg11[%and3A_282, %dma_wait3A_376] : memref<8x128xi32, #tpu.memory_space<vmem>> -> memref<1x128xi32, #tpu.memory_space<vmem>>
        %dma_wait3A_378 = tpu.memref_squeeze %dma_wait3A_377 : memref<1x128xi32, #tpu.memory_space<vmem>> -> memref<128xi32, #tpu.memory_space<vmem>>
        %dma_wait3A_379 = arith.constant 0 : i32
        %dma_wait3A_380 = arith.constant 0 : i32
        %dma_wait3A_381 = tpu.memref_slice %arg17[%dma_wait3A_379, %dma_wait3A_380] : memref<10240x128xf32, #tpu.memory_space<vmem_shared>> -> memref<10240x128xf32, #tpu.memory_space<vmem_shared>>
        tpu.wait_indirect_dma semaphore(%run_scoped3A_369 : memref<!tpu.dma_semaphore, #tpu.memory_space<semaphore_mem>>) src(%arg15 : memref<128x128xf32, #tpu.memory_space<vmem>>) dst(%dma_wait3A_381 : memref<10240x128xf32, #tpu.memory_space<vmem_shared>>)
        tpu.yield
      }) : () -> ()
      "tpu.region"() ({
        %run_scoped3A_369 = tpu.sem_alloc : memref<!tpu.dma_semaphore, #tpu.memory_space<semaphore_mem>>
        %dma_start3A_370 = arith.constant 0 : i32
        %dma_start3A_371 = tpu.memref_slice %arg11[%and3A_282, %dma_start3A_370] : memref<8x128xi32, #tpu.memory_space<vmem>> -> memref<1x128xi32, #tpu.memory_space<vmem>>
        %dma_start3A_372 = tpu.memref_squeeze %dma_start3A_371 : memref<1x128xi32, #tpu.memory_space<vmem>> -> memref<128xi32, #tpu.memory_space<vmem>>
        %dma_start3A_373 = arith.constant 0 : i32
        %dma_start3A_374 = tpu.memref_slice %arg21[%dma_start3A_373] : memref<10240xf32, #tpu.memory_space<vmem_shared>> -> memref<10240xf32, #tpu.memory_space<vmem_shared>>
        tpu.enqueue_indirect_dma source(%arg20 : memref<128xf32, #tpu.memory_space<vmem>>) target(%dma_start3A_374 : memref<10240xf32, #tpu.memory_space<vmem_shared>>) offsets(%dma_start3A_372 : memref<128xi32, #tpu.memory_space<vmem>>) semaphore(%run_scoped3A_369 : memref<!tpu.dma_semaphore, #tpu.memory_space<semaphore_mem>>) {add = true}
        %dma_wait3A_375 = arith.constant 0 : i32
        %dma_wait3A_376 = tpu.memref_slice %arg11[%and3A_282, %dma_wait3A_375] : memref<8x128xi32, #tpu.memory_space<vmem>> -> memref<1x128xi32, #tpu.memory_space<vmem>>
        %dma_wait3A_377 = tpu.memref_squeeze %dma_wait3A_376 : memref<1x128xi32, #tpu.memory_space<vmem>> -> memref<128xi32, #tpu.memory_space<vmem>>
        %dma_wait3A_378 = arith.constant 0 : i32
        %dma_wait3A_379 = tpu.memref_slice %arg21[%dma_wait3A_378] : memref<10240xf32, #tpu.memory_space<vmem_shared>> -> memref<10240xf32, #tpu.memory_space<vmem_shared>>
        tpu.wait_indirect_dma semaphore(%run_scoped3A_369 : memref<!tpu.dma_semaphore, #tpu.memory_space<semaphore_mem>>) src(%arg20 : memref<128xf32, #tpu.memory_space<vmem>>) dst(%dma_wait3A_379 : memref<10240xf32, #tpu.memory_space<vmem_shared>>)
        tpu.yield
      }) : () -> ()
      %add3A_323 = arith.constant 8 : i32
      %add3A_324 = arith.addi %mul3A_280, %add3A_323 : i32
      %lt3A_325 = arith.cmpi slt, %add3A_324, %select_n3A : i32
      %convert_element_type3A_326 = arith.extui %lt3A_325 : i1 to i32
      %cond3A_327 = arith.constant 0 : i32
      %cond3A_328 = arith.cmpi ne, %convert_element_type3A_326, %cond3A_327 : i32
      scf.if %cond3A_328 {
        %add3A_369 = arith.constant 8 : i32
        %add3A_370 = arith.addi %mul3A_280, %add3A_369 : i32
        %and3A_371 = arith.constant 7 : i32
        %and3A_372 = arith.andi %mul3A_280, %and3A_371 : i32
        %mul3A_373 = arith.constant 128 : i32
        %mul3A_374 = arith.muli %add3A_370, %mul3A_373 : i32
        %add3A_375 = arith.addi %add3A, %mul3A_374 : i32
        %dma_start3A_376 = arith.constant 0 : i32
        %dma_start3A_377 = tpu.memref_slice %arg10[%and3A_372, %dma_start3A_376] : memref<8x128xi32, #tpu.memory_space<vmem>> -> memref<1x128xi32, #tpu.memory_space<vmem>>
        %dma_start3A_378 = tpu.memref_squeeze %dma_start3A_377 : memref<1x128xi32, #tpu.memory_space<vmem>> -> memref<128xi32, #tpu.memory_space<vmem>>
        %dma_start3A_379 = tpu.memref_slice %arg3[%add3A_375] : memref<320000xi32, #tpu.memory_space<hbm>> -> memref<128xi32, #tpu.memory_space<hbm>>
        %dma_start3A_380 = arith.constant 0 : i32
        %dma_start3A_381 = tpu.memref_slice %arg10[%and3A_372, %dma_start3A_380] : memref<8x128xi32, #tpu.memory_space<vmem>> -> memref<1x128xi32, #tpu.memory_space<vmem>>
        %dma_start3A_382 = tpu.memref_squeeze %dma_start3A_381 : memref<1x128xi32, #tpu.memory_space<vmem>> -> memref<128xi32, #tpu.memory_space<vmem>>
        %dma_start3A_383 = tpu.memref_slice %arg3[%add3A_375] : memref<320000xi32, #tpu.memory_space<hbm>> -> memref<128xi32, #tpu.memory_space<hbm>>
        tpu.enqueue_dma source(%dma_start3A_383 : memref<128xi32, #tpu.memory_space<hbm>>) target(%dma_start3A_382 : memref<128xi32, #tpu.memory_space<vmem>>) target_semaphore(%arg12 : memref<!tpu.dma_semaphore, #tpu.memory_space<semaphore_mem>>)
        %dma_start3A_384 = arith.constant 0 : i32
        %dma_start3A_385 = tpu.memref_slice %arg11[%and3A_372, %dma_start3A_384] : memref<8x128xi32, #tpu.memory_space<vmem>> -> memref<1x128xi32, #tpu.memory_space<vmem>>
        %dma_start3A_386 = tpu.memref_squeeze %dma_start3A_385 : memref<1x128xi32, #tpu.memory_space<vmem>> -> memref<128xi32, #tpu.memory_space<vmem>>
        %dma_start3A_387 = tpu.memref_slice %arg4[%add3A_375] : memref<320000xi32, #tpu.memory_space<hbm>> -> memref<128xi32, #tpu.memory_space<hbm>>
        %dma_start3A_388 = arith.constant 0 : i32
        %dma_start3A_389 = tpu.memref_slice %arg11[%and3A_372, %dma_start3A_388] : memref<8x128xi32, #tpu.memory_space<vmem>> -> memref<1x128xi32, #tpu.memory_space<vmem>>
        %dma_start3A_390 = tpu.memref_squeeze %dma_start3A_389 : memref<1x128xi32, #tpu.memory_space<vmem>> -> memref<128xi32, #tpu.memory_space<vmem>>
        %dma_start3A_391 = tpu.memref_slice %arg4[%add3A_375] : memref<320000xi32, #tpu.memory_space<hbm>> -> memref<128xi32, #tpu.memory_space<hbm>>
        tpu.enqueue_dma source(%dma_start3A_391 : memref<128xi32, #tpu.memory_space<hbm>>) target(%dma_start3A_390 : memref<128xi32, #tpu.memory_space<vmem>>) target_semaphore(%arg13 : memref<!tpu.dma_semaphore, #tpu.memory_space<semaphore_mem>>)
      } else {
      }
      %dma_wait3A_329 = arith.constant 0 : i32
      %dma_wait3A_330 = tpu.memref_slice %arg10[%and3A_290, %dma_wait3A_329] : memref<8x128xi32, #tpu.memory_space<vmem>> -> memref<1x128xi32, #tpu.memory_space<vmem>>
      %dma_wait3A_331 = tpu.memref_squeeze %dma_wait3A_330 : memref<1x128xi32, #tpu.memory_space<vmem>> -> memref<128xi32, #tpu.memory_space<vmem>>
      %dma_wait3A_332 = arith.constant 0 : i32
      %dma_wait3A_333 = tpu.memref_slice %arg3[%dma_wait3A_332] : memref<320000xi32, #tpu.memory_space<hbm>> -> memref<128xi32, #tpu.memory_space<hbm>>
      %dma_wait3A_334 = arith.constant 0 : i32
      %dma_wait3A_335 = tpu.memref_slice %arg10[%and3A_290, %dma_wait3A_334] : memref<8x128xi32, #tpu.memory_space<vmem>> -> memref<1x128xi32, #tpu.memory_space<vmem>>
      %dma_wait3A_336 = tpu.memref_squeeze %dma_wait3A_335 : memref<1x128xi32, #tpu.memory_space<vmem>> -> memref<128xi32, #tpu.memory_space<vmem>>
      %dma_wait3A_337 = arith.constant 0 : i32
      %dma_wait3A_338 = tpu.memref_slice %arg3[%dma_wait3A_337] : memref<320000xi32, #tpu.memory_space<hbm>> -> memref<128xi32, #tpu.memory_space<hbm>>
      tpu.wait_dma2 semaphore(%arg12 : memref<!tpu.dma_semaphore, #tpu.memory_space<semaphore_mem>>) src(%dma_wait3A_338 : memref<128xi32, #tpu.memory_space<hbm>>) dst(%dma_wait3A_336 : memref<128xi32, #tpu.memory_space<vmem>>)
      %dma_wait3A_339 = arith.constant 0 : i32
      %dma_wait3A_340 = tpu.memref_slice %arg11[%and3A_290, %dma_wait3A_339] : memref<8x128xi32, #tpu.memory_space<vmem>> -> memref<1x128xi32, #tpu.memory_space<vmem>>
      %dma_wait3A_341 = tpu.memref_squeeze %dma_wait3A_340 : memref<1x128xi32, #tpu.memory_space<vmem>> -> memref<128xi32, #tpu.memory_space<vmem>>
      %dma_wait3A_342 = arith.constant 0 : i32
      %dma_wait3A_343 = tpu.memref_slice %arg4[%dma_wait3A_342] : memref<320000xi32, #tpu.memory_space<hbm>> -> memref<128xi32, #tpu.memory_space<hbm>>
      %dma_wait3A_344 = arith.constant 0 : i32
      %dma_wait3A_345 = tpu.memref_slice %arg11[%and3A_290, %dma_wait3A_344] : memref<8x128xi32, #tpu.memory_space<vmem>> -> memref<1x128xi32, #tpu.memory_space<vmem>>
      %dma_wait3A_346 = tpu.memref_squeeze %dma_wait3A_345 : memref<1x128xi32, #tpu.memory_space<vmem>> -> memref<128xi32, #tpu.memory_space<vmem>>
      %dma_wait3A_347 = arith.constant 0 : i32
      %dma_wait3A_348 = tpu.memref_slice %arg4[%dma_wait3A_347] : memref<320000xi32, #tpu.memory_space<hbm>> -> memref<128xi32, #tpu.memory_space<hbm>>
      tpu.wait_dma2 semaphore(%arg13 : memref<!tpu.dma_semaphore, #tpu.memory_space<semaphore_mem>>) src(%dma_wait3A_348 : memref<128xi32, #tpu.memory_space<hbm>>) dst(%dma_wait3A_346 : memref<128xi32, #tpu.memory_space<vmem>>)
      %dma_start3A_349 = arith.constant 0 : i32
      %dma_start3A_350 = tpu.memref_slice %arg10[%and3A_290, %dma_start3A_349] : memref<8x128xi32, #tpu.memory_space<vmem>> -> memref<1x128xi32, #tpu.memory_space<vmem>>
      %dma_start3A_351 = tpu.memref_squeeze %dma_start3A_350 : memref<1x128xi32, #tpu.memory_space<vmem>> -> memref<128xi32, #tpu.memory_space<vmem>>
      %dma_start3A_352 = arith.constant 0 : i32
      %dma_start3A_353 = arith.constant 0 : i32
      %dma_start3A_354 = tpu.memref_slice %arg2[%dma_start3A_352, %dma_start3A_353] : memref<10000x128xf32, #tpu.memory_space<hbm>> -> memref<10000x128xf32, #tpu.memory_space<hbm>>
      tpu.enqueue_indirect_dma source(%dma_start3A_354 : memref<10000x128xf32, #tpu.memory_space<hbm>>) target(%arg15 : memref<128x128xf32, #tpu.memory_space<vmem>>) offsets(%dma_start3A_351 : memref<128xi32, #tpu.memory_space<vmem>>) semaphore(%arg18 : memref<!tpu.dma_semaphore, #tpu.memory_space<semaphore_mem>>)
      %dma_wait3A_355 = arith.constant 0 : i32
      %dma_wait3A_356 = tpu.memref_slice %arg10[%and3A_286, %dma_wait3A_355] : memref<8x128xi32, #tpu.memory_space<vmem>> -> memref<1x128xi32, #tpu.memory_space<vmem>>
      %dma_wait3A_357 = tpu.memref_squeeze %dma_wait3A_356 : memref<1x128xi32, #tpu.memory_space<vmem>> -> memref<128xi32, #tpu.memory_space<vmem>>
      %dma_wait3A_358 = arith.constant 0 : i32
      %dma_wait3A_359 = arith.constant 0 : i32
      %dma_wait3A_360 = tpu.memref_slice %arg2[%dma_wait3A_358, %dma_wait3A_359] : memref<10000x128xf32, #tpu.memory_space<hbm>> -> memref<10000x128xf32, #tpu.memory_space<hbm>>
      tpu.wait_indirect_dma semaphore(%arg19 : memref<!tpu.dma_semaphore, #tpu.memory_space<semaphore_mem>>) src(%dma_wait3A_360 : memref<10000x128xf32, #tpu.memory_space<hbm>>) dst(%arg16 : memref<128x128xf32, #tpu.memory_space<vmem>>)
      %add3A_361 = arith.constant 1 : i32
      %add3A_362 = arith.addi %mul3A_280, %add3A_361 : i32
      "tpu.region"() ({
        %run_scoped3A_369 = tpu.sem_alloc : memref<!tpu.dma_semaphore, #tpu.memory_space<semaphore_mem>>
        %dma_start3A_370 = arith.constant 0 : i32
        %dma_start3A_371 = tpu.memref_slice %arg11[%and3A_286, %dma_start3A_370] : memref<8x128xi32, #tpu.memory_space<vmem>> -> memref<1x128xi32, #tpu.memory_space<vmem>>
        %dma_start3A_372 = tpu.memref_squeeze %dma_start3A_371 : memref<1x128xi32, #tpu.memory_space<vmem>> -> memref<128xi32, #tpu.memory_space<vmem>>
        %dma_start3A_373 = arith.constant 0 : i32
        %dma_start3A_374 = arith.constant 0 : i32
        %dma_start3A_375 = tpu.memref_slice %arg17[%dma_start3A_373, %dma_start3A_374] : memref<10240x128xf32, #tpu.memory_space<vmem_shared>> -> memref<10240x128xf32, #tpu.memory_space<vmem_shared>>
        tpu.enqueue_indirect_dma source(%arg16 : memref<128x128xf32, #tpu.memory_space<vmem>>) target(%dma_start3A_375 : memref<10240x128xf32, #tpu.memory_space<vmem_shared>>) offsets(%dma_start3A_372 : memref<128xi32, #tpu.memory_space<vmem>>) semaphore(%run_scoped3A_369 : memref<!tpu.dma_semaphore, #tpu.memory_space<semaphore_mem>>) {add = true}
        %dma_wait3A_376 = arith.constant 0 : i32
        %dma_wait3A_377 = tpu.memref_slice %arg11[%and3A_286, %dma_wait3A_376] : memref<8x128xi32, #tpu.memory_space<vmem>> -> memref<1x128xi32, #tpu.memory_space<vmem>>
        %dma_wait3A_378 = tpu.memref_squeeze %dma_wait3A_377 : memref<1x128xi32, #tpu.memory_space<vmem>> -> memref<128xi32, #tpu.memory_space<vmem>>
        %dma_wait3A_379 = arith.constant 0 : i32
        %dma_wait3A_380 = arith.constant 0 : i32
        %dma_wait3A_381 = tpu.memref_slice %arg17[%dma_wait3A_379, %dma_wait3A_380] : memref<10240x128xf32, #tpu.memory_space<vmem_shared>> -> memref<10240x128xf32, #tpu.memory_space<vmem_shared>>
        tpu.wait_indirect_dma semaphore(%run_scoped3A_369 : memref<!tpu.dma_semaphore, #tpu.memory_space<semaphore_mem>>) src(%arg16 : memref<128x128xf32, #tpu.memory_space<vmem>>) dst(%dma_wait3A_381 : memref<10240x128xf32, #tpu.memory_space<vmem_shared>>)
        tpu.yield
      }) : () -> ()
      "tpu.region"() ({
        %run_scoped3A_369 = tpu.sem_alloc : memref<!tpu.dma_semaphore, #tpu.memory_space<semaphore_mem>>
        %dma_start3A_370 = arith.constant 0 : i32
        %dma_start3A_371 = tpu.memref_slice %arg11[%and3A_286, %dma_start3A_370] : memref<8x128xi32, #tpu.memory_space<vmem>> -> memref<1x128xi32, #tpu.memory_space<vmem>>
        %dma_start3A_372 = tpu.memref_squeeze %dma_start3A_371 : memref<1x128xi32, #tpu.memory_space<vmem>> -> memref<128xi32, #tpu.memory_space<vmem>>
        %dma_start3A_373 = arith.constant 0 : i32
        %dma_start3A_374 = tpu.memref_slice %arg21[%dma_start3A_373] : memref<10240xf32, #tpu.memory_space<vmem_shared>> -> memref<10240xf32, #tpu.memory_space<vmem_shared>>
        tpu.enqueue_indirect_dma source(%arg20 : memref<128xf32, #tpu.memory_space<vmem>>) target(%dma_start3A_374 : memref<10240xf32, #tpu.memory_space<vmem_shared>>) offsets(%dma_start3A_372 : memref<128xi32, #tpu.memory_space<vmem>>) semaphore(%run_scoped3A_369 : memref<!tpu.dma_semaphore, #tpu.memory_space<semaphore_mem>>) {add = true}
        %dma_wait3A_375 = arith.constant 0 : i32
        %dma_wait3A_376 = tpu.memref_slice %arg11[%and3A_286, %dma_wait3A_375] : memref<8x128xi32, #tpu.memory_space<vmem>> -> memref<1x128xi32, #tpu.memory_space<vmem>>
        %dma_wait3A_377 = tpu.memref_squeeze %dma_wait3A_376 : memref<1x128xi32, #tpu.memory_space<vmem>> -> memref<128xi32, #tpu.memory_space<vmem>>
        %dma_wait3A_378 = arith.constant 0 : i32
        %dma_wait3A_379 = tpu.memref_slice %arg21[%dma_wait3A_378] : memref<10240xf32, #tpu.memory_space<vmem_shared>> -> memref<10240xf32, #tpu.memory_space<vmem_shared>>
        tpu.wait_indirect_dma semaphore(%run_scoped3A_369 : memref<!tpu.dma_semaphore, #tpu.memory_space<semaphore_mem>>) src(%arg20 : memref<128xf32, #tpu.memory_space<vmem>>) dst(%dma_wait3A_379 : memref<10240xf32, #tpu.memory_space<vmem_shared>>)
        tpu.yield
      }) : () -> ()
      %add3A_363 = arith.constant 8 : i32
      %add3A_364 = arith.addi %add3A_362, %add3A_363 : i32
      %lt3A_365 = arith.cmpi slt, %add3A_364, %select_n3A : i32
      %convert_element_type3A_366 = arith.extui %lt3A_365 : i1 to i32
      %cond3A_367 = arith.constant 0 : i32
      %cond3A_368 = arith.cmpi ne, %convert_element_type3A_366, %cond3A_367 : i32
      scf.if %cond3A_368 {
        %add3A_369 = arith.constant 8 : i32
        %add3A_370 = arith.addi %add3A_362, %add3A_369 : i32
        %and3A_371 = arith.constant 7 : i32
        %and3A_372 = arith.andi %add3A_362, %and3A_371 : i32
        %mul3A_373 = arith.constant 128 : i32
        %mul3A_374 = arith.muli %add3A_370, %mul3A_373 : i32
        %add3A_375 = arith.addi %add3A, %mul3A_374 : i32
        %dma_start3A_376 = arith.constant 0 : i32
        %dma_start3A_377 = tpu.memref_slice %arg10[%and3A_372, %dma_start3A_376] : memref<8x128xi32, #tpu.memory_space<vmem>> -> memref<1x128xi32, #tpu.memory_space<vmem>>
        %dma_start3A_378 = tpu.memref_squeeze %dma_start3A_377 : memref<1x128xi32, #tpu.memory_space<vmem>> -> memref<128xi32, #tpu.memory_space<vmem>>
        %dma_start3A_379 = tpu.memref_slice %arg3[%add3A_375] : memref<320000xi32, #tpu.memory_space<hbm>> -> memref<128xi32, #tpu.memory_space<hbm>>
        %dma_start3A_380 = arith.constant 0 : i32
        %dma_start3A_381 = tpu.memref_slice %arg10[%and3A_372, %dma_start3A_380] : memref<8x128xi32, #tpu.memory_space<vmem>> -> memref<1x128xi32, #tpu.memory_space<vmem>>
        %dma_start3A_382 = tpu.memref_squeeze %dma_start3A_381 : memref<1x128xi32, #tpu.memory_space<vmem>> -> memref<128xi32, #tpu.memory_space<vmem>>
        %dma_start3A_383 = tpu.memref_slice %arg3[%add3A_375] : memref<320000xi32, #tpu.memory_space<hbm>> -> memref<128xi32, #tpu.memory_space<hbm>>
        tpu.enqueue_dma source(%dma_start3A_383 : memref<128xi32, #tpu.memory_space<hbm>>) target(%dma_start3A_382 : memref<128xi32, #tpu.memory_space<vmem>>) target_semaphore(%arg12 : memref<!tpu.dma_semaphore, #tpu.memory_space<semaphore_mem>>)
        %dma_start3A_384 = arith.constant 0 : i32
        %dma_start3A_385 = tpu.memref_slice %arg11[%and3A_372, %dma_start3A_384] : memref<8x128xi32, #tpu.memory_space<vmem>> -> memref<1x128xi32, #tpu.memory_space<vmem>>
        %dma_start3A_386 = tpu.memref_squeeze %dma_start3A_385 : memref<1x128xi32, #tpu.memory_space<vmem>> -> memref<128xi32, #tpu.memory_space<vmem>>
        %dma_start3A_387 = tpu.memref_slice %arg4[%add3A_375] : memref<320000xi32, #tpu.memory_space<hbm>> -> memref<128xi32, #tpu.memory_space<hbm>>
        %dma_start3A_388 = arith.constant 0 : i32
        %dma_start3A_389 = tpu.memref_slice %arg11[%and3A_372, %dma_start3A_388] : memref<8x128xi32, #tpu.memory_space<vmem>> -> memref<1x128xi32, #tpu.memory_space<vmem>>
        %dma_start3A_390 = tpu.memref_squeeze %dma_start3A_389 : memref<1x128xi32, #tpu.memory_space<vmem>> -> memref<128xi32, #tpu.memory_space<vmem>>
        %dma_start3A_391 = tpu.memref_slice %arg4[%add3A_375] : memref<320000xi32, #tpu.memory_space<hbm>> -> memref<128xi32, #tpu.memory_space<hbm>>
        tpu.enqueue_dma source(%dma_start3A_391 : memref<128xi32, #tpu.memory_space<hbm>>) target(%dma_start3A_390 : memref<128xi32, #tpu.memory_space<vmem>>) target_semaphore(%arg13 : memref<!tpu.dma_semaphore, #tpu.memory_space<semaphore_mem>>)
      } else {
      }
    }
    %sub3A = arith.constant 1 : i32
    %sub3A_262 = arith.subi %select_n3A, %sub3A : i32
    %and3A = arith.constant 7 : i32
    %and3A_263 = arith.andi %sub3A_262, %and3A : i32
    %dma_wait3A_264 = arith.constant 0 : i32
    %dma_wait3A_265 = tpu.memref_slice %arg10[%and3A_263, %dma_wait3A_264] : memref<8x128xi32, #tpu.memory_space<vmem>> -> memref<1x128xi32, #tpu.memory_space<vmem>>
    %dma_wait3A_266 = tpu.memref_squeeze %dma_wait3A_265 : memref<1x128xi32, #tpu.memory_space<vmem>> -> memref<128xi32, #tpu.memory_space<vmem>>
    %dma_wait3A_267 = arith.constant 0 : i32
    %dma_wait3A_268 = arith.constant 0 : i32
    %dma_wait3A_269 = tpu.memref_slice %arg2[%dma_wait3A_267, %dma_wait3A_268] : memref<10000x128xf32, #tpu.memory_space<hbm>> -> memref<10000x128xf32, #tpu.memory_space<hbm>>
    tpu.wait_indirect_dma semaphore(%arg18 : memref<!tpu.dma_semaphore, #tpu.memory_space<semaphore_mem>>) src(%dma_wait3A_269 : memref<10000x128xf32, #tpu.memory_space<hbm>>) dst(%arg15 : memref<128x128xf32, #tpu.memory_space<vmem>>)
    %sub3A_270 = arith.constant 1 : i32
    %sub3A_271 = arith.subi %select_n3A, %sub3A_270 : i32
    "tpu.region"() ({
      %run_scoped3A_278 = tpu.sem_alloc : memref<!tpu.dma_semaphore, #tpu.memory_space<semaphore_mem>>
      %dma_start3A_279 = arith.constant 0 : i32
      %dma_start3A_280 = tpu.memref_slice %arg11[%and3A_263, %dma_start3A_279] : memref<8x128xi32, #tpu.memory_space<vmem>> -> memref<1x128xi32, #tpu.memory_space<vmem>>
      %dma_start3A_281 = tpu.memref_squeeze %dma_start3A_280 : memref<1x128xi32, #tpu.memory_space<vmem>> -> memref<128xi32, #tpu.memory_space<vmem>>
      %dma_start3A_282 = arith.constant 0 : i32
      %dma_start3A_283 = arith.constant 0 : i32
      %dma_start3A_284 = tpu.memref_slice %arg17[%dma_start3A_282, %dma_start3A_283] : memref<10240x128xf32, #tpu.memory_space<vmem_shared>> -> memref<10240x128xf32, #tpu.memory_space<vmem_shared>>
      tpu.enqueue_indirect_dma source(%arg15 : memref<128x128xf32, #tpu.memory_space<vmem>>) target(%dma_start3A_284 : memref<10240x128xf32, #tpu.memory_space<vmem_shared>>) offsets(%dma_start3A_281 : memref<128xi32, #tpu.memory_space<vmem>>) semaphore(%run_scoped3A_278 : memref<!tpu.dma_semaphore, #tpu.memory_space<semaphore_mem>>) {add = true}
      %dma_wait3A_285 = arith.constant 0 : i32
      %dma_wait3A_286 = tpu.memref_slice %arg11[%and3A_263, %dma_wait3A_285] : memref<8x128xi32, #tpu.memory_space<vmem>> -> memref<1x128xi32, #tpu.memory_space<vmem>>
      %dma_wait3A_287 = tpu.memref_squeeze %dma_wait3A_286 : memref<1x128xi32, #tpu.memory_space<vmem>> -> memref<128xi32, #tpu.memory_space<vmem>>
      %dma_wait3A_288 = arith.constant 0 : i32
      %dma_wait3A_289 = arith.constant 0 : i32
      %dma_wait3A_290 = tpu.memref_slice %arg17[%dma_wait3A_288, %dma_wait3A_289] : memref<10240x128xf32, #tpu.memory_space<vmem_shared>> -> memref<10240x128xf32, #tpu.memory_space<vmem_shared>>
      tpu.wait_indirect_dma semaphore(%run_scoped3A_278 : memref<!tpu.dma_semaphore, #tpu.memory_space<semaphore_mem>>) src(%arg15 : memref<128x128xf32, #tpu.memory_space<vmem>>) dst(%dma_wait3A_290 : memref<10240x128xf32, #tpu.memory_space<vmem_shared>>)
      tpu.yield
    }) : () -> ()
    "tpu.region"() ({
      %run_scoped3A_278 = tpu.sem_alloc : memref<!tpu.dma_semaphore, #tpu.memory_space<semaphore_mem>>
      %dma_start3A_279 = arith.constant 0 : i32
      %dma_start3A_280 = tpu.memref_slice %arg11[%and3A_263, %dma_start3A_279] : memref<8x128xi32, #tpu.memory_space<vmem>> -> memref<1x128xi32, #tpu.memory_space<vmem>>
      %dma_start3A_281 = tpu.memref_squeeze %dma_start3A_280 : memref<1x128xi32, #tpu.memory_space<vmem>> -> memref<128xi32, #tpu.memory_space<vmem>>
      %dma_start3A_282 = arith.constant 0 : i32
      %dma_start3A_283 = tpu.memref_slice %arg21[%dma_start3A_282] : memref<10240xf32, #tpu.memory_space<vmem_shared>> -> memref<10240xf32, #tpu.memory_space<vmem_shared>>
      tpu.enqueue_indirect_dma source(%arg20 : memref<128xf32, #tpu.memory_space<vmem>>) target(%dma_start3A_283 : memref<10240xf32, #tpu.memory_space<vmem_shared>>) offsets(%dma_start3A_281 : memref<128xi32, #tpu.memory_space<vmem>>) semaphore(%run_scoped3A_278 : memref<!tpu.dma_semaphore, #tpu.memory_space<semaphore_mem>>) {add = true}
      %dma_wait3A_284 = arith.constant 0 : i32
      %dma_wait3A_285 = tpu.memref_slice %arg11[%and3A_263, %dma_wait3A_284] : memref<8x128xi32, #tpu.memory_space<vmem>> -> memref<1x128xi32, #tpu.memory_space<vmem>>
      %dma_wait3A_286 = tpu.memref_squeeze %dma_wait3A_285 : memref<1x128xi32, #tpu.memory_space<vmem>> -> memref<128xi32, #tpu.memory_space<vmem>>
      %dma_wait3A_287 = arith.constant 0 : i32
      %dma_wait3A_288 = tpu.memref_slice %arg21[%dma_wait3A_287] : memref<10240xf32, #tpu.memory_space<vmem_shared>> -> memref<10240xf32, #tpu.memory_space<vmem_shared>>
      tpu.wait_indirect_dma semaphore(%run_scoped3A_278 : memref<!tpu.dma_semaphore, #tpu.memory_space<semaphore_mem>>) src(%arg20 : memref<128xf32, #tpu.memory_space<vmem>>) dst(%dma_wait3A_288 : memref<10240xf32, #tpu.memory_space<vmem_shared>>)
      tpu.yield
    }) : () -> ()
    %add3A_272 = arith.constant 8 : i32
    %add3A_273 = arith.addi %sub3A_271, %add3A_272 : i32
    %lt3A = arith.cmpi slt, %add3A_273, %select_n3A : i32
    %convert_element_type3A_274 = arith.extui %lt3A : i1 to i32
    %cond3A_275 = arith.constant 0 : i32
    %cond3A_276 = arith.cmpi ne, %convert_element_type3A_274, %cond3A_275 : i32
    scf.if %cond3A_276 {
      %add3A_278 = arith.constant 8 : i32
      %add3A_279 = arith.addi %sub3A_271, %add3A_278 : i32
      %and3A_280 = arith.constant 7 : i32
      %and3A_281 = arith.andi %sub3A_271, %and3A_280 : i32
      %mul3A_282 = arith.constant 128 : i32
      %mul3A_283 = arith.muli %add3A_279, %mul3A_282 : i32
      %add3A_284 = arith.addi %add3A, %mul3A_283 : i32
      %dma_start3A_285 = arith.constant 0 : i32
      %dma_start3A_286 = tpu.memref_slice %arg10[%and3A_281, %dma_start3A_285] : memref<8x128xi32, #tpu.memory_space<vmem>> -> memref<1x128xi32, #tpu.memory_space<vmem>>
      %dma_start3A_287 = tpu.memref_squeeze %dma_start3A_286 : memref<1x128xi32, #tpu.memory_space<vmem>> -> memref<128xi32, #tpu.memory_space<vmem>>
      %dma_start3A_288 = tpu.memref_slice %arg3[%add3A_284] : memref<320000xi32, #tpu.memory_space<hbm>> -> memref<128xi32, #tpu.memory_space<hbm>>
      %dma_start3A_289 = arith.constant 0 : i32
      %dma_start3A_290 = tpu.memref_slice %arg10[%and3A_281, %dma_start3A_289] : memref<8x128xi32, #tpu.memory_space<vmem>> -> memref<1x128xi32, #tpu.memory_space<vmem>>
      %dma_start3A_291 = tpu.memref_squeeze %dma_start3A_290 : memref<1x128xi32, #tpu.memory_space<vmem>> -> memref<128xi32, #tpu.memory_space<vmem>>
      %dma_start3A_292 = tpu.memref_slice %arg3[%add3A_284] : memref<320000xi32, #tpu.memory_space<hbm>> -> memref<128xi32, #tpu.memory_space<hbm>>
      tpu.enqueue_dma source(%dma_start3A_292 : memref<128xi32, #tpu.memory_space<hbm>>) target(%dma_start3A_291 : memref<128xi32, #tpu.memory_space<vmem>>) target_semaphore(%arg12 : memref<!tpu.dma_semaphore, #tpu.memory_space<semaphore_mem>>)
      %dma_start3A_293 = arith.constant 0 : i32
      %dma_start3A_294 = tpu.memref_slice %arg11[%and3A_281, %dma_start3A_293] : memref<8x128xi32, #tpu.memory_space<vmem>> -> memref<1x128xi32, #tpu.memory_space<vmem>>
      %dma_start3A_295 = tpu.memref_squeeze %dma_start3A_294 : memref<1x128xi32, #tpu.memory_space<vmem>> -> memref<128xi32, #tpu.memory_space<vmem>>
      %dma_start3A_296 = tpu.memref_slice %arg4[%add3A_284] : memref<320000xi32, #tpu.memory_space<hbm>> -> memref<128xi32, #tpu.memory_space<hbm>>
      %dma_start3A_297 = arith.constant 0 : i32
      %dma_start3A_298 = tpu.memref_slice %arg11[%and3A_281, %dma_start3A_297] : memref<8x128xi32, #tpu.memory_space<vmem>> -> memref<1x128xi32, #tpu.memory_space<vmem>>
      %dma_start3A_299 = tpu.memref_squeeze %dma_start3A_298 : memref<1x128xi32, #tpu.memory_space<vmem>> -> memref<128xi32, #tpu.memory_space<vmem>>
      %dma_start3A_300 = tpu.memref_slice %arg4[%add3A_284] : memref<320000xi32, #tpu.memory_space<hbm>> -> memref<128xi32, #tpu.memory_space<hbm>>
      tpu.enqueue_dma source(%dma_start3A_300 : memref<128xi32, #tpu.memory_space<hbm>>) target(%dma_start3A_299 : memref<128xi32, #tpu.memory_space<vmem>>) target_semaphore(%arg13 : memref<!tpu.dma_semaphore, #tpu.memory_space<semaphore_mem>>)
    } else {
    }
    %barrier3A_277 = arith.constant 0 : index
    tpu.barrier barrier_id(%barrier3A_277)
    "tpu.region"() ({
      %run_scoped3A_278 = tpu.sem_alloc : memref<!tpu.dma_semaphore, #tpu.memory_space<semaphore_mem>>
      %dma_start3A_279 = arith.constant 0 : i32
      %dma_start3A_280 = tpu.memref_slice %arg8[%arg0, %mul3A_0, %dma_start3A_279] : memref<2x10240x128xf32, #tpu.memory_space<hbm>> -> memref<1x640x128xf32, #tpu.memory_space<hbm>>
      %dma_start3A_281 = tpu.memref_squeeze %dma_start3A_280 : memref<1x640x128xf32, #tpu.memory_space<hbm>> -> memref<640x128xf32, #tpu.memory_space<hbm>>
      %dma_start3A_282 = arith.constant 0 : i32
      %dma_start3A_283 = tpu.memref_slice %arg17[%mul3A_0, %dma_start3A_282] : memref<10240x128xf32, #tpu.memory_space<vmem_shared>> -> memref<640x128xf32, #tpu.memory_space<vmem_shared>>
      tpu.enqueue_dma source(%dma_start3A_283 : memref<640x128xf32, #tpu.memory_space<vmem_shared>>) target(%dma_start3A_281 : memref<640x128xf32, #tpu.memory_space<hbm>>) target_semaphore(%run_scoped3A_278 : memref<!tpu.dma_semaphore, #tpu.memory_space<semaphore_mem>>)
      %dma_wait3A_284 = arith.constant 0 : i32
      %dma_wait3A_285 = tpu.memref_slice %arg8[%arg0, %mul3A_0, %dma_wait3A_284] : memref<2x10240x128xf32, #tpu.memory_space<hbm>> -> memref<1x640x128xf32, #tpu.memory_space<hbm>>
      %dma_wait3A_286 = tpu.memref_squeeze %dma_wait3A_285 : memref<1x640x128xf32, #tpu.memory_space<hbm>> -> memref<640x128xf32, #tpu.memory_space<hbm>>
      %dma_wait3A_287 = arith.constant 0 : i32
      %dma_wait3A_288 = tpu.memref_slice %arg17[%mul3A_0, %dma_wait3A_287] : memref<10240x128xf32, #tpu.memory_space<vmem_shared>> -> memref<640x128xf32, #tpu.memory_space<vmem_shared>>
      tpu.wait_dma2 semaphore(%run_scoped3A_278 : memref<!tpu.dma_semaphore, #tpu.memory_space<semaphore_mem>>) src(%dma_wait3A_288 : memref<640x128xf32, #tpu.memory_space<vmem_shared>>) dst(%dma_wait3A_286 : memref<640x128xf32, #tpu.memory_space<hbm>>)
      tpu.yield
    }) : () -> ()
    %run_scoped3A = arith.constant 0 : i32
    "tpu.region"() ({
      %run_scoped3A_278 = tpu.sem_alloc : memref<!tpu.dma_semaphore, #tpu.memory_space<semaphore_mem>>
      %dma_start3A_279 = tpu.memref_slice %arg9[%arg0, %run_scoped3A, %mul3A_0] : memref<2x1x10240xf32, #tpu.memory_space<hbm>> -> memref<1x1x640xf32, #tpu.memory_space<hbm>>
      %dma_start3A_280 = tpu.memref_squeeze %dma_start3A_279 : memref<1x1x640xf32, #tpu.memory_space<hbm>> -> memref<640xf32, #tpu.memory_space<hbm>>
      %dma_start3A_281 = tpu.memref_slice %arg21[%mul3A_0] : memref<10240xf32, #tpu.memory_space<vmem_shared>> -> memref<640xf32, #tpu.memory_space<vmem_shared>>
      tpu.enqueue_dma source(%dma_start3A_281 : memref<640xf32, #tpu.memory_space<vmem_shared>>) target(%dma_start3A_280 : memref<640xf32, #tpu.memory_space<hbm>>) target_semaphore(%run_scoped3A_278 : memref<!tpu.dma_semaphore, #tpu.memory_space<semaphore_mem>>)
      %dma_wait3A_282 = tpu.memref_slice %arg9[%arg0, %run_scoped3A, %mul3A_0] : memref<2x1x10240xf32, #tpu.memory_space<hbm>> -> memref<1x1x640xf32, #tpu.memory_space<hbm>>
      %dma_wait3A_283 = tpu.memref_squeeze %dma_wait3A_282 : memref<1x1x640xf32, #tpu.memory_space<hbm>> -> memref<640xf32, #tpu.memory_space<hbm>>
      %dma_wait3A_284 = tpu.memref_slice %arg21[%mul3A_0] : memref<10240xf32, #tpu.memory_space<vmem_shared>> -> memref<640xf32, #tpu.memory_space<vmem_shared>>
      tpu.wait_dma2 semaphore(%run_scoped3A_278 : memref<!tpu.dma_semaphore, #tpu.memory_space<semaphore_mem>>) src(%dma_wait3A_284 : memref<640xf32, #tpu.memory_space<vmem_shared>>) dst(%dma_wait3A_283 : memref<640xf32, #tpu.memory_space<hbm>>)
      tpu.yield
    }) : () -> ()
    return
  }
}

module attributes {stable_mosaic.version = 14 : i64} {
  func.func @body(%arg0: memref<2x10240x128xf32, #tpu.memory_space<vmem>>, %arg1: memref<2x1x10240xf32, #tpu.memory_space<vmem>>, %arg2: memref<10000x128xf32, #tpu.memory_space<vmem>>, %arg3: memref<128x128xf32, #tpu.memory_space<vmem>>, %arg4: memref<1x128xf32, #tpu.memory_space<vmem>>, %arg5: memref<128x128xf32, #tpu.memory_space<vmem>>, %arg6: memref<10000x128xf32, #tpu.memory_space<vmem>>) attributes {dimension_semantics = [], scalar_prefetch = 0 : i64, scratch_operands = 0 : i64, tpu.core_type = #tpu.core_type<tc>} {
    %get3A = arith.constant 0 : index
    %get3A_0 = arith.constant 0 : index
    %get3A_1 = arith.constant 0 : index
    %get3A_2 = vector.load %arg0[%get3A, %get3A_0, %get3A_1] : memref<2x10240x128xf32, #tpu.memory_space<vmem>>, vector<1x10240x128xf32>
    %get3A_3 = vector.shape_cast %get3A_2 : vector<1x10240x128xf32> to vector<10240x128xf32>
    %get3A_4 = arith.constant 1 : index
    %get3A_5 = arith.constant 0 : index
    %get3A_6 = arith.constant 0 : index
    %get3A_7 = vector.load %arg0[%get3A_4, %get3A_5, %get3A_6] : memref<2x10240x128xf32, #tpu.memory_space<vmem>>, vector<1x10240x128xf32>
    %get3A_8 = vector.shape_cast %get3A_7 : vector<1x10240x128xf32> to vector<10240x128xf32>
    %add3A = arith.addf %get3A_3, %get3A_8 : vector<10240x128xf32>
    %get3A_9 = arith.constant 0 : index
    %get3A_10 = arith.constant 0 : index
    %get3A_11 = arith.constant 0 : index
    %get3A_12 = vector.load %arg1[%get3A_9, %get3A_10, %get3A_11] : memref<2x1x10240xf32, #tpu.memory_space<vmem>>, vector<1x1x10240xf32>
    %get3A_13 = vector.shape_cast %get3A_12 : vector<1x1x10240xf32> to vector<10240xf32>
    %get3A_14 = arith.constant 1 : index
    %get3A_15 = arith.constant 0 : index
    %get3A_16 = arith.constant 0 : index
    %get3A_17 = vector.load %arg1[%get3A_14, %get3A_15, %get3A_16] : memref<2x1x10240xf32, #tpu.memory_space<vmem>>, vector<1x1x10240xf32>
    %get3A_18 = vector.shape_cast %get3A_17 : vector<1x1x10240xf32> to vector<10240xf32>
    %add3A_19 = arith.addf %get3A_13, %get3A_18 : vector<10240xf32>
    %max3A = arith.constant 1.000000e+00 : f32
    %max3A_20 = vector.broadcast %max3A : f32 to vector<10240xf32>
    %max3A_21 = arith.maximumf %add3A_19, %max3A_20 : vector<10240xf32>
    %div3A = arith.constant 1.000000e+00 : f32
    %div3A_22 = vector.broadcast %div3A : f32 to vector<10240xf32>
    %div3A_23 = arith.divf %div3A_22, %max3A_21 : vector<10240xf32>
    %broadcast_in_dim3A = vector.shape_cast %div3A_23 : vector<10240xf32> to vector<10240x1xf32>
    %broadcast_in_dim3A_24 = vector.broadcast %broadcast_in_dim3A : vector<10240x1xf32> to vector<10240x128xf32>
    %mul3A = arith.mulf %add3A, %broadcast_in_dim3A_24 : vector<10240x128xf32>
    %slice3A = vector.extract_strided_slice %mul3A {offsets = [0, 0], sizes = [10000, 128], strides = [1, 1]} : vector<10240x128xf32> to vector<10000x128xf32>
    %get3A_25 = arith.constant 0 : index
    %get3A_26 = arith.constant 0 : index
    %get3A_27 = vector.load %arg3[%get3A_25, %get3A_26] : memref<128x128xf32, #tpu.memory_space<vmem>>, vector<128x128xf32>
    %dot_general3A = arith.constant dense<0.000000e+00> : vector<10000x128xf32>
    %dot_general3A_28 = tpu.matmul %slice3A, %get3A_27, %dot_general3A {dimension_numbers = #tpu.dot_dimension_numbers<[1], [1], [0], [0], [0, 0, 1, 0], [], []>, transpose_lhs_hint = false} : vector<10000x128xf32>, vector<128x128xf32>, vector<10000x128xf32> -> vector<10000x128xf32>
    %get3A_29 = arith.constant 0 : index
    %get3A_30 = arith.constant 0 : index
    %get3A_31 = vector.load %arg2[%get3A_29, %get3A_30] : memref<10000x128xf32, #tpu.memory_space<vmem>>, vector<10000x128xf32>
    %get3A_32 = arith.constant 0 : index
    %get3A_33 = arith.constant 0 : index
    %get3A_34 = vector.load %arg5[%get3A_32, %get3A_33] : memref<128x128xf32, #tpu.memory_space<vmem>>, vector<128x128xf32>
    %dot_general3A_35 = arith.constant dense<0.000000e+00> : vector<10000x128xf32>
    %dot_general3A_36 = tpu.matmul %get3A_31, %get3A_34, %dot_general3A_35 {dimension_numbers = #tpu.dot_dimension_numbers<[1], [1], [0], [0], [0, 0, 1, 0], [], []>, transpose_lhs_hint = false} : vector<10000x128xf32>, vector<128x128xf32>, vector<10000x128xf32> -> vector<10000x128xf32>
    %add3A_37 = arith.addf %dot_general3A_28, %dot_general3A_36 : vector<10000x128xf32>
    %get3A_38 = arith.constant 0 : index
    %get3A_39 = arith.constant 0 : index
    %get3A_40 = vector.load %arg4[%get3A_38, %get3A_39] : memref<1x128xf32, #tpu.memory_space<vmem>>, vector<1x128xf32>
    %add3A_41 = vector.broadcast %get3A_40 : vector<1x128xf32> to vector<10000x128xf32>
    %add3A_42 = arith.addf %add3A_37, %add3A_41 : vector<10000x128xf32>
    %max3A_43 = arith.constant 0.000000e+00 : f32
    %max3A_44 = vector.broadcast %max3A_43 : f32 to vector<10000x128xf32>
    %max3A_45 = arith.maximumf %add3A_42, %max3A_44 : vector<10000x128xf32>
    %swap3A = arith.constant 0 : index
    %swap3A_46 = arith.constant 0 : index
    %swap3A_47 = vector.load %arg6[%swap3A, %swap3A_46] : memref<10000x128xf32, #tpu.memory_space<vmem>>, vector<10000x128xf32>
    tpu.vector_store %arg6[%swap3A, %swap3A_46], %max3A_45 {strides = array<i32>} : memref<10000x128xf32, #tpu.memory_space<vmem>>, vector<10000x128xf32>,
    return
  }
}

module attributes {stable_mosaic.version = 14 : i64} {
  func.func @body(%arg0: memref<2x10240x128xf32, #tpu.memory_space<vmem>>, %arg1: memref<2x1x10240xf32, #tpu.memory_space<vmem>>, %arg2: memref<10000x128xf32, #tpu.memory_space<vmem>>, %arg3: memref<128x128xf32, #tpu.memory_space<vmem>>, %arg4: memref<1x128xf32, #tpu.memory_space<vmem>>, %arg5: memref<128x128xf32, #tpu.memory_space<vmem>>, %arg6: memref<10000x128xf32, #tpu.memory_space<vmem>>) attributes {dimension_semantics = [], scalar_prefetch = 0 : i64, scratch_operands = 0 : i64, tpu.core_type = #tpu.core_type<tc>} {
    %get3A = arith.constant 0 : index
    %get3A_0 = arith.constant 0 : index
    %get3A_1 = arith.constant 0 : index
    %get3A_2 = vector.load %arg0[%get3A, %get3A_0, %get3A_1] : memref<2x10240x128xf32, #tpu.memory_space<vmem>>, vector<1x10240x128xf32>
    %get3A_3 = vector.shape_cast %get3A_2 : vector<1x10240x128xf32> to vector<10240x128xf32>
    %get3A_4 = arith.constant 1 : index
    %get3A_5 = arith.constant 0 : index
    %get3A_6 = arith.constant 0 : index
    %get3A_7 = vector.load %arg0[%get3A_4, %get3A_5, %get3A_6] : memref<2x10240x128xf32, #tpu.memory_space<vmem>>, vector<1x10240x128xf32>
    %get3A_8 = vector.shape_cast %get3A_7 : vector<1x10240x128xf32> to vector<10240x128xf32>
    %add3A = arith.addf %get3A_3, %get3A_8 : vector<10240x128xf32>
    %get3A_9 = arith.constant 0 : index
    %get3A_10 = arith.constant 0 : index
    %get3A_11 = arith.constant 0 : index
    %get3A_12 = vector.load %arg1[%get3A_9, %get3A_10, %get3A_11] : memref<2x1x10240xf32, #tpu.memory_space<vmem>>, vector<1x1x10240xf32>
    %get3A_13 = vector.shape_cast %get3A_12 : vector<1x1x10240xf32> to vector<10240xf32>
    %get3A_14 = arith.constant 1 : index
    %get3A_15 = arith.constant 0 : index
    %get3A_16 = arith.constant 0 : index
    %get3A_17 = vector.load %arg1[%get3A_14, %get3A_15, %get3A_16] : memref<2x1x10240xf32, #tpu.memory_space<vmem>>, vector<1x1x10240xf32>
    %get3A_18 = vector.shape_cast %get3A_17 : vector<1x1x10240xf32> to vector<10240xf32>
    %add3A_19 = arith.addf %get3A_13, %get3A_18 : vector<10240xf32>
    %max3A = arith.constant 1.000000e+00 : f32
    %max3A_20 = vector.broadcast %max3A : f32 to vector<10240xf32>
    %max3A_21 = arith.maximumf %add3A_19, %max3A_20 : vector<10240xf32>
    %div3A = arith.constant 1.000000e+00 : f32
    %div3A_22 = vector.broadcast %div3A : f32 to vector<10240xf32>
    %div3A_23 = arith.divf %div3A_22, %max3A_21 : vector<10240xf32>
    %broadcast_in_dim3A = vector.shape_cast %div3A_23 : vector<10240xf32> to vector<10240x1xf32>
    %broadcast_in_dim3A_24 = vector.broadcast %broadcast_in_dim3A : vector<10240x1xf32> to vector<10240x128xf32>
    %mul3A = arith.mulf %add3A, %broadcast_in_dim3A_24 : vector<10240x128xf32>
    %slice3A = vector.extract_strided_slice %mul3A {offsets = [0, 0], sizes = [10000, 128], strides = [1, 1]} : vector<10240x128xf32> to vector<10000x128xf32>
    %get3A_25 = arith.constant 0 : index
    %get3A_26 = arith.constant 0 : index
    %get3A_27 = vector.load %arg3[%get3A_25, %get3A_26] : memref<128x128xf32, #tpu.memory_space<vmem>>, vector<128x128xf32>
    %dot_general3A = arith.constant dense<0.000000e+00> : vector<10000x128xf32>
    %dot_general3A_28 = tpu.matmul %slice3A, %get3A_27, %dot_general3A {dimension_numbers = #tpu.dot_dimension_numbers<[1], [1], [0], [0], [0, 0, 1, 0], [], []>, transpose_lhs_hint = false} : vector<10000x128xf32>, vector<128x128xf32>, vector<10000x128xf32> -> vector<10000x128xf32>
    %get3A_29 = arith.constant 0 : index
    %get3A_30 = arith.constant 0 : index
    %get3A_31 = vector.load %arg2[%get3A_29, %get3A_30] : memref<10000x128xf32, #tpu.memory_space<vmem>>, vector<10000x128xf32>
    %get3A_32 = arith.constant 0 : index
    %get3A_33 = arith.constant 0 : index
    %get3A_34 = vector.load %arg5[%get3A_32, %get3A_33] : memref<128x128xf32, #tpu.memory_space<vmem>>, vector<128x128xf32>
    %dot_general3A_35 = arith.constant dense<0.000000e+00> : vector<10000x128xf32>
    %dot_general3A_36 = tpu.matmul %get3A_31, %get3A_34, %dot_general3A_35 {dimension_numbers = #tpu.dot_dimension_numbers<[1], [1], [0], [0], [0, 0, 1, 0], [], []>, transpose_lhs_hint = false} : vector<10000x128xf32>, vector<128x128xf32>, vector<10000x128xf32> -> vector<10000x128xf32>
    %add3A_37 = arith.addf %dot_general3A_28, %dot_general3A_36 : vector<10000x128xf32>
    %get3A_38 = arith.constant 0 : index
    %get3A_39 = arith.constant 0 : index
    %get3A_40 = vector.load %arg4[%get3A_38, %get3A_39] : memref<1x128xf32, #tpu.memory_space<vmem>>, vector<1x128xf32>
    %add3A_41 = vector.broadcast %get3A_40 : vector<1x128xf32> to vector<10000x128xf32>
    %add3A_42 = arith.addf %add3A_37, %add3A_41 : vector<10000x128xf32>
    %swap3A = arith.constant 0 : index
    %swap3A_43 = arith.constant 0 : index
    %swap3A_44 = vector.load %arg6[%swap3A, %swap3A_43] : memref<10000x128xf32, #tpu.memory_space<vmem>>, vector<10000x128xf32>
    tpu.vector_store %arg6[%swap3A, %swap3A_43], %add3A_42 {strides = array<i32>} : memref<10000x128xf32, #tpu.memory_space<vmem>>, vector<10000x128xf32>,
    return
  }
}

</mosaic_0001>

<sc_bundles>
// kernel: kernel.6.cloned.1.call-start
scs
__scs_entry_jumppad:
0x0: {  	(pc) =	sbr.rel $0x88, $3  }
0x1: {  	(tag) =	ssettag $0x0;
	lr =	simm.s32 $0x1  }
0x2: {  	[smem:$0x3F99] =	sst lr;
	_ =	strace $0xD0000000  }
0x3: {  	_ = 	snop  }
0x4: {  	_ = 	snop  }
0x5: {  	_ = 	snop  }
0x6: {  	_ = 	snop  }
0x7: {  	_ = 	snop  }
__scs_overlays_trampoline_lowered:
0x8: {  	[smem:$0x3FA8] =	sst s0  }
0x9: {  	[smem:$0x3FA9] =	sst s1  }
0xa: {  	[smem:$0x3FAA] =	sst s2  }
0xb: {  	[smem:$0x3FAB] =	sst s3  }
0xc: {  	[smem:$0x3FAC] =	sst s4  }
0xd: {  	[smem:$0x3FAD] =	sst s5  }
0xe: {  	[smem:$0x3FAE] =	sst s6  }
0xf: {  	[smem:$0x3FAF] =	sst s7  }
0x10: {  	[smem:$0x3FB0] =	sst s8  }
0x11: {  	[smem:$0x3FB1] =	sst s9;
	s0 =	simm.s32 @!p0 $0x0  }
0x12: {  	s1 =	sld [smem:$0x3F97];
	s0 =	simm.s32 @p0 $0x1  }
0x13: {  	[smem:$0x3FB2] =	sst s0;
	s0 =	simm.s32 @!p1 $0x0  }
0x14: {  	s2 =	sld [smem:$0x3F96];
	s0 =	simm.s32 @p1 $0x1  }
0x15: {  	[smem:$0x3FB3] =	sst s0;
	s0 =	simm.s32 @!p2 $0x0  }
0x16: {  	s3 =	sld [smem:$0x3FDB];
	s0 =	simm.s32 @p2 $0x1  }
0x17: {  	s4 =	simm.s32 $0x1BF5;
	[smem:$0x3FB5] =	sst s0  }
0x18: {  	s0 =	sld [smem:$0x3F98];
	_ =	swait.ge [sflag:s4], $0x0  }
0x19: {  	s7 =	sld [smem:$0x3F99]  }
0x1a: {  	s8 =	sadd.s32 $0xFFFFE003, lr  }
0x1b: {  	s9 =	sadd.s32 $0xFFFFFEF7, lr;
	s5 =	simm.s32 $0xFFFFFFFF;
	p2 =	slt.u32 s8, $0xFFFFF086  }
0x1c: {  	p1 =	slt.u32 s9, $0xF7A;
	s5 =	simm.s32 @!p2 $0x0  }
0x1d: {  	s5 =	simm.s32 @p1 $0x1;
	p0 =	seq.s32 s7, s2  }
0x1e: {  	s7 =	smul.u32 @!p0 $0xF7A, s2;
	p2 =	seq.s32 @!p0 s5, $0x0  }
0x1f: {  	s9 =	smul.u32 $0xF7A, s1;
	s8 =	simm.s32 @!p0 $0x1BF5;
	p2 =	por !p2, p0  }
0x20: {  	[sflag:s8] =	ssyncset.s32 @!p0 $0xFFFFF086;
	s6 =	sadd.s32 @!p0 s3, s7;
	s7 =	simm.s32 @!p0 $0x108  }
0x21: {  	s3 =	sadd.s32 s3, s9;
	s6 =	sadd.s32 @!p0 $0x88, s6;
	s7 =	simm.s32 @p2 $0x1082  }
0x22: {  	[simem:s7], [sflag:s8] =	dma.local @!p0 [hbm:s6], $0xF7A  }
0x23: {  	s9 =	sor.u32 $0xD0000000, s2;
	s6 =	simm.s32 $0x108;
	_ =	swait.ge @!p0 [sflag:s8], $0x0  }
0x24: {  	s3 =	sadd.s32 $0x88, s3;
	s6 =	simm.s32 @!p1 $0x1082;
	[sflag:s4] =	ssyncset.s32 $0xFFFFF086  }
0x25: {  	[simem:s6], [sflag:s4] =	dma.local [hbm:s3], $0xF7A  }
0x26: {  	[smem:$0x3F99] =	sst s1;
	(tag) =	ssettag s2;
	_ =	strace s9  }
0x27: {  	s1 =	sld [smem:$0x3FA9]  }
0x28: {  	s2 =	sld [smem:$0x3FAA]  }
0x29: {  	s4 =	sld [smem:$0x3FAC]  }
0x2a: {  	p0 =	seq.s32 s5, $0x0;
	s5 =	sld [smem:$0x3FAD]  }
0x2b: {  	s6 =	sld [smem:$0x3FAE]  }
0x2c: {  	s7 =	sld [smem:$0x3FAF]  }
0x2d: {  	s3 =	simm.s32 $0x108;
	s8 =	sld [smem:$0x3FB0]  }
0x2e: {  	s3 =	simm.s32 @!p0 $0x1082;
	s9 =	sld [smem:$0x3FB1]  }
0x2f: {  	lr =	sadd.s32 s0, s3;
	s0 =	sld [smem:$0x3FA8]  }
0x30: {  	s3 =	sld [smem:$0x3FAB]  }
0x31: {  	[smem:$0x3FB4] =	sst s10  }
0x32: {  	s10 =	sld [smem:$0x3FB2];
	_ =	sdelay $0x3  }
0x33: {  	p0 =	seq.s32 s10, $0x1;
	s10 =	sld [smem:$0x3FB4];
	_ =	sdelay $0x3  }
0x34: {  	[smem:$0x3FB4] =	sst s10  }
0x35: {  	s10 =	sld [smem:$0x3FB3];
	_ =	sdelay $0x3  }
0x36: {  	p1 =	seq.s32 s10, $0x1;
	s10 =	sld [smem:$0x3FB4];
	_ =	sdelay $0x3  }
0x37: {  	[smem:$0x3FB4] =	sst s10  }
0x38: {  	s10 =	sld [smem:$0x3FB5]  }
0x39: {  	_ = 	snop;
	(pc) =	sbr.ind lr, $3  }
0x3a: {  	_ = 	snop  }
0x3b: {  	_ = 	snop  }
0x3c: {  	p2 =	seq.s32 s10, $0x1;
	s10 =	sld [smem:$0x3FB4]  }
0x3d: {  	_ =	shalt  }
0x3e: {  	_ =	shalt  }
0x3f: {  	_ =	shalt  }
0x40: {  	_ =	shalt  }
0x41: {  	_ =	shalt  }
0x42: {  	_ =	shalt  }
0x43: {  	_ =	shalt  }
0x44: {  	_ =	shalt  }
0x45: {  	_ =	shalt  }
0x46: {  	_ =	shalt  }
0x47: {  	_ =	shalt  }
0x48: {  	_ =	shalt  }
0x49: {  	_ =	shalt  }
0x4a: {  	_ =	shalt  }
0x4b: {  	_ =	shalt  }
0x4c: {  	_ =	shalt  }
0x4d: {  	_ =	shalt  }
0x4e: {  	_ =	shalt  }
0x4f: {  	_ =	shalt  }
0x50: {  	_ =	shalt  }
0x51: {  	_ =	shalt  }
0x52: {  	_ =	shalt  }
0x53: {  	_ =	shalt  }
0x54: {  	_ =	shalt  }
0x55: {  	_ =	shalt  }
0x56: {  	_ =	shalt  }
0x57: {  	_ =	shalt  }
0x58: {  	_ =	shalt  }
0x59: {  	_ =	shalt  }
0x5a: {  	_ =	shalt  }
0x5b: {  	_ =	shalt  }
0x5c: {  	_ =	shalt  }
0x5d: {  	_ =	shalt  }
0x5e: {  	_ =	shalt  }
0x5f: {  	_ =	shalt  }
0x60: {  	_ =	shalt  }
0x61: {  	_ =	shalt  }
0x62: {  	_ =	shalt  }
0x63: {  	_ =	shalt  }
0x64: {  	_ =	shalt  }
0x65: {  	_ =	shalt  }
0x66: {  	_ =	shalt  }
0x67: {  	_ =	shalt  }
0x68: {  	_ =	shalt  }
0x69: {  	_ =	shalt  }
0x6a: {  	_ =	shalt  }
0x6b: {  	_ =	shalt  }
0x6c: {  	_ =	shalt  }
0x6d: {  	_ =	shalt  }
0x6e: {  	_ =	shalt  }
0x6f: {  	_ =	shalt  }
0x70: {  	_ =	shalt  }
0x71: {  	_ =	shalt  }
0x72: {  	_ =	shalt  }
0x73: {  	_ =	shalt  }
0x74: {  	_ =	shalt  }
0x75: {  	_ =	shalt  }
0x76: {  	_ =	shalt  }
0x77: {  	_ =	shalt  }
0x78: {  	_ =	shalt  }
0x79: {  	_ =	shalt  }
0x7a: {  	_ =	shalt  }
0x7b: {  	_ =	shalt  }
0x7c: {  	_ =	shalt  }
0x7d: {  	_ =	shalt  }
0x7e: {  	_ =	shalt  }
0x7f: {  	_ =	shalt  }
0x80: {  	_ =	shalt  }
0x81: {  	_ =	shalt  }
0x82: {  	_ =	shalt  }
0x83: {  	_ =	shalt  }
0x84: {  	_ =	shalt  }
0x85: {  	_ =	shalt  }
0x86: {  	_ =	shalt  }
0x87: {  	_ =	shalt  }
.Lfunc_end0:
.L_simem_size_0:
called_computation_lowered:
.L_overlay_start_0:
0x88: {  	s2 =	sld [smem:$0x3FD9]  }
0x89: {  	s3 =	sld [smem:$0x3FFE];
	_ =	sdelay $0x1  }
0x8a: {  	s1 =	srdreg.scid  }
0x8b: {  	s0 =	sand.u32 $0x1, s1  }
0x8c: {  	s17 =	sshll.u32 s0, $0xA;
	s2 =	sadd.s32 s3, s2  }
0x8d: {  	s2 =	sadd.s32 s2, s17  }
0x8e: {  	[smem:$0x3FC0] =	sst s2  }
0x8f: {  	_ = 	snop  }
0x90: {  	s2 =	sld [smem:$0x3FC9];
	(tm) =	ssettm $0x1  }
0x91: {  	s18 =	sld [smem:$0x3FFB];
	_ =	sdelay $0x3  }
0x92: {  	_ =	strace s18  }
0x93: {  	s3 =	sld [smem:$0x3FFC];
	_ =	sdelay $0x3  }
0x94: {  	_ =	strace s3  }
0x95: {  	s3 =	sld [smem:$0x3FFD];
	_ =	sdelay $0x3  }
0x96: {  	_ =	strace s3  }
0x97: {  	_ =	strace $0x8FFFFFFF  }
0x98: {  	s19 =	sld [smem:$0x3FDB];
	_ =	sdelay $0x1  }
0x99: {  	s4 =	simm.s32 $_scs_section_size  }
0x9a: {  	s5 =	simm.s32 $_size__tile_overlayer_lowered;
	s6 =	simm.s32 $_tile_overlayer_lowered  }
0x9b: {  	s22 =	simm.s32 $0x1BFF;
	s21 =	sshll.u32 s6, $0x1;
	s3 =	sadd.s32 s4, s19  }
0x9c: {  	s7 =	simm.s32 $0x0;
	s20 =	sshll.u32 s5, $0x1;
	s5 =	sadd.s32 s21, s3  }
0x9d: {  	[timem:s7], [sflag:s22] =	dma.local [hbm:s5], s20  }
0x9e: {  	_ =	swait.ge [sflag:s22], s20  }
0x9f: {  	s4 =	ssub.s32 $0x0, s20;
	[sflag:s22] =	ssyncset.done $0x0  }
0xa0: {  	[sflag:s22] =	ssyncadd.s32 s4;
	_ =	sdelay $0x1  }
0xa1: {  	s23 =	simm.s32 $0x1B8B  }
0xa2: {  	_ =	swait.ge [sflag:s23], $0x1  }
0xa3: {  	[sflag:s23] =	ssyncset.done $0x0  }
0xa4: {  	s25 =	simm.s32 $0x1B8E;
	s24 =	sld [smem:$0x3FFE];
	[sflag:s23] =	ssyncadd.s32 $0xFFFFFFFF  }
0xa5: {  	s26 =	simm.s32 $execute0_lowered;
	[smem:$0x3FD2] =	sst s25  }
0xa6: {  	s5 =	sshll.u32 s26, $0x1;
	_ =	strace $0x80000046;
	[dreg:$0x1] =	wrdreg $0xFFFFFFFF  }
0xa7: {  	s28 =	simm.s32 $_size_execute0_lowered;
	s3 =	sadd.s32 s3, s5;
	[dreg:$0x0] =	wrdreg $0x0  }
0xa8: {  	s5 =	sshll.u32 s28, $0x1;
	[dreg:$0x2] =	wrdreg s3  }
0xa9: {  	[dreg:$0x3] =	wrdreg s5  }
0xaa: {  	[dreg:$0x4] =	wrdreg $0xC0  }
0xab: {  	_ =	task [dreg:s7], $0x5FFFF  }
0xac: {  	[dreg:$0x1] =	wrdreg $0xFFFFFFFF  }
0xad: {  	[dreg:$0x0] =	wrdreg $0x60  }
0xae: {  	[dreg:$0x2] =	wrdreg s2  }
0xaf: {  	[dreg:$0x3] =	wrdreg s24  }
0xb0: {  	[dreg:$0x4] =	wrdreg $0x89000  }
0xb1: {  	[dreg:$0x5] =	wrdreg $0x1C9800  }
0xb2: {  	[dreg:$0x6] =	wrdreg $0x9  }
0xb3: {  	_ =	task.clear_ibuf [dreg:s7], $0x7FFFF;
	_ =	strace $0x90000046  }
0xb4: {  	s29 =	simm.s32 $0x9;
	_ =	strace $0x80000048  }
0xb5: {  	_ =	swait.ge [sflag:s29], $0x1  }
0xb6: {  	[sflag:s29] =	ssyncadd.s32 $0xFFFFFFFF  }
0xb7: {  	_ =	strace $0x90000048  }
0xb8: {  	_ =	sfence  }
0xb9: {  	s30 =	sld [smem:$0x0];
	_ =	sdelay $0x2  }
0xba: {  	s31 =	sshll.u32 s1, $0xD;
	s1 =	sshrl.u32 s1, $0x2  }
0xbb: {  	s3 =	sand.u32 $0x4000, s31;
	s1 =	sadd.s32 s1, s30  }
0xbc: {  	s0 =	sor.u32 s3, s0;
	s1 =	sshll.u32 s1, $0x11  }
0xbd: {  	s0 =	sor.u32 s1, s0  }
0xbe: {  	s0 =	sadd.s32 $0x8F2B, s0  }
0xbf: {  	[sflag:s0] =	ssyncadd.remote.s32 $0x1  }
0xc0: {  	_ =	sfence.sel $0xFFFF  }
0xc1: {  	[dreg:$0x0] =	wrdreg $0xFFFFFFFF;
	(pc) =	sbr.abs _section_cstart, $3  }
0xc2: {  	[dreg:$0x1] =	wrdreg $0xFFFFFFFF  }
0xc3: {  	_ =	task.clear_ibuf [dreg:s7], $0x2FFFF;
	_ =	strace $0x9FFFFFFF  }
0xc4: {  	(tm) =	ssettm $0x7FFFFFFF  }
0xc5: {  	_ =	shalt  }
tec
execute0_lowered:
.L_overlay_start_1:
0x0: {  	(tag) =	ssettag $0x1  }
0x1: {  	s1 =	rddreg [dreg:$0x0]  }
0x2: {  	s0 =	rddreg [dreg:$0x1]  }
0x3: {  	s2 =	rddreg [dreg:$0x2]  }
0x4: {  	s4 =	rddreg [dreg:$0x3];
	s7 =	stileid.u32  }
0x5: {  	s5 =	simm.s32 $0x0;
	s6 =	srdreg.scid;
	s3 =	smul.u32 $0x14000, s7  }
0x6: {  	[smem:$0x7FF] =	sst s5;
	s9 =	smul.u32 $0x280, s7  }
0x7: {  	s8 =	sand.u32 $0x1, s6;
	s6 =	sadd.s32 $0xC600, s0;
	s14 =	smul.u32 $0x4E20, s7  }
0x8: {  	s10 =	sshll.u32 s7, $0x5;
	s18 =	sadd.s32 $0x2800, s0;
	s29 =	smul.u32 $0x50000, s7  }
0x9: {  	s7 =	sshll.u32 s7, $0x6;
	_ =	strace $0x80000047;
	s11 =	smul.u32 $0x140000, s8  }
0xa: {  	s10 =	sadd.s32 s10, s0;
	s26 =	smul.u32 $0x2800, s8;
	s15 =	ssub.s32 $0x2, s8  }
0xb: {  	s16 =	smul.u32 $0x2E80, s8;
	p0 =	seq.s32 s8, $0x0;
	[dreg:$0x6] =	wrdreg s6  }
0xc: {  	s8 =	simm.s32 $0x5D;
	[dreg:$0x7] =	wrdreg s18;
	s12 =	sshrl.u32 s3, $0x3  }
0xd: {  	s13 =	sshrl.u32 s9, $0x3;
	s28 =	sshrl.u32 s15, $0x1;
	s30 =	sshrl.u32 s29, $0x2  }
0xe: {  	s3 =	sadd.s32 s3, s11;
	s12 =	sadd.s32 s12, s0;
	s13 =	sadd.s32 s13, s0  }
0xf: {  	s11 =	sadd.s32 s9, s26;
	s14 =	sadd.s32 s16, s14;
	s9 =	sadd.s32 s9, s4  }
0x10: {  	s3 =	sshrl.u32 s3, $0x3;
	s11 =	sshrl.u32 s11, $0x3;
	[dreg:$0xa] =	wrdreg s9  }
0x11: {  	s3 =	sadd.s32 s3, s0;
	s17 =	sadd.s32 s11, s0;
	s0 =	sadd.s32 s30, s2  }
0x12: {  	s31 =	sadd.s32 $0x16C00, s12;
	[dreg:$0x8] =	wrdreg s0;
	s0 =	sshrl.u32 s14, $0x3  }
0x13: {  	s12 =	sadd.s32 $0x16600, s13;
	[dreg:$0x9] =	wrdreg s31;
	s13 =	sadd.s32 $0x10, s0  }
0x14: {  	s8 =	simm.s32 @!p0 $0x3F;
	[dreg:$0xb] =	wrdreg s12;
	s19 =	sadd.s32 s6, s13  }
0x15: {  	s16 =	sadd.s32 $0x20, s0;
	s20 =	sadd.s32 s18, s13;
	[dreg:$0xc] =	wrdreg s19  }
0x16: {  	s15 =	ssub.s32 s15, s28;
	s21 =	sadd.s32 s6, s16;
	[dreg:$0xd] =	wrdreg s20  }
0x17: {  	s23 =	sadd.s32 $0x30, s0;
	s22 =	sadd.s32 s18, s16;
	[dreg:$0xe] =	wrdreg s21  }
0x18: {  	s11 =	sor.u32 $0x1C05, s7;
	s25 =	sadd.s32 s6, s23;
	[dreg:$0xf] =	wrdreg s22  }
0x19: {  	s24 =	sadd.s32 $0x40, s0;
	s26 =	sadd.s32 s18, s23;
	[dreg:$0x10] =	wrdreg s25  }
0x1a: {  	s30 =	sadd.s32 $0x50, s0;
	s28 =	sadd.s32 s6, s24;
	[dreg:$0x11] =	wrdreg s26  }
0x1b: {  	s31 =	sadd.s32 $0x60, s0;
	s29 =	sadd.s32 s18, s24;
	[dreg:$0x12] =	wrdreg s28  }
0x1c: {  	s13 =	sadd.s32 s6, s30;
	s16 =	sadd.s32 s18, s30;
	[dreg:$0x13] =	wrdreg s29  }
0x1d: {  	s23 =	sadd.s32 s18, s0;
	s30 =	sadd.s32 $0x480, s14;
	[dreg:$0x14] =	wrdreg s13  }
0x1e: {  	[dreg:$0x15] =	wrdreg s16;
	s19 =	sadd.s32 s6, s31;
	s20 =	sadd.s32 s18, s31  }
0x1f: {  	s21 =	sadd.s32 s6, s0;
	s22 =	sshll.u32 s8, $0x7;
	[dreg:$0x19] =	wrdreg s23  }
0x20: {  	s0 =	sadd.s32 $0x70, s0;
	s25 =	sadd.s32 $0x16400, s10;
	s26 =	sadd.s32 $0x3EC00, s3  }
0x21: {  	s28 =	sadd.s32 $0x8EC00, s17;
	s29 =	sadd.s32 $0x400, s14;
	[dreg:$0x16] =	wrdreg s19  }
0x22: {  	s31 =	smax.u32 s15, $0x1;
	s13 =	sshrl.u32 s30, $0x3;
	[dreg:$0x17] =	wrdreg s20  }
0x23: {  	s14 =	simm.s32 $0x5;
	s15 =	simm.s32 $0x80;
	[dreg:$0x18] =	wrdreg s21  }
0x24: {  	s16 =	simm.s32 $0x1;
	s17 =	simm.s32 $0x2;
	[dreg:$0x1c] =	wrdreg s25  }
0x25: {  	s23 =	simm.s32 $0x0;
	s9 =	sadd.s32 $0x380, s22;
	[dreg:$0x1e] =	wrdreg s26  }
0x26: {  	s6 =	sadd.s32 s6, s0;
	s0 =	sadd.s32 s18, s0;
	[dreg:$0x1f] =	wrdreg s28  }
0x27: {  	[smem:$0x7FD] =	sst s31;
	s12 =	sshrl.u32 s29, $0x3;
	s18 =	simm.s32 $0x900  }
0x28: {  	s19 =	simm.s32 $0x4900;
	[dreg:$0x1a] =	wrdreg s6;
	s24 =	sand.u32 $0x300, s9  }
0x29: {  	s20 =	simm.s32 $0x3;
	[dreg:$0x1b] =	wrdreg s0;
	s0 =	sor.u32 $0x400, s24  }
0x2a: {  	v0 =	vimm.f32 $1.000000000e+00;
	s21 =	simm.s32 $0x1C900;
	s22 =	simm.s32 $0x4;
	[dreg:$0x1d] =	wrdreg s0  }
.LBB2_1:
0x2b: {  	s0 =	rddreg [dreg:$0x8]  }
0x2c: {  	s25 =	rddreg [dreg:$0x9];
	s24 =	sshrl.u32 s0, $0x3  }
0x2d: {  	[spmem:s24], [sflag:s11] =	dma.local [hbm:s25], $0x2800  }
0x2e: {  	_ =	swait.ge [sflag:s14], $0x2800  }
0x2f: {  	[sflag:s14] =	ssyncset.done $0x0;
	s26 =	rddreg [dreg:$0xa]  }
0x30: {  	s31 =	rddreg [dreg:$0xb];
	[sflag:s14] =	ssyncadd.s32 $0xFFFFD800;
	s25 =	sshrl.u32 s26, $0x3  }
0x31: {  	[spmem:s25], [sflag:s11] =	dma.local [hbm:s31], $0x50  }
0x32: {  	_ =	swait.ge [sflag:s14], $0x50  }
0x33: {  	[sflag:s14] =	ssyncset.done $0x0  }
0x34: {  	[sflag:s14] =	ssyncadd.s32 $0xFFFFFFB0  }
0x35: {  	[tilespmem:$0x1C900] =	vst v0  }
0x36: {  	[tilespmem:$0x1C910] =	vst v0  }
0x37: {  	[tilespmem:$0x1C920] =	vst v0  }
0x38: {  	[tilespmem:$0x1C930] =	vst v0  }
0x39: {  	[tilespmem:$0x1C940] =	vst v0  }
0x3a: {  	[tilespmem:$0x1C950] =	vst v0  }
0x3b: {  	[tilespmem:$0x1C960] =	vst v0  }
0x3c: {  	s3 =	rddreg [dreg:$0x18];
	[tilespmem:$0x1C970] =	vst v0  }
0x3d: {  	[tilespmem:s5], [sflag:$0x1] =	stream.linear.gather [hbm4b:s3+s5], $0x80, $0x38;
	[tilespmem:$0x1CC00] =	vst v63  }
0x3e: {  	s6 =	rddreg [dreg:$0x19];
	s3 =	simm.s32 $0x400  }
0x3f: {  	[tilespmem:s3], [sflag:$0x2] =	stream.linear.gather [hbm4b:s6+s5], $0x80, $0x38;
	[tilespmem:$0x1CC00] =	vst v63  }
0x40: {  	s7 =	rddreg [dreg:$0xc]  }
0x41: {  	[tilespmem:s15], [sflag:$0x1] =	stream.linear.gather [hbm4b:s7+s5], $0x80, $0x38;
	[tilespmem:$0x1CC00] =	vst v63  }
0x42: {  	s10 =	simm.s32 $0x480;
	s9 =	rddreg [dreg:$0xd]  }
0x43: {  	[tilespmem:s10], [sflag:$0x2] =	stream.linear.gather [hbm4b:s9+s5], $0x80, $0x38;
	[tilespmem:$0x1CC00] =	vst v63  }
0x44: {  	s31 =	simm.s32 $0x100;
	s26 =	rddreg [dreg:$0xe]  }
0x45: {  	[tilespmem:s31], [sflag:$0x1] =	stream.linear.gather [hbm4b:s26+s5], $0x80, $0x38;
	[tilespmem:$0x1CC00] =	vst v63  }
0x46: {  	s6 =	rddreg [dreg:$0xf];
	s7 =	simm.s32 $0x500  }
0x47: {  	[tilespmem:s7], [sflag:$0x2] =	stream.linear.gather [hbm4b:s6+s5], $0x80, $0x38;
	[tilespmem:$0x1CC00] =	vst v63  }
0x48: {  	s9 =	rddreg [dreg:$0x10];
	s10 =	simm.s32 $0x180  }
0x49: {  	[tilespmem:s10], [sflag:$0x1] =	stream.linear.gather [hbm4b:s9+s5], $0x80, $0x38;
	[tilespmem:$0x1CC00] =	vst v63  }
0x4a: {  	s26 =	rddreg [dreg:$0x11];
	s31 =	simm.s32 $0x580  }
0x4b: {  	[tilespmem:s31], [sflag:$0x2] =	stream.linear.gather [hbm4b:s26+s5], $0x80, $0x38;
	[tilespmem:$0x1CC00] =	vst v63  }
0x4c: {  	s6 =	rddreg [dreg:$0x12];
	s7 =	simm.s32 $0x200  }
0x4d: {  	[tilespmem:s7], [sflag:$0x1] =	stream.linear.gather [hbm4b:s6+s5], $0x80, $0x38;
	[tilespmem:$0x1CC00] =	vst v63  }
0x4e: {  	s9 =	rddreg [dreg:$0x13];
	s10 =	simm.s32 $0x600  }
0x4f: {  	[tilespmem:s10], [sflag:$0x2] =	stream.linear.gather [hbm4b:s9+s5], $0x80, $0x38;
	[tilespmem:$0x1CC00] =	vst v63  }
0x50: {  	s26 =	rddreg [dreg:$0x14];
	s31 =	simm.s32 $0x280  }
0x51: {  	[tilespmem:s31], [sflag:$0x1] =	stream.linear.gather [hbm4b:s26+s5], $0x80, $0x38;
	[tilespmem:$0x1CC00] =	vst v63  }
0x52: {  	s6 =	rddreg [dreg:$0x15];
	s7 =	simm.s32 $0x680  }
0x53: {  	[tilespmem:s7], [sflag:$0x2] =	stream.linear.gather [hbm4b:s6+s5], $0x80, $0x38;
	[tilespmem:$0x1CC00] =	vst v63  }
0x54: {  	s9 =	rddreg [dreg:$0x16];
	s10 =	simm.s32 $0x300  }
0x55: {  	[tilespmem:s10], [sflag:$0x1] =	stream.linear.gather [hbm4b:s9+s5], $0x80, $0x38;
	[tilespmem:$0x1CC00] =	vst v63  }
0x56: {  	s26 =	rddreg [dreg:$0x17];
	s31 =	simm.s32 $0x700  }
0x57: {  	[tilespmem:s31], [sflag:$0x2] =	stream.linear.gather [hbm4b:s26+s5], $0x80, $0x38;
	[tilespmem:$0x1CC00] =	vst v63  }
0x58: {  	s3 =	rddreg [dreg:$0x1a];
	s6 =	simm.s32 $0x380  }
0x59: {  	[tilespmem:s6], [sflag:$0x1] =	stream.linear.gather [hbm4b:s3+s5], $0x80, $0x38;
	[tilespmem:$0x1CC00] =	vst v63  }
0x5a: {  	s7 =	rddreg [dreg:$0x1b];
	s9 =	simm.s32 $0x780  }
0x5b: {  	[tilespmem:s9], [sflag:$0x2] =	stream.linear.gather [hbm4b:s7+s5], $0x80, $0x38;
	[tilespmem:$0x1CC00] =	vst v63  }
0x5c: {  	[bflag:$0x0] =	sbarrier.arrive @p0 $0xFFFF  }
0x5d: {  	s3 =	simm.s32 @!p0 $0x0;
	s9 =	simm.s32 @!p0 $0x800;
	s0 =	rddreg [dreg:$0x1c]  }
0x5e: {  	[tilespmem:s9], [sflag:$0x5] =	stream.linear.gather @!p0 [hbm4b:s0+s3], $0x100, $0x38;
	[tilespmem:$0x1CC00] =	vst v63  }
0x5f: {  	s3 =	simm.s32 @!p0 $0x5  }
0x60: {  	_ =	swait.ge @!p0 [sflag:s3], $0x100  }
0x61: {  	[sflag:s3] =	ssyncset.done @!p0 $0x0  }
0x62: {  	[sflag:s3] =	ssyncadd.s32 @!p0 $0xFFFFFF00  }
0x63: {  	s10 =	simm.s32 @!p0 $0x80;
	s26 =	simm.s32 @!p0 $0x900;
	[bflag:$0x0] =	sbarrier.arrive @!p0 $0xFFFF  }
0x64: {  	[tilespmem:s26], [sflag:$0x3] =	stream.indirect.gather @!p0 [hbm4b:s1+s10], $0x80, s9, s10, $0xb8;
	[tilespmem:$0x1CC00] =	vst v63  }
0x65: {  	s9 =	simm.s32 @!p0 $0x3  }
0x66: {  	_ =	swait.ge @!p0 [sflag:s9], $0x4000  }
0x67: {  	[sflag:s9] =	ssyncset.done @!p0 $0x0  }
0x68: {  	[sflag:s9] =	ssyncadd.s32 @!p0 $0xFFFFC000;
	s9 =	simm.s32 @!p0 $0x880  }
0x69: {  	[spmem:s2] =	stream.indirect.scatter.add.f32 @!p0 [tilespmem:s26], [sflag:$0x5], $0x80, s9, s10, $0xb8;
	[tilespmem:$0x1CC00] =	vst v63  }
0x6a: {  	_ =	swait.ge @!p0 [sflag:s3], $0x4000  }
0x6b: {  	[sflag:s3] =	ssyncset.done @!p0 $0x0  }
0x6c: {  	s26 =	simm.s32 @!p0 $0x1C900;
	[sflag:s3] =	ssyncadd.s32 @!p0 $0xFFFFC000  }
0x6d: {  	[spmem:s4] =	stream.indirect.scatter.add.f32 @!p0 [tilespmem:s26], [sflag:$0x5], $0x1, s9, s10, $0xb8;
	[tilespmem:$0x1CC00] =	vst v63  }
0x6e: {  	_ =	swait.ge @!p0 [sflag:s3], $0x80  }
0x6f: {  	[sflag:s3] =	ssyncset.done @!p0 $0x0  }
0x70: {  	[sflag:s3] =	ssyncadd.s32 @!p0 $0xFFFFFF80  }
0x71: {  	_ =	swait.ge [sflag:s16], $0x80  }
0x72: {  	[sflag:s16] =	ssyncset.done $0x0  }
0x73: {  	s3 =	simm.s32 @!p0 $0x1F;
	[sflag:s16] =	ssyncadd.s32 $0xFFFFFF80  }
0x74: {  	s3 =	simm.s32 @p0 $0x2E;
	_ =	swait.ge [sflag:s17], $0x80  }
0x75: {  	s3 =	sshll.u32 s3, $0x8;
	[sflag:s17] =	ssyncset.done $0x0  }
0x76: {  	[dreg:$0x5] =	wrdreg s3;
	[sflag:s17] =	ssyncadd.s32 $0xFFFFFF80  }
0x77: {  	[tilespmem:s18], [sflag:$0x3] =	stream.indirect.gather [hbm4b:s1+s15], $0x80, s5, s15, $0xb8;
	[tilespmem:$0x1CC00] =	vst v63  }
0x78: {  	_ =	swait.ge [sflag:s16], $0x80  }
0x79: {  	[sflag:s16] =	ssyncset.done $0x0  }
0x7a: {  	[sflag:s16] =	ssyncadd.s32 $0xFFFFFF80  }
0x7b: {  	_ =	swait.ge [sflag:s17], $0x80  }
0x7c: {  	s3 =	sand.u32 $0x300, s5;
	[sflag:s17] =	ssyncset.done $0x0  }
0x7d: {  	s28 =	sor.u32 $0x80, s3;
	[sflag:s17] =	ssyncadd.s32 $0xFFFFFF80  }
0x7e: {  	[tilespmem:s19], [sflag:$0x4] =	stream.indirect.gather [hbm4b:s1+s15], $0x80, s28, s15, $0xb8;
	[tilespmem:$0x1CC00] =	vst v63  }
0x7f: {  	_ =	swait.ge [sflag:s20], $0x4000  }
0x80: {  	[sflag:s20] =	ssyncset.done $0x0  }
0x81: {  	s9 =	sor.u32 $0x400, s3;
	[sflag:s20] =	ssyncadd.s32 $0xFFFFC000  }
0x82: {  	[spmem:s2] =	stream.indirect.scatter.add.f32 [tilespmem:s18], [sflag:$0x5], $0x80, s9, s15, $0xb8;
	[tilespmem:$0x1CC00] =	vst v63  }
0x83: {  	_ =	swait.ge [sflag:s14], $0x4000  }
0x84: {  	[sflag:s14] =	ssyncset.done $0x0  }
0x85: {  	[sflag:s14] =	ssyncadd.s32 $0xFFFFC000  }
0x86: {  	[spmem:s4] =	stream.indirect.scatter.add.f32 [tilespmem:s21], [sflag:$0x5], $0x1, s9, s15, $0xb8;
	[tilespmem:$0x1CC00] =	vst v63  }
0x87: {  	p1 =	sle.u32 s8, $0x8;
	_ =	swait.ge [sflag:s14], $0x80  }
0x88: {  	s26 =	simm.s32 @!p1 $0x0;
	[sflag:s14] =	ssyncset.done $0x0;
	s0 =	rddreg [dreg:$0x6]  }
0x89: {  	s6 =	rddreg [dreg:$0x7];
	[sflag:s14] =	ssyncadd.s32 $0xFFFFFF80;
	s10 =	sadd.s32 @!p1 s0, s12  }
0x8a: {  	[tilespmem:s3], [sflag:$0x1] =	stream.linear.gather @!p1 [hbm4b:s10+s26], $0x80, $0x38;
	[tilespmem:$0x1CC00] =	vst v63  }
0x8b: {  	s10 =	sadd.s32 @!p1 s6, s12  }
0x8c: {  	[tilespmem:s9], [sflag:$0x2] =	stream.linear.gather @!p1 [hbm4b:s10+s26], $0x80, $0x38;
	[tilespmem:$0x1CC00] =	vst v63  }
0x8d: {  	_ =	swait.ge [sflag:s16], $0x80  }
0x8e: {  	[sflag:s16] =	ssyncset.done $0x0  }
0x8f: {  	[sflag:s16] =	ssyncadd.s32 $0xFFFFFF80  }
0x90: {  	_ =	swait.ge [sflag:s17], $0x80  }
0x91: {  	s26 =	simm.s32 $0x100;
	[sflag:s17] =	ssyncset.done $0x0  }
0x92: {  	s10 =	sand.u32 $0x300, s26;
	[sflag:s17] =	ssyncadd.s32 $0xFFFFFF80  }
0x93: {  	[tilespmem:s18], [sflag:$0x3] =	stream.indirect.gather [hbm4b:s1+s15], $0x80, s10, s15, $0xb8;
	[tilespmem:$0x1CC00] =	vst v63  }
0x94: {  	_ =	swait.ge [sflag:s22], $0x4000  }
0x95: {  	[sflag:s22] =	ssyncset.done $0x0  }
0x96: {  	s10 =	sor.u32 $0x480, s3;
	[sflag:s22] =	ssyncadd.s32 $0xFFFFC000  }
0x97: {  	[spmem:s2] =	stream.indirect.scatter.add.f32 [tilespmem:s19], [sflag:$0x5], $0x80, s10, s15, $0xb8;
	[tilespmem:$0x1CC00] =	vst v63  }
0x98: {  	_ =	swait.ge [sflag:s14], $0x4000  }
0x99: {  	[sflag:s14] =	ssyncset.done $0x0  }
0x9a: {  	[sflag:s14] =	ssyncadd.s32 $0xFFFFC000  }
0x9b: {  	[spmem:s4] =	stream.indirect.scatter.add.f32 [tilespmem:s21], [sflag:$0x5], $0x1, s10, s15, $0xb8;
	[tilespmem:$0x1CC00] =	vst v63  }
0x9c: {  	_ =	swait.ge [sflag:s14], $0x80  }
0x9d: {  	s31 =	rddreg [dreg:$0x5]  }
0x9e: {  	p2 =	sne.s32 s31, $0x100  }
.Ltmp0:
0x9f: {  	_ = 	snop;
	(pc) =	sbr.rel @!p2 .LBB2_3-.Ltmp0, $4  }
0xa0: {  	s30 =	sadd.s32 $0x20, s6;
	p1 =	sle.u32 s8, $0x9;
	[sflag:s14] =	ssyncset.done $0x0  }
0xa1: {  	s29 =	sadd.s32 @!p1 s0, s13;
	s9 =	simm.s32 @!p1 $0x0;
	[sflag:s14] =	ssyncadd.s32 $0xFFFFFF80  }
0xa2: {  	[tilespmem:s28], [sflag:$0x1] =	stream.linear.gather @!p1 [hbm4b:s29+s9], $0x80, $0x38;
	[tilespmem:$0x1CC00] =	vst v63  }
0xa3: {  	s3 =	sadd.s32 @!p1 s6, s13;
	s28 =	sadd.s32 $0x20, s0;
	s29 =	simm.s32 $0xA  }
.LBB2_2:
0xa4: {  	[tilespmem:s10], [sflag:$0x2] =	stream.linear.gather @!p1 [hbm4b:s3+s9], $0x80, $0x38;
	[tilespmem:$0x1CC00] =	vst v63  }
0xa5: {  	_ =	swait.ge [sflag:s16], $0x80  }
0xa6: {  	[sflag:s16] =	ssyncset.done $0x0  }
0xa7: {  	[sflag:s16] =	ssyncadd.s32 $0xFFFFFF80  }
0xa8: {  	s6 =	smov.u32 s26;
	_ =	swait.ge [sflag:s17], $0x80  }
0xa9: {  	s10 =	sand.u32 $0x300, s6;
	[sflag:s17] =	ssyncset.done $0x0  }
0xaa: {  	s3 =	sor.u32 $0x80, s10;
	[sflag:s17] =	ssyncadd.s32 $0xFFFFFF80  }
0xab: {  	[tilespmem:s19], [sflag:$0x4] =	stream.indirect.gather [hbm4b:s1+s15], $0x80, s3, s15, $0xb8;
	[tilespmem:$0x1CC00] =	vst v63  }
0xac: {  	_ =	swait.ge [sflag:s20], $0x4000  }
0xad: {  	[sflag:s20] =	ssyncset.done $0x0  }
0xae: {  	s0 =	sor.u32 $0x400, s10;
	[sflag:s20] =	ssyncadd.s32 $0xFFFFC000  }
0xaf: {  	[spmem:s2] =	stream.indirect.scatter.add.f32 [tilespmem:s18], [sflag:$0x5], $0x80, s0, s15, $0xb8;
	[tilespmem:$0x1CC00] =	vst v63  }
0xb0: {  	_ =	swait.ge [sflag:s14], $0x4000  }
0xb1: {  	[sflag:s14] =	ssyncset.done $0x0  }
0xb2: {  	[sflag:s14] =	ssyncadd.s32 $0xFFFFC000  }
0xb3: {  	[spmem:s4] =	stream.indirect.scatter.add.f32 [tilespmem:s21], [sflag:$0x5], $0x1, s0, s15, $0xb8;
	[tilespmem:$0x1CC00] =	vst v63  }
0xb4: {  	_ =	swait.ge [sflag:s14], $0x80  }
0xb5: {  	p1 =	sge.u32 s29, s8;
	[sflag:s14] =	ssyncset.done $0x0  }
0xb6: {  	s6 =	sadd.s32 @!p1 s28, s12;
	s7 =	simm.s32 @!p1 $0x0;
	[sflag:s14] =	ssyncadd.s32 $0xFFFFFF80  }
0xb7: {  	[tilespmem:s10], [sflag:$0x1] =	stream.linear.gather @!p1 [hbm4b:s6+s7], $0x80, $0x38;
	[tilespmem:$0x1CC00] =	vst v63  }
0xb8: {  	s6 =	sadd.s32 @!p1 s30, s12  }
0xb9: {  	[tilespmem:s0], [sflag:$0x2] =	stream.linear.gather @!p1 [hbm4b:s6+s7], $0x80, $0x38;
	[tilespmem:$0x1CC00] =	vst v63  }
0xba: {  	_ =	swait.ge [sflag:s16], $0x80  }
0xbb: {  	[sflag:s16] =	ssyncset.done $0x0  }
0xbc: {  	[sflag:s16] =	ssyncadd.s32 $0xFFFFFF80  }
0xbd: {  	_ =	swait.ge [sflag:s17], $0x80  }
0xbe: {  	s26 =	sadd.s32 $0x100, s26;
	[sflag:s17] =	ssyncset.done $0x0  }
0xbf: {  	s7 =	sand.u32 $0x300, s26;
	[sflag:s17] =	ssyncadd.s32 $0xFFFFFF80  }
0xc0: {  	[tilespmem:s18], [sflag:$0x3] =	stream.indirect.gather [hbm4b:s1+s15], $0x80, s7, s15, $0xb8;
	[tilespmem:$0x1CC00] =	vst v63  }
0xc1: {  	_ =	swait.ge [sflag:s22], $0x4000  }
0xc2: {  	[sflag:s22] =	ssyncset.done $0x0  }
0xc3: {  	s10 =	sor.u32 $0x480, s10;
	[sflag:s22] =	ssyncadd.s32 $0xFFFFC000  }
0xc4: {  	[spmem:s2] =	stream.indirect.scatter.add.f32 [tilespmem:s19], [sflag:$0x5], $0x80, s10, s15, $0xb8;
	[tilespmem:$0x1CC00] =	vst v63  }
0xc5: {  	_ =	swait.ge [sflag:s14], $0x4000  }
0xc6: {  	[sflag:s14] =	ssyncset.done $0x0  }
0xc7: {  	[sflag:s14] =	ssyncadd.s32 $0xFFFFC000  }
0xc8: {  	[spmem:s4] =	stream.indirect.scatter.add.f32 [tilespmem:s21], [sflag:$0x5], $0x1, s10, s15, $0xb8;
	[tilespmem:$0x1CC00] =	vst v63  }
0xc9: {  	_ =	swait.ge [sflag:s14], $0x80  }
0xca: {  	s7 =	rddreg [dreg:$0x5]  }
0xcb: {  	s9 =	smov.u32 s29;
	p2 =	sne.s32 s7, s26  }
.Ltmp1:
0xcc: {  	s31 =	smov.u32 s28;
	s6 =	sadd.s32 $0x1, s9;
	(pc) =	sbr.rel @p2 .LBB2_2-.Ltmp1, $4  }
0xcd: {  	s29 =	sadd.s32 $0x2, s29;
	p1 =	sge.u32 s6, s8;
	[sflag:s14] =	ssyncset.done $0x0  }
0xce: {  	s6 =	sadd.s32 @!p1 s31, s13;
	s9 =	simm.s32 @!p1 $0x0;
	[sflag:s14] =	ssyncadd.s32 $0xFFFFFF80  }
0xcf: {  	[tilespmem:s3], [sflag:$0x1] =	stream.linear.gather @!p1 [hbm4b:s6+s9], $0x80, $0x38;
	[tilespmem:$0x1CC00] =	vst v63  }
0xd0: {  	s28 =	sadd.s32 $0x20, s28;
	s3 =	sadd.s32 @!p1 s30, s13;
	s30 =	sadd.s32 $0x20, s30  }
.LBB2_3:
0xd1: {  	[tilespmem:s10], [sflag:$0x2] =	stream.linear.gather @!p1 [hbm4b:s3+s9], $0x80, $0x38;
	[tilespmem:$0x1CC00] =	vst v63  }
0xd2: {  	_ =	swait.ge [sflag:s20], $0x4000  }
0xd3: {  	[sflag:s20] =	ssyncset.done $0x0  }
0xd4: {  	s0 =	rddreg [dreg:$0x1d];
	[sflag:s20] =	ssyncadd.s32 $0xFFFFC000  }
0xd5: {  	[spmem:s2] =	stream.indirect.scatter.add.f32 [tilespmem:s18], [sflag:$0x5], $0x80, s0, s15, $0xb8;
	[tilespmem:$0x1CC00] =	vst v63  }
0xd6: {  	_ =	swait.ge [sflag:s14], $0x4000  }
0xd7: {  	[sflag:s14] =	ssyncset.done $0x0  }
0xd8: {  	[sflag:s14] =	ssyncadd.s32 $0xFFFFC000  }
0xd9: {  	[spmem:s4] =	stream.indirect.scatter.add.f32 [tilespmem:s21], [sflag:$0x5], $0x1, s0, s15, $0xb8;
	[tilespmem:$0x1CC00] =	vst v63  }
0xda: {  	_ =	swait.ge [sflag:s14], $0x80  }
0xdb: {  	[sflag:s14] =	ssyncset.done $0x0  }
0xdc: {  	[sflag:s14] =	ssyncadd.s32 $0xFFFFFF80  }
0xdd: {  	[bflag:$0x0] =	sbarrier.arrive $0xFFFF  }
0xde: {  	s29 =	rddreg [dreg:$0x1e]  }
0xdf: {  	[hbm:s29], [sflag:s11] =	dma.local [spmem:s24], $0x2800  }
0xe0: {  	_ =	swait.ge [sflag:s14], $0x2800  }
0xe1: {  	[sflag:s14] =	ssyncset.done $0x0  }
0xe2: {  	s30 =	rddreg [dreg:$0x1f];
	[sflag:s14] =	ssyncadd.s32 $0xFFFFD800  }
0xe3: {  	[hbm:s30], [sflag:s11] =	dma.local [spmem:s25], $0x50  }
0xe4: {  	_ =	swait.ge [sflag:s14], $0x50  }
0xe5: {  	s31 =	sld [smem:$0x7FD];
	_ =	sdelay $0x1  }
0xe6: {  	s23 =	sadd.s32 $0x1, s23  }
0xe7: {  	p1 =	sne.s32 s23, s31  }
.Ltmp2:
0xe8: {  	_ = 	snop;
	(pc) =	sbr.rel @p1 .LBB2_1-.Ltmp2, $3  }
0xe9: {  	_ =	sdelay $0x1  }
0xea: {  	[sflag:s14] =	ssyncset.done $0x0  }
0xeb: {  	[sflag:s14] =	ssyncadd.s32 $0xFFFFFFB0  }
0xec: {  	_ =	sfence.sel $0x180000  }
0xed: {  	[bflag:$0x0] =	sbarrier.arrive $0xFFFF  }
0xee: {  	_ =	strace $0x90000047  }
0xef: {  	s0 =	stileid.u32;
	[bflag:$0x2] =	sbarrier.arrive $0xFFFF  }
0xf0: {  	p0 =	sne.s32 s0, $0x0;
	s0 =	rddreg [dreg:$0x4]  }
0xf1: {  	s0 =	sadd.s32 @!p0 $0x100000, s0  }
0xf2: {  	[sflag:s0] =	ssyncadd.tile.s32 @!p0 $0x1;
	_ =	shalt  }
.Lfunc_end2:
_tile_overlayer_lowered:
.L_overlay_start_2:
0xf3: {  	(tag) =	ssettag $0x2  }
0xf4: {  	s0 =	rddreg [dreg:$0x0];
	s2 =	stileid.u32  }
0xf5: {  	s1 =	rddreg [dreg:$0x1];
	p0 =	sne.s32 s2, $0x0  }
0xf6: {  	s3 =	rddreg [dreg:$0x2];
	[bflag:$0x3] =	sbarrier.arrive $0xFFFF;
	s2 =	simm.s32 @!p0 $0x1C05  }
0xf7: {  	[timem:s3], [sflag:s2] =	dma.local @!p0 [hbm:s0], s1  }
0xf8: {  	s0 =	simm.s32 @!p0 $0x5  }
0xf9: {  	_ =	swait.ge @!p0 [sflag:s0], s1  }
0xfa: {  	s1 =	ssub.s32 @!p0 $0x0, s1;
	[sflag:s0] =	ssyncset.done @!p0 $0x0  }
0xfb: {  	[sflag:s0] =	ssyncadd.s32 @!p0 s1  }
0xfc: {  	[bflag:$0x3] =	sbarrier.arrive $0xFFFF  }
0xfd: {  	_ =	shalt  }

// kernel: kernel.9.cloned.1.call-start
scs
__scs_entry_jumppad:
0x0: {  	(pc) =	sbr.rel $0x88, $3  }
0x1: {  	(tag) =	ssettag $0x0;
	lr =	simm.s32 $0x1  }
0x2: {  	[smem:$0x3F99] =	sst lr;
	_ =	strace $0xD0000000  }
0x3: {  	_ = 	snop  }
0x4: {  	_ = 	snop  }
0x5: {  	_ = 	snop  }
0x6: {  	_ = 	snop  }
0x7: {  	_ = 	snop  }
__scs_overlays_trampoline_lowered:
0x8: {  	[smem:$0x3FA8] =	sst s0  }
0x9: {  	[smem:$0x3FA9] =	sst s1  }
0xa: {  	[smem:$0x3FAA] =	sst s2  }
0xb: {  	[smem:$0x3FAB] =	sst s3  }
0xc: {  	[smem:$0x3FAC] =	sst s4  }
0xd: {  	[smem:$0x3FAD] =	sst s5  }
0xe: {  	[smem:$0x3FAE] =	sst s6  }
0xf: {  	[smem:$0x3FAF] =	sst s7  }
0x10: {  	[smem:$0x3FB0] =	sst s8  }
0x11: {  	[smem:$0x3FB1] =	sst s9;
	s0 =	simm.s32 @!p0 $0x0  }
0x12: {  	s1 =	sld [smem:$0x3F97];
	s0 =	simm.s32 @p0 $0x1  }
0x13: {  	[smem:$0x3FB2] =	sst s0;
	s0 =	simm.s32 @!p1 $0x0  }
0x14: {  	s2 =	sld [smem:$0x3F96];
	s0 =	simm.s32 @p1 $0x1  }
0x15: {  	[smem:$0x3FB3] =	sst s0;
	s0 =	simm.s32 @!p2 $0x0  }
0x16: {  	s3 =	sld [smem:$0x3FDB];
	s0 =	simm.s32 @p2 $0x1  }
0x17: {  	s4 =	simm.s32 $0x1BF5;
	[smem:$0x3FB5] =	sst s0  }
0x18: {  	s0 =	sld [smem:$0x3F98];
	_ =	swait.ge [sflag:s4], $0x0  }
0x19: {  	s7 =	sld [smem:$0x3F99]  }
0x1a: {  	s8 =	sadd.s32 $0xFFFFE003, lr  }
0x1b: {  	s9 =	sadd.s32 $0xFFFFFEF7, lr;
	s5 =	simm.s32 $0xFFFFFFFF;
	p2 =	slt.u32 s8, $0xFFFFF086  }
0x1c: {  	p1 =	slt.u32 s9, $0xF7A;
	s5 =	simm.s32 @!p2 $0x0  }
0x1d: {  	s5 =	simm.s32 @p1 $0x1;
	p0 =	seq.s32 s7, s2  }
0x1e: {  	s7 =	smul.u32 @!p0 $0xF7A, s2;
	p2 =	seq.s32 @!p0 s5, $0x0  }
0x1f: {  	s9 =	smul.u32 $0xF7A, s1;
	s8 =	simm.s32 @!p0 $0x1BF5;
	p2 =	por !p2, p0  }
0x20: {  	[sflag:s8] =	ssyncset.s32 @!p0 $0xFFFFF086;
	s6 =	sadd.s32 @!p0 s3, s7;
	s7 =	simm.s32 @!p0 $0x108  }
0x21: {  	s3 =	sadd.s32 s3, s9;
	s6 =	sadd.s32 @!p0 $0x88, s6;
	s7 =	simm.s32 @p2 $0x1082  }
0x22: {  	[simem:s7], [sflag:s8] =	dma.local @!p0 [hbm:s6], $0xF7A  }
0x23: {  	s9 =	sor.u32 $0xD0000000, s2;
	s6 =	simm.s32 $0x108;
	_ =	swait.ge @!p0 [sflag:s8], $0x0  }
0x24: {  	s3 =	sadd.s32 $0x88, s3;
	s6 =	simm.s32 @!p1 $0x1082;
	[sflag:s4] =	ssyncset.s32 $0xFFFFF086  }
0x25: {  	[simem:s6], [sflag:s4] =	dma.local [hbm:s3], $0xF7A  }
0x26: {  	[smem:$0x3F99] =	sst s1;
	(tag) =	ssettag s2;
	_ =	strace s9  }
0x27: {  	s1 =	sld [smem:$0x3FA9]  }
0x28: {  	s2 =	sld [smem:$0x3FAA]  }
0x29: {  	s4 =	sld [smem:$0x3FAC]  }
0x2a: {  	p0 =	seq.s32 s5, $0x0;
	s5 =	sld [smem:$0x3FAD]  }
0x2b: {  	s6 =	sld [smem:$0x3FAE]  }
0x2c: {  	s7 =	sld [smem:$0x3FAF]  }
0x2d: {  	s3 =	simm.s32 $0x108;
	s8 =	sld [smem:$0x3FB0]  }
0x2e: {  	s3 =	simm.s32 @!p0 $0x1082;
	s9 =	sld [smem:$0x3FB1]  }
0x2f: {  	lr =	sadd.s32 s0, s3;
	s0 =	sld [smem:$0x3FA8]  }
0x30: {  	s3 =	sld [smem:$0x3FAB]  }
0x31: {  	[smem:$0x3FB4] =	sst s10  }
0x32: {  	s10 =	sld [smem:$0x3FB2];
	_ =	sdelay $0x3  }
0x33: {  	p0 =	seq.s32 s10, $0x1;
	s10 =	sld [smem:$0x3FB4];
	_ =	sdelay $0x3  }
0x34: {  	[smem:$0x3FB4] =	sst s10  }
0x35: {  	s10 =	sld [smem:$0x3FB3];
	_ =	sdelay $0x3  }
0x36: {  	p1 =	seq.s32 s10, $0x1;
	s10 =	sld [smem:$0x3FB4];
	_ =	sdelay $0x3  }
0x37: {  	[smem:$0x3FB4] =	sst s10  }
0x38: {  	s10 =	sld [smem:$0x3FB5]  }
0x39: {  	_ = 	snop;
	(pc) =	sbr.ind lr, $3  }
0x3a: {  	_ = 	snop  }
0x3b: {  	_ = 	snop  }
0x3c: {  	p2 =	seq.s32 s10, $0x1;
	s10 =	sld [smem:$0x3FB4]  }
0x3d: {  	_ =	shalt  }
0x3e: {  	_ =	shalt  }
0x3f: {  	_ =	shalt  }
0x40: {  	_ =	shalt  }
0x41: {  	_ =	shalt  }
0x42: {  	_ =	shalt  }
0x43: {  	_ =	shalt  }
0x44: {  	_ =	shalt  }
0x45: {  	_ =	shalt  }
0x46: {  	_ =	shalt  }
0x47: {  	_ =	shalt  }
0x48: {  	_ =	shalt  }
0x49: {  	_ =	shalt  }
0x4a: {  	_ =	shalt  }
0x4b: {  	_ =	shalt  }
0x4c: {  	_ =	shalt  }
0x4d: {  	_ =	shalt  }
0x4e: {  	_ =	shalt  }
0x4f: {  	_ =	shalt  }
0x50: {  	_ =	shalt  }
0x51: {  	_ =	shalt  }
0x52: {  	_ =	shalt  }
0x53: {  	_ =	shalt  }
0x54: {  	_ =	shalt  }
0x55: {  	_ =	shalt  }
0x56: {  	_ =	shalt  }
0x57: {  	_ =	shalt  }
0x58: {  	_ =	shalt  }
0x59: {  	_ =	shalt  }
0x5a: {  	_ =	shalt  }
0x5b: {  	_ =	shalt  }
0x5c: {  	_ =	shalt  }
0x5d: {  	_ =	shalt  }
0x5e: {  	_ =	shalt  }
0x5f: {  	_ =	shalt  }
0x60: {  	_ =	shalt  }
0x61: {  	_ =	shalt  }
0x62: {  	_ =	shalt  }
0x63: {  	_ =	shalt  }
0x64: {  	_ =	shalt  }
0x65: {  	_ =	shalt  }
0x66: {  	_ =	shalt  }
0x67: {  	_ =	shalt  }
0x68: {  	_ =	shalt  }
0x69: {  	_ =	shalt  }
0x6a: {  	_ =	shalt  }
0x6b: {  	_ =	shalt  }
0x6c: {  	_ =	shalt  }
0x6d: {  	_ =	shalt  }
0x6e: {  	_ =	shalt  }
0x6f: {  	_ =	shalt  }
0x70: {  	_ =	shalt  }
0x71: {  	_ =	shalt  }
0x72: {  	_ =	shalt  }
0x73: {  	_ =	shalt  }
0x74: {  	_ =	shalt  }
0x75: {  	_ =	shalt  }
0x76: {  	_ =	shalt  }
0x77: {  	_ =	shalt  }
0x78: {  	_ =	shalt  }
0x79: {  	_ =	shalt  }
0x7a: {  	_ =	shalt  }
0x7b: {  	_ =	shalt  }
0x7c: {  	_ =	shalt  }
0x7d: {  	_ =	shalt  }
0x7e: {  	_ =	shalt  }
0x7f: {  	_ =	shalt  }
0x80: {  	_ =	shalt  }
0x81: {  	_ =	shalt  }
0x82: {  	_ =	shalt  }
0x83: {  	_ =	shalt  }
0x84: {  	_ =	shalt  }
0x85: {  	_ =	shalt  }
0x86: {  	_ =	shalt  }
0x87: {  	_ =	shalt  }
.Lfunc_end0:
.L_simem_size_0:
called_computation.1_lowered:
.L_overlay_start_0:
0x88: {  	s2 =	sld [smem:$0x3FD9]  }
0x89: {  	s3 =	sld [smem:$0x3FFE];
	_ =	sdelay $0x1  }
0x8a: {  	s1 =	srdreg.scid  }
0x8b: {  	s0 =	sand.u32 $0x1, s1  }
0x8c: {  	s17 =	sshll.u32 s0, $0xA;
	s2 =	sadd.s32 s3, s2  }
0x8d: {  	s2 =	sadd.s32 s2, s17  }
0x8e: {  	[smem:$0x3FC0] =	sst s2  }
0x8f: {  	_ = 	snop  }
0x90: {  	s2 =	sld [smem:$0x3FD0];
	(tm) =	ssettm $0x1  }
0x91: {  	s18 =	sld [smem:$0x3FFB];
	_ =	sdelay $0x3  }
0x92: {  	_ =	strace s18  }
0x93: {  	s3 =	sld [smem:$0x3FFC];
	_ =	sdelay $0x3  }
0x94: {  	_ =	strace s3  }
0x95: {  	s3 =	sld [smem:$0x3FFD];
	_ =	sdelay $0x3  }
0x96: {  	_ =	strace s3  }
0x97: {  	_ =	strace $0x8FFFFFFF  }
0x98: {  	s19 =	sld [smem:$0x3FDB];
	_ =	sdelay $0x1  }
0x99: {  	s4 =	simm.s32 $_scs_section_size  }
0x9a: {  	s5 =	simm.s32 $_size__tile_overlayer_lowered;
	s6 =	simm.s32 $_tile_overlayer_lowered  }
0x9b: {  	s22 =	simm.s32 $0x1BFF;
	s21 =	sshll.u32 s6, $0x1;
	s3 =	sadd.s32 s4, s19  }
0x9c: {  	s7 =	simm.s32 $0x0;
	s20 =	sshll.u32 s5, $0x1;
	s5 =	sadd.s32 s21, s3  }
0x9d: {  	[timem:s7], [sflag:s22] =	dma.local [hbm:s5], s20  }
0x9e: {  	_ =	swait.ge [sflag:s22], s20  }
0x9f: {  	s4 =	ssub.s32 $0x0, s20;
	[sflag:s22] =	ssyncset.done $0x0  }
0xa0: {  	[sflag:s22] =	ssyncadd.s32 s4;
	_ =	sdelay $0x1  }
0xa1: {  	s23 =	simm.s32 $0x1B8B  }
0xa2: {  	_ =	swait.ge [sflag:s23], $0x1  }
0xa3: {  	[sflag:s23] =	ssyncset.done $0x0  }
0xa4: {  	s25 =	simm.s32 $0x1B8E;
	s24 =	sld [smem:$0x3FFE];
	[sflag:s23] =	ssyncadd.s32 $0xFFFFFFFF  }
0xa5: {  	s26 =	simm.s32 $execute0_lowered;
	[smem:$0x3FD2] =	sst s25  }
0xa6: {  	s5 =	sshll.u32 s26, $0x1;
	_ =	strace $0x80000049;
	[dreg:$0x1] =	wrdreg $0xFFFFFFFF  }
0xa7: {  	s28 =	simm.s32 $_size_execute0_lowered;
	s3 =	sadd.s32 s3, s5;
	[dreg:$0x0] =	wrdreg $0x0  }
0xa8: {  	s5 =	sshll.u32 s28, $0x1;
	[dreg:$0x2] =	wrdreg s3  }
0xa9: {  	[dreg:$0x3] =	wrdreg s5  }
0xaa: {  	[dreg:$0x4] =	wrdreg $0xC0  }
0xab: {  	_ =	task [dreg:s7], $0x5FFFF  }
0xac: {  	[dreg:$0x1] =	wrdreg $0xFFFFFFFF  }
0xad: {  	[dreg:$0x0] =	wrdreg $0x60  }
0xae: {  	[dreg:$0x2] =	wrdreg s2  }
0xaf: {  	[dreg:$0x3] =	wrdreg s24  }
0xb0: {  	[dreg:$0x4] =	wrdreg $0x89000  }
0xb1: {  	[dreg:$0x5] =	wrdreg $0x9  }
0xb2: {  	_ =	task.clear_ibuf [dreg:s7], $0x6FFFF;
	_ =	strace $0x90000049  }
0xb3: {  	s29 =	simm.s32 $0x9;
	_ =	strace $0x8000004B  }
0xb4: {  	_ =	swait.ge [sflag:s29], $0x1  }
0xb5: {  	[sflag:s29] =	ssyncadd.s32 $0xFFFFFFFF  }
0xb6: {  	_ =	strace $0x9000004B  }
0xb7: {  	_ =	sfence  }
0xb8: {  	s30 =	sld [smem:$0x0];
	_ =	sdelay $0x2  }
0xb9: {  	s31 =	sshll.u32 s1, $0xD;
	s1 =	sshrl.u32 s1, $0x2  }
0xba: {  	s3 =	sand.u32 $0x4000, s31;
	s1 =	sadd.s32 s1, s30  }
0xbb: {  	s0 =	sor.u32 s3, s0;
	s1 =	sshll.u32 s1, $0x11  }
0xbc: {  	s0 =	sor.u32 s1, s0  }
0xbd: {  	s0 =	sadd.s32 $0x8F2B, s0  }
0xbe: {  	[sflag:s0] =	ssyncadd.remote.s32 $0x1  }
0xbf: {  	_ =	sfence.sel $0xFFFF  }
0xc0: {  	[dreg:$0x0] =	wrdreg $0xFFFFFFFF;
	(pc) =	sbr.abs _section_cstart, $3  }
0xc1: {  	[dreg:$0x1] =	wrdreg $0xFFFFFFFF  }
0xc2: {  	_ =	task.clear_ibuf [dreg:s7], $0x2FFFF;
	_ =	strace $0x9FFFFFFF  }
0xc3: {  	(tm) =	ssettm $0x7FFFFFFF  }
tec
execute0_lowered:
.L_overlay_start_1:
0x0: {  	(tag) =	ssettag $0x1  }
0x1: {  	s1 =	rddreg [dreg:$0x0]  }
0x2: {  	s0 =	rddreg [dreg:$0x1]  }
0x3: {  	s3 =	rddreg [dreg:$0x2];
	s4 =	simm.s32 $0x0;
	s15 =	stileid.u32  }
0x4: {  	s7 =	srdreg.scid;
	[smem:$0x7FF] =	sst s4  }
0x5: {  	s2 =	smul.u32 $0x14000, s15;
	s5 =	sadd.s32 $0xC600, s0;
	s6 =	sadd.s32 $0x2800, s0  }
0x6: {  	s7 =	sand.u32 $0x1, s7;
	s8 =	sshll.u32 s15, $0x5;
	s11 =	smul.u32 $0x4E20, s15  }
0x7: {  	s14 =	smul.u32 $0x50000, s15;
	s24 =	sshll.u32 s15, $0x6;
	_ =	strace $0x8000004A  }
0x8: {  	s10 =	smul.u32 $0x140000, s7;
	s8 =	sadd.s32 s8, s0;
	s22 =	ssub.s32 $0x2, s7  }
0x9: {  	s12 =	smul.u32 $0x2E80, s7;
	p0 =	seq.s32 s7, $0x0;
	s7 =	simm.s32 $0x5D  }
0xa: {  	s9 =	sshrl.u32 s2, $0x3;
	s13 =	sshrl.u32 s22, $0x1;
	s23 =	sshrl.u32 s14, $0x2  }
0xb: {  	s7 =	simm.s32 @!p0 $0x3F;
	s8 =	sadd.s32 $0x16400, s8;
	s9 =	sadd.s32 s9, s0  }
0xc: {  	s2 =	sadd.s32 s2, s10;
	s10 =	sadd.s32 s23, s3;
	[dreg:$0x17] =	wrdreg s8  }
0xd: {  	s11 =	sadd.s32 s12, s11;
	s2 =	sshrl.u32 s2, $0x3;
	[dreg:$0x5] =	wrdreg s10  }
0xe: {  	s12 =	sshrl.u32 s11, $0x3;
	s9 =	sadd.s32 $0x16C00, s9;
	s10 =	sor.u32 $0x1C05, s24  }
0xf: {  	s24 =	sshll.u32 s7, $0x7;
	s0 =	sadd.s32 s2, s0;
	s2 =	ssub.s32 s22, s13  }
0x10: {  	[dreg:$0x6] =	wrdreg s9;
	s25 =	sadd.s32 $0x10, s12;
	s20 =	sadd.s32 s5, s12  }
0x11: {  	s28 =	sadd.s32 $0x20, s12;
	s21 =	sadd.s32 s6, s12;
	[dreg:$0x11] =	wrdreg s20  }
0x12: {  	s30 =	sadd.s32 $0x30, s12;
	s26 =	sadd.s32 s5, s25;
	[dreg:$0x12] =	wrdreg s21  }
0x13: {  	s15 =	sadd.s32 $0x40, s12;
	s13 =	sadd.s32 s6, s25;
	[dreg:$0x7] =	wrdreg s26  }
0x14: {  	s17 =	sadd.s32 $0x50, s12;
	s29 =	sadd.s32 s5, s28;
	[dreg:$0x8] =	wrdreg s13  }
0x15: {  	s22 =	sadd.s32 $0x60, s12;
	s9 =	sadd.s32 s6, s28;
	[dreg:$0x9] =	wrdreg s29  }
0x16: {  	s12 =	sadd.s32 $0x70, s12;
	s14 =	sadd.s32 s5, s30;
	[dreg:$0xa] =	wrdreg s9  }
0x17: {  	s16 =	sadd.s32 s5, s15;
	s18 =	sadd.s32 s5, s17;
	[dreg:$0xb] =	wrdreg s14  }
0x18: {  	s19 =	sadd.s32 s6, s17;
	s23 =	sadd.s32 s5, s22;
	[dreg:$0xd] =	wrdreg s16  }
0x19: {  	s25 =	sadd.s32 $0x380, s24;
	s0 =	sadd.s32 $0x3EC00, s0;
	[dreg:$0xf] =	wrdreg s18  }
0x1a: {  	s31 =	smax.u32 s2, $0x1;
	s17 =	simm.s32 $0x0;
	[dreg:$0x10] =	wrdreg s19  }
0x1b: {  	s13 =	sadd.s32 s6, s30;
	s9 =	sadd.s32 s6, s15;
	[dreg:$0x13] =	wrdreg s23  }
0x1c: {  	s26 =	sadd.s32 s5, s12;
	s12 =	sadd.s32 s6, s12;
	[dreg:$0x19] =	wrdreg s0  }
0x1d: {  	s28 =	sand.u32 $0x300, s25;
	s29 =	sadd.s32 $0x400, s11;
	[dreg:$0xc] =	wrdreg s13  }
0x1e: {  	s30 =	sadd.s32 $0x480, s11;
	s11 =	simm.s32 $0x1;
	[dreg:$0xe] =	wrdreg s9  }
0x1f: {  	s14 =	simm.s32 $0x4900;
	s15 =	simm.s32 $0x3;
	[dreg:$0x15] =	wrdreg s26  }
0x20: {  	s16 =	simm.s32 $0x4;
	s9 =	sadd.s32 s6, s22;
	[dreg:$0x16] =	wrdreg s12  }
0x21: {  	s8 =	sor.u32 $0x400, s28;
	s0 =	sshrl.u32 s29, $0x3;
	s2 =	sshrl.u32 s30, $0x3  }
0x22: {  	s12 =	simm.s32 $0x2;
	s13 =	simm.s32 $0x900;
	[dreg:$0x14] =	wrdreg s9  }
0x23: {  	[dreg:$0x18] =	wrdreg s8;
	s8 =	simm.s32 $0x5;
	s9 =	simm.s32 $0x80  }
.LBB2_1:
0x24: {  	s18 =	rddreg [dreg:$0x5]  }
0x25: {  	s19 =	rddreg [dreg:$0x6];
	s18 =	sshrl.u32 s18, $0x3  }
0x26: {  	[spmem:s18], [sflag:s10] =	dma.local [hbm:s19], $0x2800  }
0x27: {  	_ =	swait.ge [sflag:s8], $0x2800  }
0x28: {  	[sflag:s8] =	ssyncset.done $0x0  }
0x29: {  	s29 =	rddreg [dreg:$0x11];
	[sflag:s8] =	ssyncadd.s32 $0xFFFFD800  }
0x2a: {  	[tilespmem:s4], [sflag:$0x1] =	stream.linear.gather [hbm4b:s29+s4], $0x80, $0x38;
	[tilespmem:$0x1C900] =	vst v63  }
0x2b: {  	s20 =	simm.s32 $0x400;
	s30 =	rddreg [dreg:$0x12]  }
0x2c: {  	[tilespmem:s20], [sflag:$0x2] =	stream.linear.gather [hbm4b:s30+s4], $0x80, $0x38;
	[tilespmem:$0x1C900] =	vst v63  }
0x2d: {  	s21 =	rddreg [dreg:$0x7]  }
0x2e: {  	[tilespmem:s9], [sflag:$0x1] =	stream.linear.gather [hbm4b:s21+s4], $0x80, $0x38;
	[tilespmem:$0x1C900] =	vst v63  }
0x2f: {  	s23 =	simm.s32 $0x480;
	s22 =	rddreg [dreg:$0x8]  }
0x30: {  	[tilespmem:s23], [sflag:$0x2] =	stream.linear.gather [hbm4b:s22+s4], $0x80, $0x38;
	[tilespmem:$0x1C900] =	vst v63  }
0x31: {  	s25 =	simm.s32 $0x100;
	s24 =	rddreg [dreg:$0x9]  }
0x32: {  	[tilespmem:s25], [sflag:$0x1] =	stream.linear.gather [hbm4b:s24+s4], $0x80, $0x38;
	[tilespmem:$0x1C900] =	vst v63  }
0x33: {  	s28 =	simm.s32 $0x500;
	s26 =	rddreg [dreg:$0xa]  }
0x34: {  	[tilespmem:s28], [sflag:$0x2] =	stream.linear.gather [hbm4b:s26+s4], $0x80, $0x38;
	[tilespmem:$0x1C900] =	vst v63  }
0x35: {  	s29 =	rddreg [dreg:$0xb];
	s30 =	simm.s32 $0x180  }
0x36: {  	[tilespmem:s30], [sflag:$0x1] =	stream.linear.gather [hbm4b:s29+s4], $0x80, $0x38;
	[tilespmem:$0x1C900] =	vst v63  }
0x37: {  	s20 =	rddreg [dreg:$0xc];
	s21 =	simm.s32 $0x580  }
0x38: {  	[tilespmem:s21], [sflag:$0x2] =	stream.linear.gather [hbm4b:s20+s4], $0x80, $0x38;
	[tilespmem:$0x1C900] =	vst v63  }
0x39: {  	s22 =	rddreg [dreg:$0xd];
	s23 =	simm.s32 $0x200  }
0x3a: {  	[tilespmem:s23], [sflag:$0x1] =	stream.linear.gather [hbm4b:s22+s4], $0x80, $0x38;
	[tilespmem:$0x1C900] =	vst v63  }
0x3b: {  	s24 =	rddreg [dreg:$0xe];
	s25 =	simm.s32 $0x600  }
0x3c: {  	[tilespmem:s25], [sflag:$0x2] =	stream.linear.gather [hbm4b:s24+s4], $0x80, $0x38;
	[tilespmem:$0x1C900] =	vst v63  }
0x3d: {  	s26 =	rddreg [dreg:$0xf];
	s28 =	simm.s32 $0x280  }
0x3e: {  	[tilespmem:s28], [sflag:$0x1] =	stream.linear.gather [hbm4b:s26+s4], $0x80, $0x38;
	[tilespmem:$0x1C900] =	vst v63  }
0x3f: {  	s29 =	rddreg [dreg:$0x10];
	s30 =	simm.s32 $0x680  }
0x40: {  	[tilespmem:s30], [sflag:$0x2] =	stream.linear.gather [hbm4b:s29+s4], $0x80, $0x38;
	[tilespmem:$0x1C900] =	vst v63  }
0x41: {  	s20 =	rddreg [dreg:$0x13];
	s21 =	simm.s32 $0x300  }
0x42: {  	[tilespmem:s21], [sflag:$0x1] =	stream.linear.gather [hbm4b:s20+s4], $0x80, $0x38;
	[tilespmem:$0x1C900] =	vst v63  }
0x43: {  	s22 =	rddreg [dreg:$0x14];
	s23 =	simm.s32 $0x700  }
0x44: {  	[tilespmem:s23], [sflag:$0x2] =	stream.linear.gather [hbm4b:s22+s4], $0x80, $0x38;
	[tilespmem:$0x1C900] =	vst v63  }
0x45: {  	s24 =	rddreg [dreg:$0x15];
	s25 =	simm.s32 $0x380  }
0x46: {  	[tilespmem:s25], [sflag:$0x1] =	stream.linear.gather [hbm4b:s24+s4], $0x80, $0x38;
	[tilespmem:$0x1C900] =	vst v63  }
0x47: {  	s26 =	rddreg [dreg:$0x16];
	s28 =	simm.s32 $0x780  }
0x48: {  	[tilespmem:s28], [sflag:$0x2] =	stream.linear.gather [hbm4b:s26+s4], $0x80, $0x38;
	[tilespmem:$0x1C900] =	vst v63  }
0x49: {  	[bflag:$0x0] =	sbarrier.arrive @p0 $0xFFFF  }
0x4a: {  	s19 =	simm.s32 @!p0 $0x0;
	s20 =	simm.s32 @!p0 $0x800;
	s21 =	rddreg [dreg:$0x17]  }
0x4b: {  	[tilespmem:s20], [sflag:$0x5] =	stream.linear.gather @!p0 [hbm4b:s21+s19], $0x100, $0x38;
	[tilespmem:$0x1C900] =	vst v63  }
0x4c: {  	s19 =	simm.s32 @!p0 $0x5  }
0x4d: {  	_ =	swait.ge @!p0 [sflag:s19], $0x100  }
0x4e: {  	[sflag:s19] =	ssyncset.done @!p0 $0x0  }
0x4f: {  	[sflag:s19] =	ssyncadd.s32 @!p0 $0xFFFFFF00  }
0x50: {  	s22 =	simm.s32 @!p0 $0x900;
	s21 =	simm.s32 @!p0 $0x80;
	[bflag:$0x0] =	sbarrier.arrive @!p0 $0xFFFF  }
0x51: {  	[tilespmem:s22], [sflag:$0x3] =	stream.indirect.gather @!p0 [hbm4b:s1+s21], $0x80, s20, s21, $0xb8;
	[tilespmem:$0x1C900] =	vst v63  }
0x52: {  	s20 =	simm.s32 @!p0 $0x3  }
0x53: {  	_ =	swait.ge @!p0 [sflag:s20], $0x4000  }
0x54: {  	[sflag:s20] =	ssyncset.done @!p0 $0x0  }
0x55: {  	[sflag:s20] =	ssyncadd.s32 @!p0 $0xFFFFC000;
	s20 =	simm.s32 @!p0 $0x880  }
0x56: {  	[spmem:s3] =	stream.indirect.scatter.add.f32 @!p0 [tilespmem:s22], [sflag:$0x5], $0x80, s20, s21, $0xb8;
	[tilespmem:$0x1C900] =	vst v63  }
0x57: {  	_ =	swait.ge @!p0 [sflag:s19], $0x4000  }
0x58: {  	[sflag:s19] =	ssyncset.done @!p0 $0x0  }
0x59: {  	[sflag:s19] =	ssyncadd.s32 @!p0 $0xFFFFC000  }
0x5a: {  	_ =	swait.ge [sflag:s11], $0x80  }
0x5b: {  	[sflag:s11] =	ssyncset.done $0x0  }
0x5c: {  	s19 =	simm.s32 @!p0 $0x1F;
	[sflag:s11] =	ssyncadd.s32 $0xFFFFFF80  }
0x5d: {  	s19 =	simm.s32 @p0 $0x2E;
	_ =	swait.ge [sflag:s12], $0x80  }
0x5e: {  	s19 =	sshll.u32 s19, $0x8;
	[sflag:s12] =	ssyncset.done $0x0  }
0x5f: {  	[dreg:$0x4] =	wrdreg s19;
	[sflag:s12] =	ssyncadd.s32 $0xFFFFFF80  }
0x60: {  	[tilespmem:s13], [sflag:$0x3] =	stream.indirect.gather [hbm4b:s1+s9], $0x80, s4, s9, $0xb8;
	[tilespmem:$0x1C900] =	vst v63  }
0x61: {  	_ =	swait.ge [sflag:s11], $0x80  }
0x62: {  	[sflag:s11] =	ssyncset.done $0x0  }
0x63: {  	[sflag:s11] =	ssyncadd.s32 $0xFFFFFF80  }
0x64: {  	_ =	swait.ge [sflag:s12], $0x80  }
0x65: {  	s20 =	sand.u32 $0x300, s4;
	[sflag:s12] =	ssyncset.done $0x0  }
0x66: {  	s21 =	sor.u32 $0x80, s20;
	[sflag:s12] =	ssyncadd.s32 $0xFFFFFF80  }
0x67: {  	[tilespmem:s14], [sflag:$0x4] =	stream.indirect.gather [hbm4b:s1+s9], $0x80, s21, s9, $0xb8;
	[tilespmem:$0x1C900] =	vst v63  }
0x68: {  	_ =	swait.ge [sflag:s15], $0x4000  }
0x69: {  	[sflag:s15] =	ssyncset.done $0x0  }
0x6a: {  	s19 =	sor.u32 $0x400, s20;
	[sflag:s15] =	ssyncadd.s32 $0xFFFFC000  }
0x6b: {  	[spmem:s3] =	stream.indirect.scatter.add.f32 [tilespmem:s13], [sflag:$0x5], $0x80, s19, s9, $0xb8;
	[tilespmem:$0x1C900] =	vst v63  }
0x6c: {  	_ =	swait.ge [sflag:s8], $0x4000  }
0x6d: {  	p1 =	sle.u32 s7, $0x8;
	[sflag:s8] =	ssyncset.done $0x0  }
0x6e: {  	s23 =	simm.s32 @!p1 $0x0;
	s22 =	sadd.s32 @!p1 s5, s0;
	[sflag:s8] =	ssyncadd.s32 $0xFFFFC000  }
0x6f: {  	[tilespmem:s20], [sflag:$0x1] =	stream.linear.gather @!p1 [hbm4b:s22+s23], $0x80, $0x38;
	[tilespmem:$0x1C900] =	vst v63  }
0x70: {  	s22 =	sadd.s32 @!p1 s6, s0  }
0x71: {  	[tilespmem:s19], [sflag:$0x2] =	stream.linear.gather @!p1 [hbm4b:s22+s23], $0x80, $0x38;
	[tilespmem:$0x1C900] =	vst v63  }
0x72: {  	_ =	swait.ge [sflag:s11], $0x80  }
0x73: {  	[sflag:s11] =	ssyncset.done $0x0  }
0x74: {  	[sflag:s11] =	ssyncadd.s32 $0xFFFFFF80  }
0x75: {  	_ =	swait.ge [sflag:s12], $0x80  }
0x76: {  	s19 =	simm.s32 $0x100;
	[sflag:s12] =	ssyncset.done $0x0  }
0x77: {  	s29 =	sand.u32 $0x300, s19;
	[sflag:s12] =	ssyncadd.s32 $0xFFFFFF80  }
0x78: {  	[tilespmem:s13], [sflag:$0x3] =	stream.indirect.gather [hbm4b:s1+s9], $0x80, s29, s9, $0xb8;
	[tilespmem:$0x1C900] =	vst v63  }
0x79: {  	_ =	swait.ge [sflag:s16], $0x4000  }
0x7a: {  	[sflag:s16] =	ssyncset.done $0x0  }
0x7b: {  	s26 =	sor.u32 $0x480, s20;
	[sflag:s16] =	ssyncadd.s32 $0xFFFFC000  }
0x7c: {  	[spmem:s3] =	stream.indirect.scatter.add.f32 [tilespmem:s14], [sflag:$0x5], $0x80, s26, s9, $0xb8;
	[tilespmem:$0x1C900] =	vst v63  }
0x7d: {  	_ =	swait.ge [sflag:s8], $0x4000  }
0x7e: {  	s30 =	rddreg [dreg:$0x4]  }
0x7f: {  	p2 =	sne.s32 s30, $0x100  }
.Ltmp0:
0x80: {  	_ = 	snop;
	(pc) =	sbr.rel @!p2 .LBB2_3-.Ltmp0, $4  }
0x81: {  	p1 =	sle.u32 s7, $0x9;
	s22 =	sadd.s32 $0x20, s6;
	[sflag:s8] =	ssyncset.done $0x0  }
0x82: {  	s20 =	sadd.s32 @!p1 s5, s2;
	s23 =	simm.s32 @!p1 $0x0;
	[sflag:s8] =	ssyncadd.s32 $0xFFFFC000  }
0x83: {  	[tilespmem:s21], [sflag:$0x1] =	stream.linear.gather @!p1 [hbm4b:s20+s23], $0x80, $0x38;
	[tilespmem:$0x1C900] =	vst v63  }
0x84: {  	s24 =	sadd.s32 @!p1 s6, s2;
	s20 =	simm.s32 $0xA;
	s21 =	sadd.s32 $0x20, s5  }
.LBB2_2:
0x85: {  	[tilespmem:s26], [sflag:$0x2] =	stream.linear.gather @!p1 [hbm4b:s24+s23], $0x80, $0x38;
	[tilespmem:$0x1C900] =	vst v63  }
0x86: {  	_ =	swait.ge [sflag:s11], $0x80  }
0x87: {  	[sflag:s11] =	ssyncset.done $0x0  }
0x88: {  	[sflag:s11] =	ssyncadd.s32 $0xFFFFFF80  }
0x89: {  	s25 =	smov.u32 s19;
	_ =	swait.ge [sflag:s12], $0x80  }
0x8a: {  	s26 =	sand.u32 $0x300, s25;
	[sflag:s12] =	ssyncset.done $0x0  }
0x8b: {  	s25 =	sor.u32 $0x80, s26;
	[sflag:s12] =	ssyncadd.s32 $0xFFFFFF80  }
0x8c: {  	[tilespmem:s14], [sflag:$0x4] =	stream.indirect.gather [hbm4b:s1+s9], $0x80, s25, s9, $0xb8;
	[tilespmem:$0x1C900] =	vst v63  }
0x8d: {  	_ =	swait.ge [sflag:s15], $0x4000  }
0x8e: {  	[sflag:s15] =	ssyncset.done $0x0  }
0x8f: {  	s28 =	sor.u32 $0x400, s26;
	[sflag:s15] =	ssyncadd.s32 $0xFFFFC000  }
0x90: {  	[spmem:s3] =	stream.indirect.scatter.add.f32 [tilespmem:s13], [sflag:$0x5], $0x80, s28, s9, $0xb8;
	[tilespmem:$0x1C900] =	vst v63  }
0x91: {  	_ =	swait.ge [sflag:s8], $0x4000  }
0x92: {  	p1 =	sge.u32 s20, s7;
	[sflag:s8] =	ssyncset.done $0x0  }
0x93: {  	s29 =	sadd.s32 @!p1 s21, s0;
	s30 =	simm.s32 @!p1 $0x0;
	[sflag:s8] =	ssyncadd.s32 $0xFFFFC000  }
0x94: {  	[tilespmem:s26], [sflag:$0x1] =	stream.linear.gather @!p1 [hbm4b:s29+s30], $0x80, $0x38;
	[tilespmem:$0x1C900] =	vst v63  }
0x95: {  	s29 =	sadd.s32 @!p1 s22, s0  }
0x96: {  	[tilespmem:s28], [sflag:$0x2] =	stream.linear.gather @!p1 [hbm4b:s29+s30], $0x80, $0x38;
	[tilespmem:$0x1C900] =	vst v63  }
0x97: {  	_ =	swait.ge [sflag:s11], $0x80  }
0x98: {  	[sflag:s11] =	ssyncset.done $0x0  }
0x99: {  	[sflag:s11] =	ssyncadd.s32 $0xFFFFFF80  }
0x9a: {  	_ =	swait.ge [sflag:s12], $0x80  }
0x9b: {  	s19 =	sadd.s32 $0x100, s19;
	[sflag:s12] =	ssyncset.done $0x0  }
0x9c: {  	s29 =	sand.u32 $0x300, s19;
	[sflag:s12] =	ssyncadd.s32 $0xFFFFFF80  }
0x9d: {  	[tilespmem:s13], [sflag:$0x3] =	stream.indirect.gather [hbm4b:s1+s9], $0x80, s29, s9, $0xb8;
	[tilespmem:$0x1C900] =	vst v63  }
0x9e: {  	_ =	swait.ge [sflag:s16], $0x4000  }
0x9f: {  	[sflag:s16] =	ssyncset.done $0x0  }
0xa0: {  	s26 =	sor.u32 $0x480, s26;
	[sflag:s16] =	ssyncadd.s32 $0xFFFFC000  }
0xa1: {  	[spmem:s3] =	stream.indirect.scatter.add.f32 [tilespmem:s14], [sflag:$0x5], $0x80, s26, s9, $0xb8;
	[tilespmem:$0x1C900] =	vst v63  }
0xa2: {  	_ =	swait.ge [sflag:s8], $0x4000  }
0xa3: {  	s30 =	rddreg [dreg:$0x4]  }
0xa4: {  	s24 =	smov.u32 s20;
	p2 =	sne.s32 s30, s19  }
.Ltmp1:
0xa5: {  	s23 =	smov.u32 s21;
	s24 =	sadd.s32 $0x1, s24;
	(pc) =	sbr.rel @p2 .LBB2_2-.Ltmp1, $4  }
0xa6: {  	s20 =	sadd.s32 $0x2, s20;
	p1 =	sge.u32 s24, s7;
	[sflag:s8] =	ssyncset.done $0x0  }
0xa7: {  	s24 =	sadd.s32 @!p1 s23, s2;
	s23 =	simm.s32 @!p1 $0x0;
	[sflag:s8] =	ssyncadd.s32 $0xFFFFC000  }
0xa8: {  	[tilespmem:s25], [sflag:$0x1] =	stream.linear.gather @!p1 [hbm4b:s24+s23], $0x80, $0x38;
	[tilespmem:$0x1C900] =	vst v63  }
0xa9: {  	s21 =	sadd.s32 $0x20, s21;
	s24 =	sadd.s32 @!p1 s22, s2;
	s22 =	sadd.s32 $0x20, s22  }
.LBB2_3:
0xaa: {  	[tilespmem:s26], [sflag:$0x2] =	stream.linear.gather @!p1 [hbm4b:s24+s23], $0x80, $0x38;
	[tilespmem:$0x1C900] =	vst v63  }
0xab: {  	_ =	swait.ge [sflag:s15], $0x4000  }
0xac: {  	[sflag:s15] =	ssyncset.done $0x0  }
0xad: {  	s19 =	rddreg [dreg:$0x18];
	[sflag:s15] =	ssyncadd.s32 $0xFFFFC000  }
0xae: {  	[spmem:s3] =	stream.indirect.scatter.add.f32 [tilespmem:s13], [sflag:$0x5], $0x80, s19, s9, $0xb8;
	[tilespmem:$0x1C900] =	vst v63  }
0xaf: {  	_ =	swait.ge [sflag:s8], $0x4000  }
0xb0: {  	[sflag:s8] =	ssyncset.done $0x0  }
0xb1: {  	s17 =	sadd.s32 $0x1, s17;
	[sflag:s8] =	ssyncadd.s32 $0xFFFFC000  }
0xb2: {  	p1 =	sne.s32 s17, s31;
	[bflag:$0x0] =	sbarrier.arrive $0xFFFF  }
.Ltmp2:
0xb3: {  	s30 =	rddreg [dreg:$0x19];
	(pc) =	sbr.rel @p1 .LBB2_1-.Ltmp2, $4  }
0xb4: {  	[hbm:s30], [sflag:s10] =	dma.local [spmem:s18], $0x2800  }
0xb5: {  	_ =	swait.ge [sflag:s8], $0x2800  }
0xb6: {  	[sflag:s8] =	ssyncset.done $0x0  }
0xb7: {  	[sflag:s8] =	ssyncadd.s32 $0xFFFFD800  }
0xb8: {  	_ =	sfence.sel $0x180000  }
0xb9: {  	[bflag:$0x0] =	sbarrier.arrive $0xFFFF  }
0xba: {  	_ =	strace $0x9000004A  }
0xbb: {  	s0 =	stileid.u32;
	[bflag:$0x2] =	sbarrier.arrive $0xFFFF  }
0xbc: {  	p0 =	sne.s32 s0, $0x0;
	s0 =	rddreg [dreg:$0x3]  }
0xbd: {  	s0 =	sadd.s32 @!p0 $0x100000, s0  }
0xbe: {  	[sflag:s0] =	ssyncadd.tile.s32 @!p0 $0x1;
	_ =	shalt  }
.Lfunc_end2:
_tile_overlayer_lowered:
.L_overlay_start_2:
0xbf: {  	(tag) =	ssettag $0x2  }
0xc0: {  	s0 =	rddreg [dreg:$0x0];
	s2 =	stileid.u32  }
0xc1: {  	s1 =	rddreg [dreg:$0x1];
	p0 =	sne.s32 s2, $0x0  }
0xc2: {  	s3 =	rddreg [dreg:$0x2];
	[bflag:$0x3] =	sbarrier.arrive $0xFFFF;
	s2 =	simm.s32 @!p0 $0x1C05  }
0xc3: {  	[timem:s3], [sflag:s2] =	dma.local @!p0 [hbm:s0], s1  }
0xc4: {  	s0 =	simm.s32 @!p0 $0x5  }
0xc5: {  	_ =	swait.ge @!p0 [sflag:s0], s1  }
0xc6: {  	s1 =	ssub.s32 @!p0 $0x0, s1;
	[sflag:s0] =	ssyncset.done @!p0 $0x0  }
0xc7: {  	[sflag:s0] =	ssyncadd.s32 @!p0 s1  }
0xc8: {  	[bflag:$0x3] =	sbarrier.arrive $0xFFFF  }
0xc9: {  	_ =	shalt  }

</sc_bundles>
